<compile_context>
chip_gen: v7x
topology: tpu7x:2x2x1
jax: 0.10.2.dev20260603
libtpu: 0.0.44.dev20260713+nightly
codegen_flags: <defaults>
</compile_context>

<pallas_src>
import jax
import jax.numpy as jnp
from jax import lax
from jax.experimental import pallas as pl
from jax.experimental.pallas import tpu as pltpu
from jax.experimental.pallas import tpu_sc as plsc

NEG_SLOPE = 0.2
NC, NS, LANES = 2, 16, 16
NW = NC * NS
CHUNK = 128
NODE_PAD = 128


def _tc_project(x, W, att2, NP):
    n, D = x.shape

    def body(x_ref, w_ref, a_ref, xp_ref, as_ref, ad_ref):
        xp = jnp.dot(x_ref[...], w_ref[...], preferred_element_type=jnp.float32)
        xp_ref[:n] = xp
        xp_ref[n:] = jnp.zeros((NP - n, D), jnp.float32)
        a2 = lax.dot_general(
            a_ref[...], xp, (((1,), (1,)), ((), ())),
            preferred_element_type=jnp.float32)
        as_ref[:n] = a2[0]
        as_ref[n:] = jnp.zeros((NP - n,), jnp.float32)
        ad_ref[:n] = a2[1]
        ad_ref[n:] = jnp.zeros((NP - n,), jnp.float32)

    return pl.pallas_call(
        body,
        out_shape=[
            jax.ShapeDtypeStruct((NP, D), jnp.float32),
            jax.ShapeDtypeStruct((NP,), jnp.float32),
            jax.ShapeDtypeStruct((NP,), jnp.float32),
        ],
    )(x, W, att2)


def _sc_aggregate(xp, a_srcH, a_dstH, e3, n_nodes, n_edges, n_edges_real,
                  chunks):
    NP, D = xp.shape
    CHUNKS = chunks
    EC = n_edges // CHUNK
    rpt = NP // NS

    def body(xp_hbm, as_hbm, ad_hbm, e_hbm, out_hbm, den_hbm,
             sidx_v, didx_v, asv_v, adv_v, alpha_v, rows_v, den_v,
             accum_sh, den_sh, sem_i, sem_l, sem_g, sem_sr, sem_sd):
        cid = lax.axis_index("c")
        sid = lax.axis_index("s")
        wid = cid * NS + sid

        zeros16 = jnp.zeros((LANES,), jnp.float32)

        def zrow(r, _):
            for c in range(D // LANES):
                rows_v[0, r, pl.ds(c * LANES, LANES)] = zeros16
            return 0

        lax.fori_loop(0, CHUNK, zrow, 0)
        for i in range(CHUNK // LANES):
            alpha_v[0, pl.ds(i * LANES, LANES)] = zeros16
        for off in range(0, rpt, CHUNK):
            cnt = min(CHUNK, rpt - off)
            pltpu.sync_copy(rows_v.at[0, pl.ds(0, cnt)],
                            accum_sh.at[pl.ds(sid * rpt + off, cnt)])
            pltpu.sync_copy(alpha_v.at[0, pl.ds(0, cnt)],
                            den_sh.at[pl.ds(sid * rpt + off, cnt)])
        plsc.subcore_barrier()

        iota16 = lax.iota(jnp.int32, LANES)

        def synth_idx(jj, slot):
            tbase = (wid * CHUNKS + jj) * CHUNK - n_edges
            for i in range(CHUNK // LANES):
                t = tbase + i * LANES + iota16
                v = jnp.where(t < n_nodes, t, t - n_nodes)
                sidx_v[slot, pl.ds(i * LANES, LANES)] = v
                didx_v[slot, pl.ds(i * LANES, LANES)] = v

        def prep_idx(jj, slot, sync):
            g = wid * CHUNKS + jj

            @pl.when(g < EC)
            def _():
                if sync:
                    pltpu.sync_copy(e_hbm.at[0, g], sidx_v.at[slot])
                    pltpu.sync_copy(e_hbm.at[1, g], didx_v.at[slot])
                else:
                    pltpu.async_copy(e_hbm.at[0, g], sidx_v.at[slot],
                                     sem_i.at[slot])
                    pltpu.async_copy(e_hbm.at[1, g], didx_v.at[slot],
                                     sem_i.at[slot])

            @pl.when(g >= EC)
            def _():
                synth_idx(jj, slot)

        def wait_idx(jj, slot):
            g = wid * CHUNKS + jj

            @pl.when(g < EC)
            def _():
                pltpu.make_async_copy(e_hbm.at[0, 0], sidx_v.at[slot],
                                      sem_i.at[slot]).wait()
                pltpu.make_async_copy(e_hbm.at[1, 0], didx_v.at[slot],
                                      sem_i.at[slot]).wait()

        def issue_logit(islot, slot):
            pltpu.async_copy(as_hbm.at[sidx_v.at[islot]], asv_v.at[slot],
                             sem_l.at[slot])
            pltpu.async_copy(ad_hbm.at[didx_v.at[islot]], adv_v.at[slot],
                             sem_l.at[slot])

        def wait_logit(slot):
            pltpu.make_async_copy(as_hbm.at[pl.ds(0, CHUNK)], asv_v.at[slot],
                                  sem_l.at[slot]).wait()
            pltpu.make_async_copy(ad_hbm.at[pl.ds(0, CHUNK)], adv_v.at[slot],
                                  sem_l.at[slot]).wait()

        def issue_rows(islot, slot):
            pltpu.async_copy(xp_hbm.at[sidx_v.at[islot]], rows_v.at[slot],
                             sem_g.at[slot])

        def wait_rows(slot):
            pltpu.make_async_copy(xp_hbm.at[pl.ds(0, CHUNK)], rows_v.at[slot],
                                  sem_g.at[slot]).wait()

        def issue_scatter(islot, slot):
            pltpu.async_copy(rows_v.at[slot], accum_sh.at[didx_v.at[islot]],
                             sem_sr.at[slot], add=True)
            pltpu.async_copy(alpha_v.at[slot], den_sh.at[didx_v.at[islot]],
                             sem_sd.at[slot], add=True)

        def wait_scatter(slot):
            pltpu.make_async_copy(xp_hbm.at[pl.ds(0, CHUNK)], rows_v.at[slot],
                                  sem_sr.at[slot]).wait()
            pltpu.make_async_copy(as_hbm.at[pl.ds(0, CHUNK)], alpha_v.at[slot],
                                  sem_sd.at[slot]).wait()

        prep_idx(0, 0, sync=True)
        prep_idx(1, 1, sync=False)
        issue_logit(0, 0)
        issue_rows(0, 0)

        def chunk_body(j, _):
            b = lax.rem(j, 2)
            nb = 1 - b
            i3 = lax.rem(j, 3)
            i3n = lax.rem(j + 1, 3)
            i3nn = lax.rem(j + 2, 3)

            @pl.when(j >= 1)
            def _():
                wait_scatter(nb)

            @pl.when(j <= CHUNKS - 2)
            def _():
                wait_idx(j + 1, i3n)
                issue_logit(i3n, nb)
                issue_rows(i3n, nb)

            wait_rows(b)
            wait_logit(b)

            @pl.when(j <= CHUNKS - 3)
            def _():
                prep_idx(j + 2, i3nn, sync=False)

            base = (wid * CHUNKS + j) * CHUNK
            for i in range(CHUNK // LANES):
                al = (asv_v[b, pl.ds(i * LANES, LANES)]
                      + adv_v[b, pl.ds(i * LANES, LANES)])
                al = jnp.where(al > 0, al, NEG_SLOPE * al)
                ev = jnp.exp(al)
                eid = base + i * LANES + iota16
                ev = jnp.where(eid < n_edges_real, ev, 0.0)
                alpha_v[b, pl.ds(i * LANES, LANES)] = ev

            def srow(r, _):
                asp = plsc.load_gather(
                    alpha_v,
                    [jnp.broadcast_to(b, (LANES,)).astype(jnp.int32),
                     jnp.broadcast_to(r, (LANES,)).astype(jnp.int32)])
                for c in range(D // LANES):
                    rows_v[b, r, pl.ds(c * LANES, LANES)] = (
                        rows_v[b, r, pl.ds(c * LANES, LANES)] * asp)
                return 0

            lax.fori_loop(0, CHUNK, srow, 0)
            issue_scatter(i3, b)
            return 0

        lax.fori_loop(0, CHUNKS, chunk_body, 0)
        wait_scatter((CHUNKS - 1) % 2)
        plsc.subcore_barrier()

        pltpu.sync_copy(accum_sh.at[pl.ds(sid * rpt, rpt)],
                        out_hbm.at[cid, pl.ds(sid * rpt, rpt)])
        pltpu.sync_copy(den_sh.at[pl.ds(sid * rpt, rpt)], den_v)
        pltpu.sync_copy(den_v, den_hbm.at[pl.ds(cid * NP + sid * rpt, rpt)])

    mesh = plsc.VectorSubcoreMesh(core_axis_name="c", subcore_axis_name="s")
    return pl.kernel(
        body,
        out_type=[
            jax.ShapeDtypeStruct((NC, NP, D), jnp.float32),
            jax.ShapeDtypeStruct((NC * NP,), jnp.float32),
        ],
        mesh=mesh,
        compiler_params=pltpu.CompilerParams(needs_layout_passes=False),
        scratch_types=[
            pltpu.VMEM((3, CHUNK), jnp.int32),
            pltpu.VMEM((3, CHUNK), jnp.int32),
            pltpu.VMEM((2, CHUNK), jnp.float32),
            pltpu.VMEM((2, CHUNK), jnp.float32),
            pltpu.VMEM((2, CHUNK), jnp.float32),
            pltpu.VMEM((2, CHUNK, D), jnp.float32),
            pltpu.VMEM((rpt,), jnp.float32),
            pltpu.VMEM_SHARED((NP, D), jnp.float32),
            pltpu.VMEM_SHARED((NP,), jnp.float32),
            pltpu.SemaphoreType.DMA((3,)),
            pltpu.SemaphoreType.DMA((2,)),
            pltpu.SemaphoreType.DMA((2,)),
            pltpu.SemaphoreType.DMA((2,)),
            pltpu.SemaphoreType.DMA((2,)),
        ],
    )(xp, a_srcH, a_dstH, e3)


def _tc_combine(accd, dend3, bias2, n_real):
    D = bias2.shape[1]

    def body(acc_ref, den_ref, b_ref, o_ref):
        num = acc_ref[0] + acc_ref[1]
        den = den_ref[0] + den_ref[1]
        o_ref[...] = (num[:n_real] / (den[:n_real] + 1e-16)) + b_ref[...]

    return pl.pallas_call(
        body,
        out_shape=jax.ShapeDtypeStruct((n_real, D), jnp.float32),
    )(accd, dend3, bias2)


def kernel(x, edge_index, W, att_src, att_dst, bias):
    n, d_in = x.shape
    e = edge_index.shape[1]

    NP = n + (-n % NODE_PAD)
    att2 = jnp.stack([att_src, att_dst])
    xp, a_src, a_dst = _tc_project(x, W, att2, NP)

    ee = e + n
    chunks = -(-ee // (NW * CHUNK))
    e3 = edge_index.reshape(2, e // CHUNK, CHUNK)

    accd, dend = _sc_aggregate(xp, a_src, a_dst, e3, n, e, ee, chunks)
    dend3 = dend.reshape(NC, NP, 1)
    return _tc_combine(accd, dend3, bias[None, :], n)

# --- scband reference (transcript-rebuilt; emitter-appended) ---
"""Pipeline reference for scband-gatlayer-71743133712500 (READ-ONLY COPY).

The authoritative reference and input builder live on the scoring server;
editing this copy changes nothing except your own understanding.
"""

import jax, jax.numpy as jnp
import numpy as np

N = 10000
E = 320000
D_IN = 128
D_OUT = 128
NEG_SLOPE = 0.2


def setup_inputs(seed: int = 0) -> dict:
    key = jax.random.key(seed)
    k1, k2, k3, k4, k5 = jax.random.split(key, 5)
    x = jax.random.normal(k1, (N, D_IN), dtype=jnp.float32)
    edge_index = jax.random.randint(k2, (2, E), 0, N, dtype=jnp.int32)
    # GATConv parameters (heads=1, concat=True): lin weight, att_src, att_dst, bias
    W = jax.random.normal(k3, (D_IN, D_OUT), dtype=jnp.float32) * 0.05
    att_src = jax.random.normal(k4, (D_OUT,), dtype=jnp.float32) * 0.05
    att_dst = jax.random.normal(k5, (D_OUT,), dtype=jnp.float32) * 0.05
    bias = jnp.zeros((D_OUT,), dtype=jnp.float32)
    return {"x": x, "edge_index": edge_index, "W": W, "att_src": att_src, "att_dst": att_dst, "bias": bias}


def reference(x, edge_index, W, att_src, att_dst, bias):
    n = x.shape[0]
    # linear projection (heads=1)
    xp = x @ W  # [N, D_OUT]
    # add self loops (GATConv add_self_loops=True)
    loop = jnp.arange(n, dtype=edge_index.dtype)
    src = jnp.concatenate([edge_index[0], loop])
    dst = jnp.concatenate([edge_index[1], loop])
    # per-node attention logits
    a_src = (xp * att_src).sum(axis=-1)  # [N]
    a_dst = (xp * att_dst).sum(axis=-1)  # [N]
    alpha = a_src[src] + a_dst[dst]      # [E+N]
    alpha = jnp.where(alpha > 0, alpha, NEG_SLOPE * alpha)  # leaky_relu(0.2)
    # softmax over incoming edges per destination node (segment softmax)
    amax = jax.ops.segment_max(alpha, dst, num_segments=n)
    amax = jnp.where(jnp.isfinite(amax), amax, 0.0)
    alpha = jnp.exp(alpha - jax.lax.stop_gradient(amax)[dst])
    denom = jax.ops.segment_sum(alpha, dst, num_segments=n)
    alpha = alpha / (denom[dst] + 1e-16)
    # weighted message aggregation: scatter-add over destinations
    out = jax.ops.segment_sum(xp[src] * alpha[:, None], dst, num_segments=n)
    return out + bias

if __name__ == "__main__":
    import jax
    _d = setup_inputs()
    print(jax.jit(kernel)(*tuple(_d.values())))

</pallas_src>

<mosaic_0001>
#map = affine_map<(d0, d1) -> (0, 0)>
#map1 = affine_map<(d0, d1) -> (0)>
#map2 = affine_map<(d0, d1) -> (0, 0, 0)>
module attributes {stable_mosaic.version = 14 : i64} {
  func.func @body(%arg0: i32, %arg1: i32, %arg2: memref<10112x128xf32, #tpu.memory_space<hbm>>, %arg3: memref<10112xf32, #tpu.memory_space<hbm>>, %arg4: memref<10112xf32, #tpu.memory_space<hbm>>, %arg5: memref<2x2500x128xi32, #tpu.memory_space<hbm>>, %arg6: memref<2x10112x128xf32, #tpu.memory_space<hbm>>, %arg7: memref<20224xf32, #tpu.memory_space<hbm>>, %arg8: memref<3x128xi32, #tpu.memory_space<vmem>>, %arg9: memref<3x128xi32, #tpu.memory_space<vmem>>, %arg10: memref<2x128xf32, #tpu.memory_space<vmem>>, %arg11: memref<2x128xf32, #tpu.memory_space<vmem>>, %arg12: memref<2x128xf32, #tpu.memory_space<vmem>>, %arg13: memref<2x128x128xf32, #tpu.memory_space<vmem>>, %arg14: memref<632xf32, #tpu.memory_space<vmem>>, %arg15: memref<10112x128xf32, #tpu.memory_space<vmem_shared>>, %arg16: memref<10112xf32, #tpu.memory_space<vmem_shared>>, %arg17: memref<3x!tpu.dma_semaphore, #tpu.memory_space<semaphore_mem>>, %arg18: memref<2x!tpu.dma_semaphore, #tpu.memory_space<semaphore_mem>>, %arg19: memref<2x!tpu.dma_semaphore, #tpu.memory_space<semaphore_mem>>, %arg20: memref<2x!tpu.dma_semaphore, #tpu.memory_space<semaphore_mem>>, %arg21: memref<2x!tpu.dma_semaphore, #tpu.memory_space<semaphore_mem>>) attributes {dimension_semantics = [#tpu.dimension_semantics<core_parallel>, #tpu.dimension_semantics<subcore_parallel>], iteration_bounds = array<i64: 2, 16>, scalar_prefetch = 0 : i64, scratch_operands = 14 : i64, tpu.core_type = #tpu.core_type<sc_vector_subcore>, window_params = [{transform_indices = #map}, {transform_indices = #map1}, {transform_indices = #map1}, {transform_indices = #map2}, {transform_indices = #map2}, {transform_indices = #map1}]} {
    %mul3A = arith.constant 16 : i32
    %mul3A_0 = arith.muli %arg0, %mul3A : i32
    %add3A = arith.addi %mul3A_0, %arg1 : i32
    %broadcast_in_dim3A = arith.constant 0.000000e+00 : f32
    %broadcast_in_dim3A_1 = vector.broadcast %broadcast_in_dim3A : f32 to vector<16xf32>
    %scan3A = arith.constant 0 : i32
    %scan3A_2 = arith.constant 0 : i32
    %scan3A_3 = arith.constant 128 : i32
    %scan3A_4 = arith.addi %scan3A_2, %scan3A_3 : i32
    %scan3A_5 = arith.constant 1 : i32
    %scan3A_6 = scf.for %scan3A_202 = %scan3A_2 to %scan3A_4 step %scan3A_5 iter_args(%scan3A_203 = %scan3A) -> (i32)  : i32 {
      %swap3A_204 = arith.constant 0 : i32
      %swap3A_205 = arith.index_cast %swap3A_204 : i32 to index
      %swap3A_206 = arith.index_cast %scan3A_202 : i32 to index
      %swap3A_207 = arith.constant 0 : index
      %swap3A_208 = tpu.vector_load %arg13[%swap3A_205, %swap3A_206, %swap3A_207] {strides = array<i32>} : memref<2x128x128xf32, #tpu.memory_space<vmem>>, vector<16xf32>,
      tpu.vector_store %arg13[%swap3A_205, %swap3A_206, %swap3A_207], %broadcast_in_dim3A_1 {strides = array<i32>} : memref<2x128x128xf32, #tpu.memory_space<vmem>>, vector<16xf32>,
      %swap3A_209 = arith.constant 0 : i32
      %swap3A_210 = arith.index_cast %swap3A_209 : i32 to index
      %swap3A_211 = arith.index_cast %scan3A_202 : i32 to index
      %swap3A_212 = arith.constant 16 : index
      %swap3A_213 = tpu.vector_load %arg13[%swap3A_210, %swap3A_211, %swap3A_212] {strides = array<i32>} : memref<2x128x128xf32, #tpu.memory_space<vmem>>, vector<16xf32>,
      tpu.vector_store %arg13[%swap3A_210, %swap3A_211, %swap3A_212], %broadcast_in_dim3A_1 {strides = array<i32>} : memref<2x128x128xf32, #tpu.memory_space<vmem>>, vector<16xf32>,
      %swap3A_214 = arith.constant 0 : i32
      %swap3A_215 = arith.index_cast %swap3A_214 : i32 to index
      %swap3A_216 = arith.index_cast %scan3A_202 : i32 to index
      %swap3A_217 = arith.constant 32 : index
      %swap3A_218 = tpu.vector_load %arg13[%swap3A_215, %swap3A_216, %swap3A_217] {strides = array<i32>} : memref<2x128x128xf32, #tpu.memory_space<vmem>>, vector<16xf32>,
      tpu.vector_store %arg13[%swap3A_215, %swap3A_216, %swap3A_217], %broadcast_in_dim3A_1 {strides = array<i32>} : memref<2x128x128xf32, #tpu.memory_space<vmem>>, vector<16xf32>,
      %swap3A_219 = arith.constant 0 : i32
      %swap3A_220 = arith.index_cast %swap3A_219 : i32 to index
      %swap3A_221 = arith.index_cast %scan3A_202 : i32 to index
      %swap3A_222 = arith.constant 48 : index
      %swap3A_223 = tpu.vector_load %arg13[%swap3A_220, %swap3A_221, %swap3A_222] {strides = array<i32>} : memref<2x128x128xf32, #tpu.memory_space<vmem>>, vector<16xf32>,
      tpu.vector_store %arg13[%swap3A_220, %swap3A_221, %swap3A_222], %broadcast_in_dim3A_1 {strides = array<i32>} : memref<2x128x128xf32, #tpu.memory_space<vmem>>, vector<16xf32>,
      %swap3A_224 = arith.constant 0 : i32
      %swap3A_225 = arith.index_cast %swap3A_224 : i32 to index
      %swap3A_226 = arith.index_cast %scan3A_202 : i32 to index
      %swap3A_227 = arith.constant 64 : index
      %swap3A_228 = tpu.vector_load %arg13[%swap3A_225, %swap3A_226, %swap3A_227] {strides = array<i32>} : memref<2x128x128xf32, #tpu.memory_space<vmem>>, vector<16xf32>,
      tpu.vector_store %arg13[%swap3A_225, %swap3A_226, %swap3A_227], %broadcast_in_dim3A_1 {strides = array<i32>} : memref<2x128x128xf32, #tpu.memory_space<vmem>>, vector<16xf32>,
      %swap3A_229 = arith.constant 0 : i32
      %swap3A_230 = arith.index_cast %swap3A_229 : i32 to index
      %swap3A_231 = arith.index_cast %scan3A_202 : i32 to index
      %swap3A_232 = arith.constant 80 : index
      %swap3A_233 = tpu.vector_load %arg13[%swap3A_230, %swap3A_231, %swap3A_232] {strides = array<i32>} : memref<2x128x128xf32, #tpu.memory_space<vmem>>, vector<16xf32>,
      tpu.vector_store %arg13[%swap3A_230, %swap3A_231, %swap3A_232], %broadcast_in_dim3A_1 {strides = array<i32>} : memref<2x128x128xf32, #tpu.memory_space<vmem>>, vector<16xf32>,
      %swap3A_234 = arith.constant 0 : i32
      %swap3A_235 = arith.index_cast %swap3A_234 : i32 to index
      %swap3A_236 = arith.index_cast %scan3A_202 : i32 to index
      %swap3A_237 = arith.constant 96 : index
      %swap3A_238 = tpu.vector_load %arg13[%swap3A_235, %swap3A_236, %swap3A_237] {strides = array<i32>} : memref<2x128x128xf32, #tpu.memory_space<vmem>>, vector<16xf32>,
      tpu.vector_store %arg13[%swap3A_235, %swap3A_236, %swap3A_237], %broadcast_in_dim3A_1 {strides = array<i32>} : memref<2x128x128xf32, #tpu.memory_space<vmem>>, vector<16xf32>,
      %swap3A_239 = arith.constant 0 : i32
      %swap3A_240 = arith.index_cast %swap3A_239 : i32 to index
      %swap3A_241 = arith.index_cast %scan3A_202 : i32 to index
      %swap3A_242 = arith.constant 112 : index
      %swap3A_243 = tpu.vector_load %arg13[%swap3A_240, %swap3A_241, %swap3A_242] {strides = array<i32>} : memref<2x128x128xf32, #tpu.memory_space<vmem>>, vector<16xf32>,
      tpu.vector_store %arg13[%swap3A_240, %swap3A_241, %swap3A_242], %broadcast_in_dim3A_1 {strides = array<i32>} : memref<2x128x128xf32, #tpu.memory_space<vmem>>, vector<16xf32>,
      %scan3A_244 = arith.constant 0 : i32
      scf.yield %scan3A_244 : i32
    }
    %scan3A_7 = arith.constant 128 : i32
    %swap3A = arith.constant 0 : i32
    %swap3A_8 = arith.index_cast %swap3A : i32 to index
    %swap3A_9 = arith.constant 0 : index
    %swap3A_10 = tpu.vector_load %arg12[%swap3A_8, %swap3A_9] {strides = array<i32>} : memref<2x128xf32, #tpu.memory_space<vmem>>, vector<16xf32>,
    tpu.vector_store %arg12[%swap3A_8, %swap3A_9], %broadcast_in_dim3A_1 {strides = array<i32>} : memref<2x128xf32, #tpu.memory_space<vmem>>, vector<16xf32>,
    %swap3A_11 = arith.constant 0 : i32
    %swap3A_12 = arith.index_cast %swap3A_11 : i32 to index
    %swap3A_13 = arith.constant 16 : index
    %swap3A_14 = tpu.vector_load %arg12[%swap3A_12, %swap3A_13] {strides = array<i32>} : memref<2x128xf32, #tpu.memory_space<vmem>>, vector<16xf32>,
    tpu.vector_store %arg12[%swap3A_12, %swap3A_13], %broadcast_in_dim3A_1 {strides = array<i32>} : memref<2x128xf32, #tpu.memory_space<vmem>>, vector<16xf32>,
    %swap3A_15 = arith.constant 0 : i32
    %swap3A_16 = arith.index_cast %swap3A_15 : i32 to index
    %swap3A_17 = arith.constant 32 : index
    %swap3A_18 = tpu.vector_load %arg12[%swap3A_16, %swap3A_17] {strides = array<i32>} : memref<2x128xf32, #tpu.memory_space<vmem>>, vector<16xf32>,
    tpu.vector_store %arg12[%swap3A_16, %swap3A_17], %broadcast_in_dim3A_1 {strides = array<i32>} : memref<2x128xf32, #tpu.memory_space<vmem>>, vector<16xf32>,
    %swap3A_19 = arith.constant 0 : i32
    %swap3A_20 = arith.index_cast %swap3A_19 : i32 to index
    %swap3A_21 = arith.constant 48 : index
    %swap3A_22 = tpu.vector_load %arg12[%swap3A_20, %swap3A_21] {strides = array<i32>} : memref<2x128xf32, #tpu.memory_space<vmem>>, vector<16xf32>,
    tpu.vector_store %arg12[%swap3A_20, %swap3A_21], %broadcast_in_dim3A_1 {strides = array<i32>} : memref<2x128xf32, #tpu.memory_space<vmem>>, vector<16xf32>,
    %swap3A_23 = arith.constant 0 : i32
    %swap3A_24 = arith.index_cast %swap3A_23 : i32 to index
    %swap3A_25 = arith.constant 64 : index
    %swap3A_26 = tpu.vector_load %arg12[%swap3A_24, %swap3A_25] {strides = array<i32>} : memref<2x128xf32, #tpu.memory_space<vmem>>, vector<16xf32>,
    tpu.vector_store %arg12[%swap3A_24, %swap3A_25], %broadcast_in_dim3A_1 {strides = array<i32>} : memref<2x128xf32, #tpu.memory_space<vmem>>, vector<16xf32>,
    %swap3A_27 = arith.constant 0 : i32
    %swap3A_28 = arith.index_cast %swap3A_27 : i32 to index
    %swap3A_29 = arith.constant 80 : index
    %swap3A_30 = tpu.vector_load %arg12[%swap3A_28, %swap3A_29] {strides = array<i32>} : memref<2x128xf32, #tpu.memory_space<vmem>>, vector<16xf32>,
    tpu.vector_store %arg12[%swap3A_28, %swap3A_29], %broadcast_in_dim3A_1 {strides = array<i32>} : memref<2x128xf32, #tpu.memory_space<vmem>>, vector<16xf32>,
    %swap3A_31 = arith.constant 0 : i32
    %swap3A_32 = arith.index_cast %swap3A_31 : i32 to index
    %swap3A_33 = arith.constant 96 : index
    %swap3A_34 = tpu.vector_load %arg12[%swap3A_32, %swap3A_33] {strides = array<i32>} : memref<2x128xf32, #tpu.memory_space<vmem>>, vector<16xf32>,
    tpu.vector_store %arg12[%swap3A_32, %swap3A_33], %broadcast_in_dim3A_1 {strides = array<i32>} : memref<2x128xf32, #tpu.memory_space<vmem>>, vector<16xf32>,
    %swap3A_35 = arith.constant 0 : i32
    %swap3A_36 = arith.index_cast %swap3A_35 : i32 to index
    %swap3A_37 = arith.constant 112 : index
    %swap3A_38 = tpu.vector_load %arg12[%swap3A_36, %swap3A_37] {strides = array<i32>} : memref<2x128xf32, #tpu.memory_space<vmem>>, vector<16xf32>,
    tpu.vector_store %arg12[%swap3A_36, %swap3A_37], %broadcast_in_dim3A_1 {strides = array<i32>} : memref<2x128xf32, #tpu.memory_space<vmem>>, vector<16xf32>,
    %mul3A_39 = arith.constant 632 : i32
    %mul3A_40 = arith.muli %arg1, %mul3A_39 : i32
    %add3A_41 = arith.constant 0 : i32
    %add3A_42 = arith.addi %mul3A_40, %add3A_41 : i32
    %run_scoped3A = arith.constant 0 : i32
    "tpu.region"() ({
      %run_scoped3A_202 = tpu.sem_alloc : memref<!tpu.dma_semaphore, #tpu.memory_space<semaphore_mem>>
      %dma_start3A_203 = arith.constant 0 : i32
      %dma_start3A_204 = arith.constant 0 : i32
      %dma_start3A_205 = tpu.memref_slice %arg13[%run_scoped3A, %dma_start3A_203, %dma_start3A_204] : memref<2x128x128xf32, #tpu.memory_space<vmem>> -> memref<1x128x128xf32, #tpu.memory_space<vmem>>
      %dma_start3A_206 = tpu.memref_squeeze %dma_start3A_205 : memref<1x128x128xf32, #tpu.memory_space<vmem>> -> memref<128x128xf32, #tpu.memory_space<vmem>>
      %dma_start3A_207 = arith.constant 0 : i32
      %dma_start3A_208 = tpu.memref_slice %arg15[%add3A_42, %dma_start3A_207] : memref<10112x128xf32, #tpu.memory_space<vmem_shared>> -> memref<128x128xf32, #tpu.memory_space<vmem_shared>>
      %dma_start3A_209 = arith.constant 0 : i32
      %dma_start3A_210 = tpu.memref_slice %arg15[%add3A_42, %dma_start3A_209] : memref<10112x128xf32, #tpu.memory_space<vmem_shared>> -> memref<128x128xf32, #tpu.memory_space<vmem_shared>>
      %dma_start3A_211 = arith.constant 0 : i32
      %dma_start3A_212 = arith.constant 0 : i32
      %dma_start3A_213 = tpu.memref_slice %arg13[%run_scoped3A, %dma_start3A_211, %dma_start3A_212] : memref<2x128x128xf32, #tpu.memory_space<vmem>> -> memref<1x128x128xf32, #tpu.memory_space<vmem>>
      %dma_start3A_214 = tpu.memref_squeeze %dma_start3A_213 : memref<1x128x128xf32, #tpu.memory_space<vmem>> -> memref<128x128xf32, #tpu.memory_space<vmem>>
      tpu.enqueue_dma source(%dma_start3A_214 : memref<128x128xf32, #tpu.memory_space<vmem>>) target(%dma_start3A_210 : memref<128x128xf32, #tpu.memory_space<vmem_shared>>) target_semaphore(%run_scoped3A_202 : memref<!tpu.dma_semaphore, #tpu.memory_space<semaphore_mem>>)
      %dma_wait3A_215 = arith.constant 0 : i32
      %dma_wait3A_216 = arith.constant 0 : i32
      %dma_wait3A_217 = tpu.memref_slice %arg13[%run_scoped3A, %dma_wait3A_215, %dma_wait3A_216] : memref<2x128x128xf32, #tpu.memory_space<vmem>> -> memref<1x128x128xf32, #tpu.memory_space<vmem>>
      %dma_wait3A_218 = tpu.memref_squeeze %dma_wait3A_217 : memref<1x128x128xf32, #tpu.memory_space<vmem>> -> memref<128x128xf32, #tpu.memory_space<vmem>>
      %dma_wait3A_219 = arith.constant 0 : i32
      %dma_wait3A_220 = tpu.memref_slice %arg15[%add3A_42, %dma_wait3A_219] : memref<10112x128xf32, #tpu.memory_space<vmem_shared>> -> memref<128x128xf32, #tpu.memory_space<vmem_shared>>
      %dma_wait3A_221 = arith.constant 0 : i32
      %dma_wait3A_222 = tpu.memref_slice %arg15[%add3A_42, %dma_wait3A_221] : memref<10112x128xf32, #tpu.memory_space<vmem_shared>> -> memref<128x128xf32, #tpu.memory_space<vmem_shared>>
      %dma_wait3A_223 = arith.constant 0 : i32
      %dma_wait3A_224 = arith.constant 0 : i32
      %dma_wait3A_225 = tpu.memref_slice %arg13[%run_scoped3A, %dma_wait3A_223, %dma_wait3A_224] : memref<2x128x128xf32, #tpu.memory_space<vmem>> -> memref<1x128x128xf32, #tpu.memory_space<vmem>>
      %dma_wait3A_226 = tpu.memref_squeeze %dma_wait3A_225 : memref<1x128x128xf32, #tpu.memory_space<vmem>> -> memref<128x128xf32, #tpu.memory_space<vmem>>
      tpu.wait_dma2 semaphore(%run_scoped3A_202 : memref<!tpu.dma_semaphore, #tpu.memory_space<semaphore_mem>>) src(%dma_wait3A_226 : memref<128x128xf32, #tpu.memory_space<vmem>>) dst(%dma_wait3A_222 : memref<128x128xf32, #tpu.memory_space<vmem_shared>>)
      tpu.yield
    }) : () -> ()
    %mul3A_43 = arith.constant 632 : i32
    %mul3A_44 = arith.muli %arg1, %mul3A_43 : i32
    %add3A_45 = arith.constant 0 : i32
    %add3A_46 = arith.addi %mul3A_44, %add3A_45 : i32
    %run_scoped3A_47 = arith.constant 0 : i32
    "tpu.region"() ({
      %run_scoped3A_202 = tpu.sem_alloc : memref<!tpu.dma_semaphore, #tpu.memory_space<semaphore_mem>>
      %dma_start3A_203 = arith.constant 0 : i32
      %dma_start3A_204 = tpu.memref_slice %arg12[%run_scoped3A_47, %dma_start3A_203] : memref<2x128xf32, #tpu.memory_space<vmem>> -> memref<1x128xf32, #tpu.memory_space<vmem>>
      %dma_start3A_205 = tpu.memref_squeeze %dma_start3A_204 : memref<1x128xf32, #tpu.memory_space<vmem>> -> memref<128xf32, #tpu.memory_space<vmem>>
      %dma_start3A_206 = tpu.memref_slice %arg16[%add3A_46] : memref<10112xf32, #tpu.memory_space<vmem_shared>> -> memref<128xf32, #tpu.memory_space<vmem_shared>>
      %dma_start3A_207 = tpu.memref_slice %arg16[%add3A_46] : memref<10112xf32, #tpu.memory_space<vmem_shared>> -> memref<128xf32, #tpu.memory_space<vmem_shared>>
      %dma_start3A_208 = arith.constant 0 : i32
      %dma_start3A_209 = tpu.memref_slice %arg12[%run_scoped3A_47, %dma_start3A_208] : memref<2x128xf32, #tpu.memory_space<vmem>> -> memref<1x128xf32, #tpu.memory_space<vmem>>
      %dma_start3A_210 = tpu.memref_squeeze %dma_start3A_209 : memref<1x128xf32, #tpu.memory_space<vmem>> -> memref<128xf32, #tpu.memory_space<vmem>>
      tpu.enqueue_dma source(%dma_start3A_210 : memref<128xf32, #tpu.memory_space<vmem>>) target(%dma_start3A_207 : memref<128xf32, #tpu.memory_space<vmem_shared>>) target_semaphore(%run_scoped3A_202 : memref<!tpu.dma_semaphore, #tpu.memory_space<semaphore_mem>>)
      %dma_wait3A_211 = arith.constant 0 : i32
      %dma_wait3A_212 = tpu.memref_slice %arg12[%run_scoped3A_47, %dma_wait3A_211] : memref<2x128xf32, #tpu.memory_space<vmem>> -> memref<1x128xf32, #tpu.memory_space<vmem>>
      %dma_wait3A_213 = tpu.memref_squeeze %dma_wait3A_212 : memref<1x128xf32, #tpu.memory_space<vmem>> -> memref<128xf32, #tpu.memory_space<vmem>>
      %dma_wait3A_214 = tpu.memref_slice %arg16[%add3A_46] : memref<10112xf32, #tpu.memory_space<vmem_shared>> -> memref<128xf32, #tpu.memory_space<vmem_shared>>
      %dma_wait3A_215 = tpu.memref_slice %arg16[%add3A_46] : memref<10112xf32, #tpu.memory_space<vmem_shared>> -> memref<128xf32, #tpu.memory_space<vmem_shared>>
      %dma_wait3A_216 = arith.constant 0 : i32
      %dma_wait3A_217 = tpu.memref_slice %arg12[%run_scoped3A_47, %dma_wait3A_216] : memref<2x128xf32, #tpu.memory_space<vmem>> -> memref<1x128xf32, #tpu.memory_space<vmem>>
      %dma_wait3A_218 = tpu.memref_squeeze %dma_wait3A_217 : memref<1x128xf32, #tpu.memory_space<vmem>> -> memref<128xf32, #tpu.memory_space<vmem>>
      tpu.wait_dma2 semaphore(%run_scoped3A_202 : memref<!tpu.dma_semaphore, #tpu.memory_space<semaphore_mem>>) src(%dma_wait3A_218 : memref<128xf32, #tpu.memory_space<vmem>>) dst(%dma_wait3A_215 : memref<128xf32, #tpu.memory_space<vmem_shared>>)
      tpu.yield
    }) : () -> ()
    %mul3A_48 = arith.constant 632 : i32
    %mul3A_49 = arith.muli %arg1, %mul3A_48 : i32
    %add3A_50 = arith.constant 128 : i32
    %add3A_51 = arith.addi %mul3A_49, %add3A_50 : i32
    %run_scoped3A_52 = arith.constant 0 : i32
    "tpu.region"() ({
      %run_scoped3A_202 = tpu.sem_alloc : memref<!tpu.dma_semaphore, #tpu.memory_space<semaphore_mem>>
      %dma_start3A_203 = arith.constant 0 : i32
      %dma_start3A_204 = arith.constant 0 : i32
      %dma_start3A_205 = tpu.memref_slice %arg13[%run_scoped3A_52, %dma_start3A_203, %dma_start3A_204] : memref<2x128x128xf32, #tpu.memory_space<vmem>> -> memref<1x128x128xf32, #tpu.memory_space<vmem>>
      %dma_start3A_206 = tpu.memref_squeeze %dma_start3A_205 : memref<1x128x128xf32, #tpu.memory_space<vmem>> -> memref<128x128xf32, #tpu.memory_space<vmem>>
      %dma_start3A_207 = arith.constant 0 : i32
      %dma_start3A_208 = tpu.memref_slice %arg15[%add3A_51, %dma_start3A_207] : memref<10112x128xf32, #tpu.memory_space<vmem_shared>> -> memref<128x128xf32, #tpu.memory_space<vmem_shared>>
      %dma_start3A_209 = arith.constant 0 : i32
      %dma_start3A_210 = tpu.memref_slice %arg15[%add3A_51, %dma_start3A_209] : memref<10112x128xf32, #tpu.memory_space<vmem_shared>> -> memref<128x128xf32, #tpu.memory_space<vmem_shared>>
      %dma_start3A_211 = arith.constant 0 : i32
      %dma_start3A_212 = arith.constant 0 : i32
      %dma_start3A_213 = tpu.memref_slice %arg13[%run_scoped3A_52, %dma_start3A_211, %dma_start3A_212] : memref<2x128x128xf32, #tpu.memory_space<vmem>> -> memref<1x128x128xf32, #tpu.memory_space<vmem>>
      %dma_start3A_214 = tpu.memref_squeeze %dma_start3A_213 : memref<1x128x128xf32, #tpu.memory_space<vmem>> -> memref<128x128xf32, #tpu.memory_space<vmem>>
      tpu.enqueue_dma source(%dma_start3A_214 : memref<128x128xf32, #tpu.memory_space<vmem>>) target(%dma_start3A_210 : memref<128x128xf32, #tpu.memory_space<vmem_shared>>) target_semaphore(%run_scoped3A_202 : memref<!tpu.dma_semaphore, #tpu.memory_space<semaphore_mem>>)
      %dma_wait3A_215 = arith.constant 0 : i32
      %dma_wait3A_216 = arith.constant 0 : i32
      %dma_wait3A_217 = tpu.memref_slice %arg13[%run_scoped3A_52, %dma_wait3A_215, %dma_wait3A_216] : memref<2x128x128xf32, #tpu.memory_space<vmem>> -> memref<1x128x128xf32, #tpu.memory_space<vmem>>
      %dma_wait3A_218 = tpu.memref_squeeze %dma_wait3A_217 : memref<1x128x128xf32, #tpu.memory_space<vmem>> -> memref<128x128xf32, #tpu.memory_space<vmem>>
      %dma_wait3A_219 = arith.constant 0 : i32
      %dma_wait3A_220 = tpu.memref_slice %arg15[%add3A_51, %dma_wait3A_219] : memref<10112x128xf32, #tpu.memory_space<vmem_shared>> -> memref<128x128xf32, #tpu.memory_space<vmem_shared>>
      %dma_wait3A_221 = arith.constant 0 : i32
      %dma_wait3A_222 = tpu.memref_slice %arg15[%add3A_51, %dma_wait3A_221] : memref<10112x128xf32, #tpu.memory_space<vmem_shared>> -> memref<128x128xf32, #tpu.memory_space<vmem_shared>>
      %dma_wait3A_223 = arith.constant 0 : i32
      %dma_wait3A_224 = arith.constant 0 : i32
      %dma_wait3A_225 = tpu.memref_slice %arg13[%run_scoped3A_52, %dma_wait3A_223, %dma_wait3A_224] : memref<2x128x128xf32, #tpu.memory_space<vmem>> -> memref<1x128x128xf32, #tpu.memory_space<vmem>>
      %dma_wait3A_226 = tpu.memref_squeeze %dma_wait3A_225 : memref<1x128x128xf32, #tpu.memory_space<vmem>> -> memref<128x128xf32, #tpu.memory_space<vmem>>
      tpu.wait_dma2 semaphore(%run_scoped3A_202 : memref<!tpu.dma_semaphore, #tpu.memory_space<semaphore_mem>>) src(%dma_wait3A_226 : memref<128x128xf32, #tpu.memory_space<vmem>>) dst(%dma_wait3A_222 : memref<128x128xf32, #tpu.memory_space<vmem_shared>>)
      tpu.yield
    }) : () -> ()
    %mul3A_53 = arith.constant 632 : i32
    %mul3A_54 = arith.muli %arg1, %mul3A_53 : i32
    %add3A_55 = arith.constant 128 : i32
    %add3A_56 = arith.addi %mul3A_54, %add3A_55 : i32
    %run_scoped3A_57 = arith.constant 0 : i32
    "tpu.region"() ({
      %run_scoped3A_202 = tpu.sem_alloc : memref<!tpu.dma_semaphore, #tpu.memory_space<semaphore_mem>>
      %dma_start3A_203 = arith.constant 0 : i32
      %dma_start3A_204 = tpu.memref_slice %arg12[%run_scoped3A_57, %dma_start3A_203] : memref<2x128xf32, #tpu.memory_space<vmem>> -> memref<1x128xf32, #tpu.memory_space<vmem>>
      %dma_start3A_205 = tpu.memref_squeeze %dma_start3A_204 : memref<1x128xf32, #tpu.memory_space<vmem>> -> memref<128xf32, #tpu.memory_space<vmem>>
      %dma_start3A_206 = tpu.memref_slice %arg16[%add3A_56] : memref<10112xf32, #tpu.memory_space<vmem_shared>> -> memref<128xf32, #tpu.memory_space<vmem_shared>>
      %dma_start3A_207 = tpu.memref_slice %arg16[%add3A_56] : memref<10112xf32, #tpu.memory_space<vmem_shared>> -> memref<128xf32, #tpu.memory_space<vmem_shared>>
      %dma_start3A_208 = arith.constant 0 : i32
      %dma_start3A_209 = tpu.memref_slice %arg12[%run_scoped3A_57, %dma_start3A_208] : memref<2x128xf32, #tpu.memory_space<vmem>> -> memref<1x128xf32, #tpu.memory_space<vmem>>
      %dma_start3A_210 = tpu.memref_squeeze %dma_start3A_209 : memref<1x128xf32, #tpu.memory_space<vmem>> -> memref<128xf32, #tpu.memory_space<vmem>>
      tpu.enqueue_dma source(%dma_start3A_210 : memref<128xf32, #tpu.memory_space<vmem>>) target(%dma_start3A_207 : memref<128xf32, #tpu.memory_space<vmem_shared>>) target_semaphore(%run_scoped3A_202 : memref<!tpu.dma_semaphore, #tpu.memory_space<semaphore_mem>>)
      %dma_wait3A_211 = arith.constant 0 : i32
      %dma_wait3A_212 = tpu.memref_slice %arg12[%run_scoped3A_57, %dma_wait3A_211] : memref<2x128xf32, #tpu.memory_space<vmem>> -> memref<1x128xf32, #tpu.memory_space<vmem>>
      %dma_wait3A_213 = tpu.memref_squeeze %dma_wait3A_212 : memref<1x128xf32, #tpu.memory_space<vmem>> -> memref<128xf32, #tpu.memory_space<vmem>>
      %dma_wait3A_214 = tpu.memref_slice %arg16[%add3A_56] : memref<10112xf32, #tpu.memory_space<vmem_shared>> -> memref<128xf32, #tpu.memory_space<vmem_shared>>
      %dma_wait3A_215 = tpu.memref_slice %arg16[%add3A_56] : memref<10112xf32, #tpu.memory_space<vmem_shared>> -> memref<128xf32, #tpu.memory_space<vmem_shared>>
      %dma_wait3A_216 = arith.constant 0 : i32
      %dma_wait3A_217 = tpu.memref_slice %arg12[%run_scoped3A_57, %dma_wait3A_216] : memref<2x128xf32, #tpu.memory_space<vmem>> -> memref<1x128xf32, #tpu.memory_space<vmem>>
      %dma_wait3A_218 = tpu.memref_squeeze %dma_wait3A_217 : memref<1x128xf32, #tpu.memory_space<vmem>> -> memref<128xf32, #tpu.memory_space<vmem>>
      tpu.wait_dma2 semaphore(%run_scoped3A_202 : memref<!tpu.dma_semaphore, #tpu.memory_space<semaphore_mem>>) src(%dma_wait3A_218 : memref<128xf32, #tpu.memory_space<vmem>>) dst(%dma_wait3A_215 : memref<128xf32, #tpu.memory_space<vmem_shared>>)
      tpu.yield
    }) : () -> ()
    %mul3A_58 = arith.constant 632 : i32
    %mul3A_59 = arith.muli %arg1, %mul3A_58 : i32
    %add3A_60 = arith.constant 256 : i32
    %add3A_61 = arith.addi %mul3A_59, %add3A_60 : i32
    %run_scoped3A_62 = arith.constant 0 : i32
    "tpu.region"() ({
      %run_scoped3A_202 = tpu.sem_alloc : memref<!tpu.dma_semaphore, #tpu.memory_space<semaphore_mem>>
      %dma_start3A_203 = arith.constant 0 : i32
      %dma_start3A_204 = arith.constant 0 : i32
      %dma_start3A_205 = tpu.memref_slice %arg13[%run_scoped3A_62, %dma_start3A_203, %dma_start3A_204] : memref<2x128x128xf32, #tpu.memory_space<vmem>> -> memref<1x128x128xf32, #tpu.memory_space<vmem>>
      %dma_start3A_206 = tpu.memref_squeeze %dma_start3A_205 : memref<1x128x128xf32, #tpu.memory_space<vmem>> -> memref<128x128xf32, #tpu.memory_space<vmem>>
      %dma_start3A_207 = arith.constant 0 : i32
      %dma_start3A_208 = tpu.memref_slice %arg15[%add3A_61, %dma_start3A_207] : memref<10112x128xf32, #tpu.memory_space<vmem_shared>> -> memref<128x128xf32, #tpu.memory_space<vmem_shared>>
      %dma_start3A_209 = arith.constant 0 : i32
      %dma_start3A_210 = tpu.memref_slice %arg15[%add3A_61, %dma_start3A_209] : memref<10112x128xf32, #tpu.memory_space<vmem_shared>> -> memref<128x128xf32, #tpu.memory_space<vmem_shared>>
      %dma_start3A_211 = arith.constant 0 : i32
      %dma_start3A_212 = arith.constant 0 : i32
      %dma_start3A_213 = tpu.memref_slice %arg13[%run_scoped3A_62, %dma_start3A_211, %dma_start3A_212] : memref<2x128x128xf32, #tpu.memory_space<vmem>> -> memref<1x128x128xf32, #tpu.memory_space<vmem>>
      %dma_start3A_214 = tpu.memref_squeeze %dma_start3A_213 : memref<1x128x128xf32, #tpu.memory_space<vmem>> -> memref<128x128xf32, #tpu.memory_space<vmem>>
      tpu.enqueue_dma source(%dma_start3A_214 : memref<128x128xf32, #tpu.memory_space<vmem>>) target(%dma_start3A_210 : memref<128x128xf32, #tpu.memory_space<vmem_shared>>) target_semaphore(%run_scoped3A_202 : memref<!tpu.dma_semaphore, #tpu.memory_space<semaphore_mem>>)
      %dma_wait3A_215 = arith.constant 0 : i32
      %dma_wait3A_216 = arith.constant 0 : i32
      %dma_wait3A_217 = tpu.memref_slice %arg13[%run_scoped3A_62, %dma_wait3A_215, %dma_wait3A_216] : memref<2x128x128xf32, #tpu.memory_space<vmem>> -> memref<1x128x128xf32, #tpu.memory_space<vmem>>
      %dma_wait3A_218 = tpu.memref_squeeze %dma_wait3A_217 : memref<1x128x128xf32, #tpu.memory_space<vmem>> -> memref<128x128xf32, #tpu.memory_space<vmem>>
      %dma_wait3A_219 = arith.constant 0 : i32
      %dma_wait3A_220 = tpu.memref_slice %arg15[%add3A_61, %dma_wait3A_219] : memref<10112x128xf32, #tpu.memory_space<vmem_shared>> -> memref<128x128xf32, #tpu.memory_space<vmem_shared>>
      %dma_wait3A_221 = arith.constant 0 : i32
      %dma_wait3A_222 = tpu.memref_slice %arg15[%add3A_61, %dma_wait3A_221] : memref<10112x128xf32, #tpu.memory_space<vmem_shared>> -> memref<128x128xf32, #tpu.memory_space<vmem_shared>>
      %dma_wait3A_223 = arith.constant 0 : i32
      %dma_wait3A_224 = arith.constant 0 : i32
      %dma_wait3A_225 = tpu.memref_slice %arg13[%run_scoped3A_62, %dma_wait3A_223, %dma_wait3A_224] : memref<2x128x128xf32, #tpu.memory_space<vmem>> -> memref<1x128x128xf32, #tpu.memory_space<vmem>>
      %dma_wait3A_226 = tpu.memref_squeeze %dma_wait3A_225 : memref<1x128x128xf32, #tpu.memory_space<vmem>> -> memref<128x128xf32, #tpu.memory_space<vmem>>
      tpu.wait_dma2 semaphore(%run_scoped3A_202 : memref<!tpu.dma_semaphore, #tpu.memory_space<semaphore_mem>>) src(%dma_wait3A_226 : memref<128x128xf32, #tpu.memory_space<vmem>>) dst(%dma_wait3A_222 : memref<128x128xf32, #tpu.memory_space<vmem_shared>>)
      tpu.yield
    }) : () -> ()
    %mul3A_63 = arith.constant 632 : i32
    %mul3A_64 = arith.muli %arg1, %mul3A_63 : i32
    %add3A_65 = arith.constant 256 : i32
    %add3A_66 = arith.addi %mul3A_64, %add3A_65 : i32
    %run_scoped3A_67 = arith.constant 0 : i32
    "tpu.region"() ({
      %run_scoped3A_202 = tpu.sem_alloc : memref<!tpu.dma_semaphore, #tpu.memory_space<semaphore_mem>>
      %dma_start3A_203 = arith.constant 0 : i32
      %dma_start3A_204 = tpu.memref_slice %arg12[%run_scoped3A_67, %dma_start3A_203] : memref<2x128xf32, #tpu.memory_space<vmem>> -> memref<1x128xf32, #tpu.memory_space<vmem>>
      %dma_start3A_205 = tpu.memref_squeeze %dma_start3A_204 : memref<1x128xf32, #tpu.memory_space<vmem>> -> memref<128xf32, #tpu.memory_space<vmem>>
      %dma_start3A_206 = tpu.memref_slice %arg16[%add3A_66] : memref<10112xf32, #tpu.memory_space<vmem_shared>> -> memref<128xf32, #tpu.memory_space<vmem_shared>>
      %dma_start3A_207 = tpu.memref_slice %arg16[%add3A_66] : memref<10112xf32, #tpu.memory_space<vmem_shared>> -> memref<128xf32, #tpu.memory_space<vmem_shared>>
      %dma_start3A_208 = arith.constant 0 : i32
      %dma_start3A_209 = tpu.memref_slice %arg12[%run_scoped3A_67, %dma_start3A_208] : memref<2x128xf32, #tpu.memory_space<vmem>> -> memref<1x128xf32, #tpu.memory_space<vmem>>
      %dma_start3A_210 = tpu.memref_squeeze %dma_start3A_209 : memref<1x128xf32, #tpu.memory_space<vmem>> -> memref<128xf32, #tpu.memory_space<vmem>>
      tpu.enqueue_dma source(%dma_start3A_210 : memref<128xf32, #tpu.memory_space<vmem>>) target(%dma_start3A_207 : memref<128xf32, #tpu.memory_space<vmem_shared>>) target_semaphore(%run_scoped3A_202 : memref<!tpu.dma_semaphore, #tpu.memory_space<semaphore_mem>>)
      %dma_wait3A_211 = arith.constant 0 : i32
      %dma_wait3A_212 = tpu.memref_slice %arg12[%run_scoped3A_67, %dma_wait3A_211] : memref<2x128xf32, #tpu.memory_space<vmem>> -> memref<1x128xf32, #tpu.memory_space<vmem>>
      %dma_wait3A_213 = tpu.memref_squeeze %dma_wait3A_212 : memref<1x128xf32, #tpu.memory_space<vmem>> -> memref<128xf32, #tpu.memory_space<vmem>>
      %dma_wait3A_214 = tpu.memref_slice %arg16[%add3A_66] : memref<10112xf32, #tpu.memory_space<vmem_shared>> -> memref<128xf32, #tpu.memory_space<vmem_shared>>
      %dma_wait3A_215 = tpu.memref_slice %arg16[%add3A_66] : memref<10112xf32, #tpu.memory_space<vmem_shared>> -> memref<128xf32, #tpu.memory_space<vmem_shared>>
      %dma_wait3A_216 = arith.constant 0 : i32
      %dma_wait3A_217 = tpu.memref_slice %arg12[%run_scoped3A_67, %dma_wait3A_216] : memref<2x128xf32, #tpu.memory_space<vmem>> -> memref<1x128xf32, #tpu.memory_space<vmem>>
      %dma_wait3A_218 = tpu.memref_squeeze %dma_wait3A_217 : memref<1x128xf32, #tpu.memory_space<vmem>> -> memref<128xf32, #tpu.memory_space<vmem>>
      tpu.wait_dma2 semaphore(%run_scoped3A_202 : memref<!tpu.dma_semaphore, #tpu.memory_space<semaphore_mem>>) src(%dma_wait3A_218 : memref<128xf32, #tpu.memory_space<vmem>>) dst(%dma_wait3A_215 : memref<128xf32, #tpu.memory_space<vmem_shared>>)
      tpu.yield
    }) : () -> ()
    %mul3A_68 = arith.constant 632 : i32
    %mul3A_69 = arith.muli %arg1, %mul3A_68 : i32
    %add3A_70 = arith.constant 384 : i32
    %add3A_71 = arith.addi %mul3A_69, %add3A_70 : i32
    %run_scoped3A_72 = arith.constant 0 : i32
    "tpu.region"() ({
      %run_scoped3A_202 = tpu.sem_alloc : memref<!tpu.dma_semaphore, #tpu.memory_space<semaphore_mem>>
      %dma_start3A_203 = arith.constant 0 : i32
      %dma_start3A_204 = arith.constant 0 : i32
      %dma_start3A_205 = tpu.memref_slice %arg13[%run_scoped3A_72, %dma_start3A_203, %dma_start3A_204] : memref<2x128x128xf32, #tpu.memory_space<vmem>> -> memref<1x128x128xf32, #tpu.memory_space<vmem>>
      %dma_start3A_206 = tpu.memref_squeeze %dma_start3A_205 : memref<1x128x128xf32, #tpu.memory_space<vmem>> -> memref<128x128xf32, #tpu.memory_space<vmem>>
      %dma_start3A_207 = arith.constant 0 : i32
      %dma_start3A_208 = tpu.memref_slice %arg15[%add3A_71, %dma_start3A_207] : memref<10112x128xf32, #tpu.memory_space<vmem_shared>> -> memref<128x128xf32, #tpu.memory_space<vmem_shared>>
      %dma_start3A_209 = arith.constant 0 : i32
      %dma_start3A_210 = tpu.memref_slice %arg15[%add3A_71, %dma_start3A_209] : memref<10112x128xf32, #tpu.memory_space<vmem_shared>> -> memref<128x128xf32, #tpu.memory_space<vmem_shared>>
      %dma_start3A_211 = arith.constant 0 : i32
      %dma_start3A_212 = arith.constant 0 : i32
      %dma_start3A_213 = tpu.memref_slice %arg13[%run_scoped3A_72, %dma_start3A_211, %dma_start3A_212] : memref<2x128x128xf32, #tpu.memory_space<vmem>> -> memref<1x128x128xf32, #tpu.memory_space<vmem>>
      %dma_start3A_214 = tpu.memref_squeeze %dma_start3A_213 : memref<1x128x128xf32, #tpu.memory_space<vmem>> -> memref<128x128xf32, #tpu.memory_space<vmem>>
      tpu.enqueue_dma source(%dma_start3A_214 : memref<128x128xf32, #tpu.memory_space<vmem>>) target(%dma_start3A_210 : memref<128x128xf32, #tpu.memory_space<vmem_shared>>) target_semaphore(%run_scoped3A_202 : memref<!tpu.dma_semaphore, #tpu.memory_space<semaphore_mem>>)
      %dma_wait3A_215 = arith.constant 0 : i32
      %dma_wait3A_216 = arith.constant 0 : i32
      %dma_wait3A_217 = tpu.memref_slice %arg13[%run_scoped3A_72, %dma_wait3A_215, %dma_wait3A_216] : memref<2x128x128xf32, #tpu.memory_space<vmem>> -> memref<1x128x128xf32, #tpu.memory_space<vmem>>
      %dma_wait3A_218 = tpu.memref_squeeze %dma_wait3A_217 : memref<1x128x128xf32, #tpu.memory_space<vmem>> -> memref<128x128xf32, #tpu.memory_space<vmem>>
      %dma_wait3A_219 = arith.constant 0 : i32
      %dma_wait3A_220 = tpu.memref_slice %arg15[%add3A_71, %dma_wait3A_219] : memref<10112x128xf32, #tpu.memory_space<vmem_shared>> -> memref<128x128xf32, #tpu.memory_space<vmem_shared>>
      %dma_wait3A_221 = arith.constant 0 : i32
      %dma_wait3A_222 = tpu.memref_slice %arg15[%add3A_71, %dma_wait3A_221] : memref<10112x128xf32, #tpu.memory_space<vmem_shared>> -> memref<128x128xf32, #tpu.memory_space<vmem_shared>>
      %dma_wait3A_223 = arith.constant 0 : i32
      %dma_wait3A_224 = arith.constant 0 : i32
      %dma_wait3A_225 = tpu.memref_slice %arg13[%run_scoped3A_72, %dma_wait3A_223, %dma_wait3A_224] : memref<2x128x128xf32, #tpu.memory_space<vmem>> -> memref<1x128x128xf32, #tpu.memory_space<vmem>>
      %dma_wait3A_226 = tpu.memref_squeeze %dma_wait3A_225 : memref<1x128x128xf32, #tpu.memory_space<vmem>> -> memref<128x128xf32, #tpu.memory_space<vmem>>
      tpu.wait_dma2 semaphore(%run_scoped3A_202 : memref<!tpu.dma_semaphore, #tpu.memory_space<semaphore_mem>>) src(%dma_wait3A_226 : memref<128x128xf32, #tpu.memory_space<vmem>>) dst(%dma_wait3A_222 : memref<128x128xf32, #tpu.memory_space<vmem_shared>>)
      tpu.yield
    }) : () -> ()
    %mul3A_73 = arith.constant 632 : i32
    %mul3A_74 = arith.muli %arg1, %mul3A_73 : i32
    %add3A_75 = arith.constant 384 : i32
    %add3A_76 = arith.addi %mul3A_74, %add3A_75 : i32
    %run_scoped3A_77 = arith.constant 0 : i32
    "tpu.region"() ({
      %run_scoped3A_202 = tpu.sem_alloc : memref<!tpu.dma_semaphore, #tpu.memory_space<semaphore_mem>>
      %dma_start3A_203 = arith.constant 0 : i32
      %dma_start3A_204 = tpu.memref_slice %arg12[%run_scoped3A_77, %dma_start3A_203] : memref<2x128xf32, #tpu.memory_space<vmem>> -> memref<1x128xf32, #tpu.memory_space<vmem>>
      %dma_start3A_205 = tpu.memref_squeeze %dma_start3A_204 : memref<1x128xf32, #tpu.memory_space<vmem>> -> memref<128xf32, #tpu.memory_space<vmem>>
      %dma_start3A_206 = tpu.memref_slice %arg16[%add3A_76] : memref<10112xf32, #tpu.memory_space<vmem_shared>> -> memref<128xf32, #tpu.memory_space<vmem_shared>>
      %dma_start3A_207 = tpu.memref_slice %arg16[%add3A_76] : memref<10112xf32, #tpu.memory_space<vmem_shared>> -> memref<128xf32, #tpu.memory_space<vmem_shared>>
      %dma_start3A_208 = arith.constant 0 : i32
      %dma_start3A_209 = tpu.memref_slice %arg12[%run_scoped3A_77, %dma_start3A_208] : memref<2x128xf32, #tpu.memory_space<vmem>> -> memref<1x128xf32, #tpu.memory_space<vmem>>
      %dma_start3A_210 = tpu.memref_squeeze %dma_start3A_209 : memref<1x128xf32, #tpu.memory_space<vmem>> -> memref<128xf32, #tpu.memory_space<vmem>>
      tpu.enqueue_dma source(%dma_start3A_210 : memref<128xf32, #tpu.memory_space<vmem>>) target(%dma_start3A_207 : memref<128xf32, #tpu.memory_space<vmem_shared>>) target_semaphore(%run_scoped3A_202 : memref<!tpu.dma_semaphore, #tpu.memory_space<semaphore_mem>>)
      %dma_wait3A_211 = arith.constant 0 : i32
      %dma_wait3A_212 = tpu.memref_slice %arg12[%run_scoped3A_77, %dma_wait3A_211] : memref<2x128xf32, #tpu.memory_space<vmem>> -> memref<1x128xf32, #tpu.memory_space<vmem>>
      %dma_wait3A_213 = tpu.memref_squeeze %dma_wait3A_212 : memref<1x128xf32, #tpu.memory_space<vmem>> -> memref<128xf32, #tpu.memory_space<vmem>>
      %dma_wait3A_214 = tpu.memref_slice %arg16[%add3A_76] : memref<10112xf32, #tpu.memory_space<vmem_shared>> -> memref<128xf32, #tpu.memory_space<vmem_shared>>
      %dma_wait3A_215 = tpu.memref_slice %arg16[%add3A_76] : memref<10112xf32, #tpu.memory_space<vmem_shared>> -> memref<128xf32, #tpu.memory_space<vmem_shared>>
      %dma_wait3A_216 = arith.constant 0 : i32
      %dma_wait3A_217 = tpu.memref_slice %arg12[%run_scoped3A_77, %dma_wait3A_216] : memref<2x128xf32, #tpu.memory_space<vmem>> -> memref<1x128xf32, #tpu.memory_space<vmem>>
      %dma_wait3A_218 = tpu.memref_squeeze %dma_wait3A_217 : memref<1x128xf32, #tpu.memory_space<vmem>> -> memref<128xf32, #tpu.memory_space<vmem>>
      tpu.wait_dma2 semaphore(%run_scoped3A_202 : memref<!tpu.dma_semaphore, #tpu.memory_space<semaphore_mem>>) src(%dma_wait3A_218 : memref<128xf32, #tpu.memory_space<vmem>>) dst(%dma_wait3A_215 : memref<128xf32, #tpu.memory_space<vmem_shared>>)
      tpu.yield
    }) : () -> ()
    %mul3A_78 = arith.constant 632 : i32
    %mul3A_79 = arith.muli %arg1, %mul3A_78 : i32
    %add3A_80 = arith.constant 512 : i32
    %add3A_81 = arith.addi %mul3A_79, %add3A_80 : i32
    %run_scoped3A_82 = arith.constant 0 : i32
    "tpu.region"() ({
      %run_scoped3A_202 = tpu.sem_alloc : memref<!tpu.dma_semaphore, #tpu.memory_space<semaphore_mem>>
      %dma_start3A_203 = arith.constant 0 : i32
      %dma_start3A_204 = arith.constant 0 : i32
      %dma_start3A_205 = tpu.memref_slice %arg13[%run_scoped3A_82, %dma_start3A_203, %dma_start3A_204] : memref<2x128x128xf32, #tpu.memory_space<vmem>> -> memref<1x120x128xf32, #tpu.memory_space<vmem>>
      %dma_start3A_206 = tpu.memref_squeeze %dma_start3A_205 : memref<1x120x128xf32, #tpu.memory_space<vmem>> -> memref<120x128xf32, #tpu.memory_space<vmem>>
      %dma_start3A_207 = arith.constant 0 : i32
      %dma_start3A_208 = tpu.memref_slice %arg15[%add3A_81, %dma_start3A_207] : memref<10112x128xf32, #tpu.memory_space<vmem_shared>> -> memref<120x128xf32, #tpu.memory_space<vmem_shared>>
      %dma_start3A_209 = arith.constant 0 : i32
      %dma_start3A_210 = tpu.memref_slice %arg15[%add3A_81, %dma_start3A_209] : memref<10112x128xf32, #tpu.memory_space<vmem_shared>> -> memref<120x128xf32, #tpu.memory_space<vmem_shared>>
      %dma_start3A_211 = arith.constant 0 : i32
      %dma_start3A_212 = arith.constant 0 : i32
      %dma_start3A_213 = tpu.memref_slice %arg13[%run_scoped3A_82, %dma_start3A_211, %dma_start3A_212] : memref<2x128x128xf32, #tpu.memory_space<vmem>> -> memref<1x120x128xf32, #tpu.memory_space<vmem>>
      %dma_start3A_214 = tpu.memref_squeeze %dma_start3A_213 : memref<1x120x128xf32, #tpu.memory_space<vmem>> -> memref<120x128xf32, #tpu.memory_space<vmem>>
      tpu.enqueue_dma source(%dma_start3A_214 : memref<120x128xf32, #tpu.memory_space<vmem>>) target(%dma_start3A_210 : memref<120x128xf32, #tpu.memory_space<vmem_shared>>) target_semaphore(%run_scoped3A_202 : memref<!tpu.dma_semaphore, #tpu.memory_space<semaphore_mem>>)
      %dma_wait3A_215 = arith.constant 0 : i32
      %dma_wait3A_216 = arith.constant 0 : i32
      %dma_wait3A_217 = tpu.memref_slice %arg13[%run_scoped3A_82, %dma_wait3A_215, %dma_wait3A_216] : memref<2x128x128xf32, #tpu.memory_space<vmem>> -> memref<1x120x128xf32, #tpu.memory_space<vmem>>
      %dma_wait3A_218 = tpu.memref_squeeze %dma_wait3A_217 : memref<1x120x128xf32, #tpu.memory_space<vmem>> -> memref<120x128xf32, #tpu.memory_space<vmem>>
      %dma_wait3A_219 = arith.constant 0 : i32
      %dma_wait3A_220 = tpu.memref_slice %arg15[%add3A_81, %dma_wait3A_219] : memref<10112x128xf32, #tpu.memory_space<vmem_shared>> -> memref<120x128xf32, #tpu.memory_space<vmem_shared>>
      %dma_wait3A_221 = arith.constant 0 : i32
      %dma_wait3A_222 = tpu.memref_slice %arg15[%add3A_81, %dma_wait3A_221] : memref<10112x128xf32, #tpu.memory_space<vmem_shared>> -> memref<120x128xf32, #tpu.memory_space<vmem_shared>>
      %dma_wait3A_223 = arith.constant 0 : i32
      %dma_wait3A_224 = arith.constant 0 : i32
      %dma_wait3A_225 = tpu.memref_slice %arg13[%run_scoped3A_82, %dma_wait3A_223, %dma_wait3A_224] : memref<2x128x128xf32, #tpu.memory_space<vmem>> -> memref<1x120x128xf32, #tpu.memory_space<vmem>>
      %dma_wait3A_226 = tpu.memref_squeeze %dma_wait3A_225 : memref<1x120x128xf32, #tpu.memory_space<vmem>> -> memref<120x128xf32, #tpu.memory_space<vmem>>
      tpu.wait_dma2 semaphore(%run_scoped3A_202 : memref<!tpu.dma_semaphore, #tpu.memory_space<semaphore_mem>>) src(%dma_wait3A_226 : memref<120x128xf32, #tpu.memory_space<vmem>>) dst(%dma_wait3A_222 : memref<120x128xf32, #tpu.memory_space<vmem_shared>>)
      tpu.yield
    }) : () -> ()
    %mul3A_83 = arith.constant 632 : i32
    %mul3A_84 = arith.muli %arg1, %mul3A_83 : i32
    %add3A_85 = arith.constant 512 : i32
    %add3A_86 = arith.addi %mul3A_84, %add3A_85 : i32
    %run_scoped3A_87 = arith.constant 0 : i32
    "tpu.region"() ({
      %run_scoped3A_202 = tpu.sem_alloc : memref<!tpu.dma_semaphore, #tpu.memory_space<semaphore_mem>>
      %dma_start3A_203 = arith.constant 0 : i32
      %dma_start3A_204 = tpu.memref_slice %arg12[%run_scoped3A_87, %dma_start3A_203] : memref<2x128xf32, #tpu.memory_space<vmem>> -> memref<1x120xf32, #tpu.memory_space<vmem>>
      %dma_start3A_205 = tpu.memref_squeeze %dma_start3A_204 : memref<1x120xf32, #tpu.memory_space<vmem>> -> memref<120xf32, #tpu.memory_space<vmem>>
      %dma_start3A_206 = tpu.memref_slice %arg16[%add3A_86] : memref<10112xf32, #tpu.memory_space<vmem_shared>> -> memref<120xf32, #tpu.memory_space<vmem_shared>>
      %dma_start3A_207 = tpu.memref_slice %arg16[%add3A_86] : memref<10112xf32, #tpu.memory_space<vmem_shared>> -> memref<120xf32, #tpu.memory_space<vmem_shared>>
      %dma_start3A_208 = arith.constant 0 : i32
      %dma_start3A_209 = tpu.memref_slice %arg12[%run_scoped3A_87, %dma_start3A_208] : memref<2x128xf32, #tpu.memory_space<vmem>> -> memref<1x120xf32, #tpu.memory_space<vmem>>
      %dma_start3A_210 = tpu.memref_squeeze %dma_start3A_209 : memref<1x120xf32, #tpu.memory_space<vmem>> -> memref<120xf32, #tpu.memory_space<vmem>>
      tpu.enqueue_dma source(%dma_start3A_210 : memref<120xf32, #tpu.memory_space<vmem>>) target(%dma_start3A_207 : memref<120xf32, #tpu.memory_space<vmem_shared>>) target_semaphore(%run_scoped3A_202 : memref<!tpu.dma_semaphore, #tpu.memory_space<semaphore_mem>>)
      %dma_wait3A_211 = arith.constant 0 : i32
      %dma_wait3A_212 = tpu.memref_slice %arg12[%run_scoped3A_87, %dma_wait3A_211] : memref<2x128xf32, #tpu.memory_space<vmem>> -> memref<1x120xf32, #tpu.memory_space<vmem>>
      %dma_wait3A_213 = tpu.memref_squeeze %dma_wait3A_212 : memref<1x120xf32, #tpu.memory_space<vmem>> -> memref<120xf32, #tpu.memory_space<vmem>>
      %dma_wait3A_214 = tpu.memref_slice %arg16[%add3A_86] : memref<10112xf32, #tpu.memory_space<vmem_shared>> -> memref<120xf32, #tpu.memory_space<vmem_shared>>
      %dma_wait3A_215 = tpu.memref_slice %arg16[%add3A_86] : memref<10112xf32, #tpu.memory_space<vmem_shared>> -> memref<120xf32, #tpu.memory_space<vmem_shared>>
      %dma_wait3A_216 = arith.constant 0 : i32
      %dma_wait3A_217 = tpu.memref_slice %arg12[%run_scoped3A_87, %dma_wait3A_216] : memref<2x128xf32, #tpu.memory_space<vmem>> -> memref<1x120xf32, #tpu.memory_space<vmem>>
      %dma_wait3A_218 = tpu.memref_squeeze %dma_wait3A_217 : memref<1x120xf32, #tpu.memory_space<vmem>> -> memref<120xf32, #tpu.memory_space<vmem>>
      tpu.wait_dma2 semaphore(%run_scoped3A_202 : memref<!tpu.dma_semaphore, #tpu.memory_space<semaphore_mem>>) src(%dma_wait3A_218 : memref<120xf32, #tpu.memory_space<vmem>>) dst(%dma_wait3A_215 : memref<120xf32, #tpu.memory_space<vmem_shared>>)
      tpu.yield
    }) : () -> ()
    %barrier3A = arith.constant 0 : index
    tpu.barrier barrier_id(%barrier3A)
    %iota3A = tpu.iota {dimensions = array<i32: 0>} : vector<16xi32>
    %mul3A_88 = arith.constant 81 : i32
    %mul3A_89 = arith.muli %add3A, %mul3A_88 : i32
    %add3A_90 = arith.constant 0 : i32
    %add3A_91 = arith.addi %mul3A_89, %add3A_90 : i32
    %lt3A = arith.constant 2500 : i32
    %lt3A_92 = arith.cmpi slt, %add3A_91, %lt3A : i32
    %convert_element_type3A = arith.extui %lt3A_92 : i1 to i32
    %cond3A = arith.constant 0 : i32
    %cond3A_93 = arith.cmpi ne, %convert_element_type3A, %cond3A : i32
    scf.if %cond3A_93 {
      %run_scoped3A_202 = arith.constant 0 : i32
      %run_scoped3A_203 = arith.constant 0 : i32
      "tpu.region"() ({
        %run_scoped3A_206 = tpu.sem_alloc : memref<!tpu.dma_semaphore, #tpu.memory_space<semaphore_mem>>
        %dma_start3A_207 = arith.constant 0 : i32
        %dma_start3A_208 = tpu.memref_slice %arg8[%run_scoped3A_203, %dma_start3A_207] : memref<3x128xi32, #tpu.memory_space<vmem>> -> memref<1x128xi32, #tpu.memory_space<vmem>>
        %dma_start3A_209 = tpu.memref_squeeze %dma_start3A_208 : memref<1x128xi32, #tpu.memory_space<vmem>> -> memref<128xi32, #tpu.memory_space<vmem>>
        %dma_start3A_210 = arith.constant 0 : i32
        %dma_start3A_211 = tpu.memref_slice %arg5[%run_scoped3A_202, %add3A_91, %dma_start3A_210] : memref<2x2500x128xi32, #tpu.memory_space<hbm>> -> memref<1x1x128xi32, #tpu.memory_space<hbm>>
        %dma_start3A_212 = tpu.memref_squeeze %dma_start3A_211 : memref<1x1x128xi32, #tpu.memory_space<hbm>> -> memref<128xi32, #tpu.memory_space<hbm>>
        %dma_start3A_213 = arith.constant 0 : i32
        %dma_start3A_214 = tpu.memref_slice %arg8[%run_scoped3A_203, %dma_start3A_213] : memref<3x128xi32, #tpu.memory_space<vmem>> -> memref<1x128xi32, #tpu.memory_space<vmem>>
        %dma_start3A_215 = tpu.memref_squeeze %dma_start3A_214 : memref<1x128xi32, #tpu.memory_space<vmem>> -> memref<128xi32, #tpu.memory_space<vmem>>
        %dma_start3A_216 = arith.constant 0 : i32
        %dma_start3A_217 = tpu.memref_slice %arg5[%run_scoped3A_202, %add3A_91, %dma_start3A_216] : memref<2x2500x128xi32, #tpu.memory_space<hbm>> -> memref<1x1x128xi32, #tpu.memory_space<hbm>>
        %dma_start3A_218 = tpu.memref_squeeze %dma_start3A_217 : memref<1x1x128xi32, #tpu.memory_space<hbm>> -> memref<128xi32, #tpu.memory_space<hbm>>
        tpu.enqueue_dma source(%dma_start3A_218 : memref<128xi32, #tpu.memory_space<hbm>>) target(%dma_start3A_215 : memref<128xi32, #tpu.memory_space<vmem>>) target_semaphore(%run_scoped3A_206 : memref<!tpu.dma_semaphore, #tpu.memory_space<semaphore_mem>>)
        %dma_wait3A_219 = arith.constant 0 : i32
        %dma_wait3A_220 = tpu.memref_slice %arg8[%run_scoped3A_203, %dma_wait3A_219] : memref<3x128xi32, #tpu.memory_space<vmem>> -> memref<1x128xi32, #tpu.memory_space<vmem>>
        %dma_wait3A_221 = tpu.memref_squeeze %dma_wait3A_220 : memref<1x128xi32, #tpu.memory_space<vmem>> -> memref<128xi32, #tpu.memory_space<vmem>>
        %dma_wait3A_222 = arith.constant 0 : i32
        %dma_wait3A_223 = tpu.memref_slice %arg5[%run_scoped3A_202, %add3A_91, %dma_wait3A_222] : memref<2x2500x128xi32, #tpu.memory_space<hbm>> -> memref<1x1x128xi32, #tpu.memory_space<hbm>>
        %dma_wait3A_224 = tpu.memref_squeeze %dma_wait3A_223 : memref<1x1x128xi32, #tpu.memory_space<hbm>> -> memref<128xi32, #tpu.memory_space<hbm>>
        %dma_wait3A_225 = arith.constant 0 : i32
        %dma_wait3A_226 = tpu.memref_slice %arg8[%run_scoped3A_203, %dma_wait3A_225] : memref<3x128xi32, #tpu.memory_space<vmem>> -> memref<1x128xi32, #tpu.memory_space<vmem>>
        %dma_wait3A_227 = tpu.memref_squeeze %dma_wait3A_226 : memref<1x128xi32, #tpu.memory_space<vmem>> -> memref<128xi32, #tpu.memory_space<vmem>>
        %dma_wait3A_228 = arith.constant 0 : i32
        %dma_wait3A_229 = tpu.memref_slice %arg5[%run_scoped3A_202, %add3A_91, %dma_wait3A_228] : memref<2x2500x128xi32, #tpu.memory_space<hbm>> -> memref<1x1x128xi32, #tpu.memory_space<hbm>>
        %dma_wait3A_230 = tpu.memref_squeeze %dma_wait3A_229 : memref<1x1x128xi32, #tpu.memory_space<hbm>> -> memref<128xi32, #tpu.memory_space<hbm>>
        tpu.wait_dma2 semaphore(%run_scoped3A_206 : memref<!tpu.dma_semaphore, #tpu.memory_space<semaphore_mem>>) src(%dma_wait3A_230 : memref<128xi32, #tpu.memory_space<hbm>>) dst(%dma_wait3A_227 : memref<128xi32, #tpu.memory_space<vmem>>)
        tpu.yield
      }) : () -> ()
      %run_scoped3A_204 = arith.constant 1 : i32
      %run_scoped3A_205 = arith.constant 0 : i32
      "tpu.region"() ({
        %run_scoped3A_206 = tpu.sem_alloc : memref<!tpu.dma_semaphore, #tpu.memory_space<semaphore_mem>>
        %dma_start3A_207 = arith.constant 0 : i32
        %dma_start3A_208 = tpu.memref_slice %arg9[%run_scoped3A_205, %dma_start3A_207] : memref<3x128xi32, #tpu.memory_space<vmem>> -> memref<1x128xi32, #tpu.memory_space<vmem>>
        %dma_start3A_209 = tpu.memref_squeeze %dma_start3A_208 : memref<1x128xi32, #tpu.memory_space<vmem>> -> memref<128xi32, #tpu.memory_space<vmem>>
        %dma_start3A_210 = arith.constant 0 : i32
        %dma_start3A_211 = tpu.memref_slice %arg5[%run_scoped3A_204, %add3A_91, %dma_start3A_210] : memref<2x2500x128xi32, #tpu.memory_space<hbm>> -> memref<1x1x128xi32, #tpu.memory_space<hbm>>
        %dma_start3A_212 = tpu.memref_squeeze %dma_start3A_211 : memref<1x1x128xi32, #tpu.memory_space<hbm>> -> memref<128xi32, #tpu.memory_space<hbm>>
        %dma_start3A_213 = arith.constant 0 : i32
        %dma_start3A_214 = tpu.memref_slice %arg9[%run_scoped3A_205, %dma_start3A_213] : memref<3x128xi32, #tpu.memory_space<vmem>> -> memref<1x128xi32, #tpu.memory_space<vmem>>
        %dma_start3A_215 = tpu.memref_squeeze %dma_start3A_214 : memref<1x128xi32, #tpu.memory_space<vmem>> -> memref<128xi32, #tpu.memory_space<vmem>>
        %dma_start3A_216 = arith.constant 0 : i32
        %dma_start3A_217 = tpu.memref_slice %arg5[%run_scoped3A_204, %add3A_91, %dma_start3A_216] : memref<2x2500x128xi32, #tpu.memory_space<hbm>> -> memref<1x1x128xi32, #tpu.memory_space<hbm>>
        %dma_start3A_218 = tpu.memref_squeeze %dma_start3A_217 : memref<1x1x128xi32, #tpu.memory_space<hbm>> -> memref<128xi32, #tpu.memory_space<hbm>>
        tpu.enqueue_dma source(%dma_start3A_218 : memref<128xi32, #tpu.memory_space<hbm>>) target(%dma_start3A_215 : memref<128xi32, #tpu.memory_space<vmem>>) target_semaphore(%run_scoped3A_206 : memref<!tpu.dma_semaphore, #tpu.memory_space<semaphore_mem>>)
        %dma_wait3A_219 = arith.constant 0 : i32
        %dma_wait3A_220 = tpu.memref_slice %arg9[%run_scoped3A_205, %dma_wait3A_219] : memref<3x128xi32, #tpu.memory_space<vmem>> -> memref<1x128xi32, #tpu.memory_space<vmem>>
        %dma_wait3A_221 = tpu.memref_squeeze %dma_wait3A_220 : memref<1x128xi32, #tpu.memory_space<vmem>> -> memref<128xi32, #tpu.memory_space<vmem>>
        %dma_wait3A_222 = arith.constant 0 : i32
        %dma_wait3A_223 = tpu.memref_slice %arg5[%run_scoped3A_204, %add3A_91, %dma_wait3A_222] : memref<2x2500x128xi32, #tpu.memory_space<hbm>> -> memref<1x1x128xi32, #tpu.memory_space<hbm>>
        %dma_wait3A_224 = tpu.memref_squeeze %dma_wait3A_223 : memref<1x1x128xi32, #tpu.memory_space<hbm>> -> memref<128xi32, #tpu.memory_space<hbm>>
        %dma_wait3A_225 = arith.constant 0 : i32
        %dma_wait3A_226 = tpu.memref_slice %arg9[%run_scoped3A_205, %dma_wait3A_225] : memref<3x128xi32, #tpu.memory_space<vmem>> -> memref<1x128xi32, #tpu.memory_space<vmem>>
        %dma_wait3A_227 = tpu.memref_squeeze %dma_wait3A_226 : memref<1x128xi32, #tpu.memory_space<vmem>> -> memref<128xi32, #tpu.memory_space<vmem>>
        %dma_wait3A_228 = arith.constant 0 : i32
        %dma_wait3A_229 = tpu.memref_slice %arg5[%run_scoped3A_204, %add3A_91, %dma_wait3A_228] : memref<2x2500x128xi32, #tpu.memory_space<hbm>> -> memref<1x1x128xi32, #tpu.memory_space<hbm>>
        %dma_wait3A_230 = tpu.memref_squeeze %dma_wait3A_229 : memref<1x1x128xi32, #tpu.memory_space<hbm>> -> memref<128xi32, #tpu.memory_space<hbm>>
        tpu.wait_dma2 semaphore(%run_scoped3A_206 : memref<!tpu.dma_semaphore, #tpu.memory_space<semaphore_mem>>) src(%dma_wait3A_230 : memref<128xi32, #tpu.memory_space<hbm>>) dst(%dma_wait3A_227 : memref<128xi32, #tpu.memory_space<vmem>>)
        tpu.yield
      }) : () -> ()
    } else {
    }
    %ge3A = arith.constant 2500 : i32
    %ge3A_94 = arith.cmpi sge, %add3A_91, %ge3A : i32
    %convert_element_type3A_95 = arith.extui %ge3A_94 : i1 to i32
    %cond3A_96 = arith.constant 0 : i32
    %cond3A_97 = arith.cmpi ne, %convert_element_type3A_95, %cond3A_96 : i32
    scf.if %cond3A_97 {
      %mul3A_202 = arith.constant 81 : i32
      %mul3A_203 = arith.muli %add3A, %mul3A_202 : i32
      %add3A_204 = arith.constant 0 : i32
      %add3A_205 = arith.addi %mul3A_203, %add3A_204 : i32
      %mul3A_206 = arith.constant 128 : i32
      %mul3A_207 = arith.muli %add3A_205, %mul3A_206 : i32
      %sub3A = arith.constant 320000 : i32
      %sub3A_208 = arith.subi %mul3A_207, %sub3A : i32
      %add3A_209 = arith.constant 0 : i32
      %add3A_210 = arith.addi %sub3A_208, %add3A_209 : i32
      %add3A_211 = vector.broadcast %add3A_210 : i32 to vector<16xi32>
      %add3A_212 = arith.addi %add3A_211, %iota3A : vector<16xi32>
      %lt3A_213 = arith.constant 10000 : i32
      %lt3A_214 = vector.broadcast %lt3A_213 : i32 to vector<16xi32>
      %lt3A_215 = arith.cmpi slt, %add3A_212, %lt3A_214 : vector<16xi32>
      %sub3A_216 = arith.constant 10000 : i32
      %sub3A_217 = vector.broadcast %sub3A_216 : i32 to vector<16xi32>
      %sub3A_218 = arith.subi %add3A_212, %sub3A_217 : vector<16xi32>
      %select_n3A = arith.select %lt3A_215, %add3A_212, %sub3A_218 : vector<16xi1>, vector<16xi32>
      %swap3A_219 = arith.constant 0 : i32
      %swap3A_220 = arith.index_cast %swap3A_219 : i32 to index
      %swap3A_221 = arith.constant 0 : index
      %swap3A_222 = tpu.vector_load %arg8[%swap3A_220, %swap3A_221] {strides = array<i32>} : memref<3x128xi32, #tpu.memory_space<vmem>>, vector<16xi32>,
      tpu.vector_store %arg8[%swap3A_220, %swap3A_221], %select_n3A {strides = array<i32>} : memref<3x128xi32, #tpu.memory_space<vmem>>, vector<16xi32>,
      %swap3A_223 = arith.constant 0 : i32
      %swap3A_224 = arith.index_cast %swap3A_223 : i32 to index
      %swap3A_225 = arith.constant 0 : index
      %swap3A_226 = tpu.vector_load %arg9[%swap3A_224, %swap3A_225] {strides = array<i32>} : memref<3x128xi32, #tpu.memory_space<vmem>>, vector<16xi32>,
      tpu.vector_store %arg9[%swap3A_224, %swap3A_225], %select_n3A {strides = array<i32>} : memref<3x128xi32, #tpu.memory_space<vmem>>, vector<16xi32>,
      %add3A_227 = arith.constant 16 : i32
      %add3A_228 = arith.addi %sub3A_208, %add3A_227 : i32
      %add3A_229 = vector.broadcast %add3A_228 : i32 to vector<16xi32>
      %add3A_230 = arith.addi %add3A_229, %iota3A : vector<16xi32>
      %lt3A_231 = arith.constant 10000 : i32
      %lt3A_232 = vector.broadcast %lt3A_231 : i32 to vector<16xi32>
      %lt3A_233 = arith.cmpi slt, %add3A_230, %lt3A_232 : vector<16xi32>
      %sub3A_234 = arith.constant 10000 : i32
      %sub3A_235 = vector.broadcast %sub3A_234 : i32 to vector<16xi32>
      %sub3A_236 = arith.subi %add3A_230, %sub3A_235 : vector<16xi32>
      %select_n3A_237 = arith.select %lt3A_233, %add3A_230, %sub3A_236 : vector<16xi1>, vector<16xi32>
      %swap3A_238 = arith.constant 0 : i32
      %swap3A_239 = arith.index_cast %swap3A_238 : i32 to index
      %swap3A_240 = arith.constant 16 : index
      %swap3A_241 = tpu.vector_load %arg8[%swap3A_239, %swap3A_240] {strides = array<i32>} : memref<3x128xi32, #tpu.memory_space<vmem>>, vector<16xi32>,
      tpu.vector_store %arg8[%swap3A_239, %swap3A_240], %select_n3A_237 {strides = array<i32>} : memref<3x128xi32, #tpu.memory_space<vmem>>, vector<16xi32>,
      %swap3A_242 = arith.constant 0 : i32
      %swap3A_243 = arith.index_cast %swap3A_242 : i32 to index
      %swap3A_244 = arith.constant 16 : index
      %swap3A_245 = tpu.vector_load %arg9[%swap3A_243, %swap3A_244] {strides = array<i32>} : memref<3x128xi32, #tpu.memory_space<vmem>>, vector<16xi32>,
      tpu.vector_store %arg9[%swap3A_243, %swap3A_244], %select_n3A_237 {strides = array<i32>} : memref<3x128xi32, #tpu.memory_space<vmem>>, vector<16xi32>,
      %add3A_246 = arith.constant 32 : i32
      %add3A_247 = arith.addi %sub3A_208, %add3A_246 : i32
      %add3A_248 = vector.broadcast %add3A_247 : i32 to vector<16xi32>
      %add3A_249 = arith.addi %add3A_248, %iota3A : vector<16xi32>
      %lt3A_250 = arith.constant 10000 : i32
      %lt3A_251 = vector.broadcast %lt3A_250 : i32 to vector<16xi32>
      %lt3A_252 = arith.cmpi slt, %add3A_249, %lt3A_251 : vector<16xi32>
      %sub3A_253 = arith.constant 10000 : i32
      %sub3A_254 = vector.broadcast %sub3A_253 : i32 to vector<16xi32>
      %sub3A_255 = arith.subi %add3A_249, %sub3A_254 : vector<16xi32>
      %select_n3A_256 = arith.select %lt3A_252, %add3A_249, %sub3A_255 : vector<16xi1>, vector<16xi32>
      %swap3A_257 = arith.constant 0 : i32
      %swap3A_258 = arith.index_cast %swap3A_257 : i32 to index
      %swap3A_259 = arith.constant 32 : index
      %swap3A_260 = tpu.vector_load %arg8[%swap3A_258, %swap3A_259] {strides = array<i32>} : memref<3x128xi32, #tpu.memory_space<vmem>>, vector<16xi32>,
      tpu.vector_store %arg8[%swap3A_258, %swap3A_259], %select_n3A_256 {strides = array<i32>} : memref<3x128xi32, #tpu.memory_space<vmem>>, vector<16xi32>,
      %swap3A_261 = arith.constant 0 : i32
      %swap3A_262 = arith.index_cast %swap3A_261 : i32 to index
      %swap3A_263 = arith.constant 32 : index
      %swap3A_264 = tpu.vector_load %arg9[%swap3A_262, %swap3A_263] {strides = array<i32>} : memref<3x128xi32, #tpu.memory_space<vmem>>, vector<16xi32>,
      tpu.vector_store %arg9[%swap3A_262, %swap3A_263], %select_n3A_256 {strides = array<i32>} : memref<3x128xi32, #tpu.memory_space<vmem>>, vector<16xi32>,
      %add3A_265 = arith.constant 48 : i32
      %add3A_266 = arith.addi %sub3A_208, %add3A_265 : i32
      %add3A_267 = vector.broadcast %add3A_266 : i32 to vector<16xi32>
      %add3A_268 = arith.addi %add3A_267, %iota3A : vector<16xi32>
      %lt3A_269 = arith.constant 10000 : i32
      %lt3A_270 = vector.broadcast %lt3A_269 : i32 to vector<16xi32>
      %lt3A_271 = arith.cmpi slt, %add3A_268, %lt3A_270 : vector<16xi32>
      %sub3A_272 = arith.constant 10000 : i32
      %sub3A_273 = vector.broadcast %sub3A_272 : i32 to vector<16xi32>
      %sub3A_274 = arith.subi %add3A_268, %sub3A_273 : vector<16xi32>
      %select_n3A_275 = arith.select %lt3A_271, %add3A_268, %sub3A_274 : vector<16xi1>, vector<16xi32>
      %swap3A_276 = arith.constant 0 : i32
      %swap3A_277 = arith.index_cast %swap3A_276 : i32 to index
      %swap3A_278 = arith.constant 48 : index
      %swap3A_279 = tpu.vector_load %arg8[%swap3A_277, %swap3A_278] {strides = array<i32>} : memref<3x128xi32, #tpu.memory_space<vmem>>, vector<16xi32>,
      tpu.vector_store %arg8[%swap3A_277, %swap3A_278], %select_n3A_275 {strides = array<i32>} : memref<3x128xi32, #tpu.memory_space<vmem>>, vector<16xi32>,
      %swap3A_280 = arith.constant 0 : i32
      %swap3A_281 = arith.index_cast %swap3A_280 : i32 to index
      %swap3A_282 = arith.constant 48 : index
      %swap3A_283 = tpu.vector_load %arg9[%swap3A_281, %swap3A_282] {strides = array<i32>} : memref<3x128xi32, #tpu.memory_space<vmem>>, vector<16xi32>,
      tpu.vector_store %arg9[%swap3A_281, %swap3A_282], %select_n3A_275 {strides = array<i32>} : memref<3x128xi32, #tpu.memory_space<vmem>>, vector<16xi32>,
      %add3A_284 = arith.constant 64 : i32
      %add3A_285 = arith.addi %sub3A_208, %add3A_284 : i32
      %add3A_286 = vector.broadcast %add3A_285 : i32 to vector<16xi32>
      %add3A_287 = arith.addi %add3A_286, %iota3A : vector<16xi32>
      %lt3A_288 = arith.constant 10000 : i32
      %lt3A_289 = vector.broadcast %lt3A_288 : i32 to vector<16xi32>
      %lt3A_290 = arith.cmpi slt, %add3A_287, %lt3A_289 : vector<16xi32>
      %sub3A_291 = arith.constant 10000 : i32
      %sub3A_292 = vector.broadcast %sub3A_291 : i32 to vector<16xi32>
      %sub3A_293 = arith.subi %add3A_287, %sub3A_292 : vector<16xi32>
      %select_n3A_294 = arith.select %lt3A_290, %add3A_287, %sub3A_293 : vector<16xi1>, vector<16xi32>
      %swap3A_295 = arith.constant 0 : i32
      %swap3A_296 = arith.index_cast %swap3A_295 : i32 to index
      %swap3A_297 = arith.constant 64 : index
      %swap3A_298 = tpu.vector_load %arg8[%swap3A_296, %swap3A_297] {strides = array<i32>} : memref<3x128xi32, #tpu.memory_space<vmem>>, vector<16xi32>,
      tpu.vector_store %arg8[%swap3A_296, %swap3A_297], %select_n3A_294 {strides = array<i32>} : memref<3x128xi32, #tpu.memory_space<vmem>>, vector<16xi32>,
      %swap3A_299 = arith.constant 0 : i32
      %swap3A_300 = arith.index_cast %swap3A_299 : i32 to index
      %swap3A_301 = arith.constant 64 : index
      %swap3A_302 = tpu.vector_load %arg9[%swap3A_300, %swap3A_301] {strides = array<i32>} : memref<3x128xi32, #tpu.memory_space<vmem>>, vector<16xi32>,
      tpu.vector_store %arg9[%swap3A_300, %swap3A_301], %select_n3A_294 {strides = array<i32>} : memref<3x128xi32, #tpu.memory_space<vmem>>, vector<16xi32>,
      %add3A_303 = arith.constant 80 : i32
      %add3A_304 = arith.addi %sub3A_208, %add3A_303 : i32
      %add3A_305 = vector.broadcast %add3A_304 : i32 to vector<16xi32>
      %add3A_306 = arith.addi %add3A_305, %iota3A : vector<16xi32>
      %lt3A_307 = arith.constant 10000 : i32
      %lt3A_308 = vector.broadcast %lt3A_307 : i32 to vector<16xi32>
      %lt3A_309 = arith.cmpi slt, %add3A_306, %lt3A_308 : vector<16xi32>
      %sub3A_310 = arith.constant 10000 : i32
      %sub3A_311 = vector.broadcast %sub3A_310 : i32 to vector<16xi32>
      %sub3A_312 = arith.subi %add3A_306, %sub3A_311 : vector<16xi32>
      %select_n3A_313 = arith.select %lt3A_309, %add3A_306, %sub3A_312 : vector<16xi1>, vector<16xi32>
      %swap3A_314 = arith.constant 0 : i32
      %swap3A_315 = arith.index_cast %swap3A_314 : i32 to index
      %swap3A_316 = arith.constant 80 : index
      %swap3A_317 = tpu.vector_load %arg8[%swap3A_315, %swap3A_316] {strides = array<i32>} : memref<3x128xi32, #tpu.memory_space<vmem>>, vector<16xi32>,
      tpu.vector_store %arg8[%swap3A_315, %swap3A_316], %select_n3A_313 {strides = array<i32>} : memref<3x128xi32, #tpu.memory_space<vmem>>, vector<16xi32>,
      %swap3A_318 = arith.constant 0 : i32
      %swap3A_319 = arith.index_cast %swap3A_318 : i32 to index
      %swap3A_320 = arith.constant 80 : index
      %swap3A_321 = tpu.vector_load %arg9[%swap3A_319, %swap3A_320] {strides = array<i32>} : memref<3x128xi32, #tpu.memory_space<vmem>>, vector<16xi32>,
      tpu.vector_store %arg9[%swap3A_319, %swap3A_320], %select_n3A_313 {strides = array<i32>} : memref<3x128xi32, #tpu.memory_space<vmem>>, vector<16xi32>,
      %add3A_322 = arith.constant 96 : i32
      %add3A_323 = arith.addi %sub3A_208, %add3A_322 : i32
      %add3A_324 = vector.broadcast %add3A_323 : i32 to vector<16xi32>
      %add3A_325 = arith.addi %add3A_324, %iota3A : vector<16xi32>
      %lt3A_326 = arith.constant 10000 : i32
      %lt3A_327 = vector.broadcast %lt3A_326 : i32 to vector<16xi32>
      %lt3A_328 = arith.cmpi slt, %add3A_325, %lt3A_327 : vector<16xi32>
      %sub3A_329 = arith.constant 10000 : i32
      %sub3A_330 = vector.broadcast %sub3A_329 : i32 to vector<16xi32>
      %sub3A_331 = arith.subi %add3A_325, %sub3A_330 : vector<16xi32>
      %select_n3A_332 = arith.select %lt3A_328, %add3A_325, %sub3A_331 : vector<16xi1>, vector<16xi32>
      %swap3A_333 = arith.constant 0 : i32
      %swap3A_334 = arith.index_cast %swap3A_333 : i32 to index
      %swap3A_335 = arith.constant 96 : index
      %swap3A_336 = tpu.vector_load %arg8[%swap3A_334, %swap3A_335] {strides = array<i32>} : memref<3x128xi32, #tpu.memory_space<vmem>>, vector<16xi32>,
      tpu.vector_store %arg8[%swap3A_334, %swap3A_335], %select_n3A_332 {strides = array<i32>} : memref<3x128xi32, #tpu.memory_space<vmem>>, vector<16xi32>,
      %swap3A_337 = arith.constant 0 : i32
      %swap3A_338 = arith.index_cast %swap3A_337 : i32 to index
      %swap3A_339 = arith.constant 96 : index
      %swap3A_340 = tpu.vector_load %arg9[%swap3A_338, %swap3A_339] {strides = array<i32>} : memref<3x128xi32, #tpu.memory_space<vmem>>, vector<16xi32>,
      tpu.vector_store %arg9[%swap3A_338, %swap3A_339], %select_n3A_332 {strides = array<i32>} : memref<3x128xi32, #tpu.memory_space<vmem>>, vector<16xi32>,
      %add3A_341 = arith.constant 112 : i32
      %add3A_342 = arith.addi %sub3A_208, %add3A_341 : i32
      %add3A_343 = vector.broadcast %add3A_342 : i32 to vector<16xi32>
      %add3A_344 = arith.addi %add3A_343, %iota3A : vector<16xi32>
      %lt3A_345 = arith.constant 10000 : i32
      %lt3A_346 = vector.broadcast %lt3A_345 : i32 to vector<16xi32>
      %lt3A_347 = arith.cmpi slt, %add3A_344, %lt3A_346 : vector<16xi32>
      %sub3A_348 = arith.constant 10000 : i32
      %sub3A_349 = vector.broadcast %sub3A_348 : i32 to vector<16xi32>
      %sub3A_350 = arith.subi %add3A_344, %sub3A_349 : vector<16xi32>
      %select_n3A_351 = arith.select %lt3A_347, %add3A_344, %sub3A_350 : vector<16xi1>, vector<16xi32>
      %swap3A_352 = arith.constant 0 : i32
      %swap3A_353 = arith.index_cast %swap3A_352 : i32 to index
      %swap3A_354 = arith.constant 112 : index
      %swap3A_355 = tpu.vector_load %arg8[%swap3A_353, %swap3A_354] {strides = array<i32>} : memref<3x128xi32, #tpu.memory_space<vmem>>, vector<16xi32>,
      tpu.vector_store %arg8[%swap3A_353, %swap3A_354], %select_n3A_351 {strides = array<i32>} : memref<3x128xi32, #tpu.memory_space<vmem>>, vector<16xi32>,
      %swap3A_356 = arith.constant 0 : i32
      %swap3A_357 = arith.index_cast %swap3A_356 : i32 to index
      %swap3A_358 = arith.constant 112 : index
      %swap3A_359 = tpu.vector_load %arg9[%swap3A_357, %swap3A_358] {strides = array<i32>} : memref<3x128xi32, #tpu.memory_space<vmem>>, vector<16xi32>,
      tpu.vector_store %arg9[%swap3A_357, %swap3A_358], %select_n3A_351 {strides = array<i32>} : memref<3x128xi32, #tpu.memory_space<vmem>>, vector<16xi32>,
    } else {
    }
    %mul3A_98 = arith.constant 81 : i32
    %mul3A_99 = arith.muli %add3A, %mul3A_98 : i32
    %add3A_100 = arith.constant 1 : i32
    %add3A_101 = arith.addi %mul3A_99, %add3A_100 : i32
    %lt3A_102 = arith.constant 2500 : i32
    %lt3A_103 = arith.cmpi slt, %add3A_101, %lt3A_102 : i32
    %convert_element_type3A_104 = arith.extui %lt3A_103 : i1 to i32
    %cond3A_105 = arith.constant 0 : i32
    %cond3A_106 = arith.cmpi ne, %convert_element_type3A_104, %cond3A_105 : i32
    scf.if %cond3A_106 {
      %dma_start3A_202 = arith.constant 0 : i32
      %dma_start3A_203 = arith.constant 1 : i32
      %dma_start3A_204 = arith.constant 1 : i32
      %dma_start3A_205 = arith.constant 0 : i32
      %dma_start3A_206 = tpu.memref_slice %arg8[%dma_start3A_203, %dma_start3A_205] : memref<3x128xi32, #tpu.memory_space<vmem>> -> memref<1x128xi32, #tpu.memory_space<vmem>>
      %dma_start3A_207 = tpu.memref_squeeze %dma_start3A_206 : memref<1x128xi32, #tpu.memory_space<vmem>> -> memref<128xi32, #tpu.memory_space<vmem>>
      %dma_start3A_208 = arith.constant 0 : i32
      %dma_start3A_209 = tpu.memref_slice %arg5[%dma_start3A_202, %add3A_101, %dma_start3A_208] : memref<2x2500x128xi32, #tpu.memory_space<hbm>> -> memref<1x1x128xi32, #tpu.memory_space<hbm>>
      %dma_start3A_210 = tpu.memref_squeeze %dma_start3A_209 : memref<1x1x128xi32, #tpu.memory_space<hbm>> -> memref<128xi32, #tpu.memory_space<hbm>>
      %dma_start3A_211 = tpu.memref_slice %arg17[%dma_start3A_204] : memref<3x!tpu.dma_semaphore, #tpu.memory_space<semaphore_mem>> -> memref<1x!tpu.dma_semaphore, #tpu.memory_space<semaphore_mem>>
      %dma_start3A_212 = tpu.memref_squeeze %dma_start3A_211 : memref<1x!tpu.dma_semaphore, #tpu.memory_space<semaphore_mem>> -> memref<!tpu.dma_semaphore, #tpu.memory_space<semaphore_mem>>
      %dma_start3A_213 = arith.constant 0 : i32
      %dma_start3A_214 = tpu.memref_slice %arg8[%dma_start3A_203, %dma_start3A_213] : memref<3x128xi32, #tpu.memory_space<vmem>> -> memref<1x128xi32, #tpu.memory_space<vmem>>
      %dma_start3A_215 = tpu.memref_squeeze %dma_start3A_214 : memref<1x128xi32, #tpu.memory_space<vmem>> -> memref<128xi32, #tpu.memory_space<vmem>>
      %dma_start3A_216 = arith.constant 0 : i32
      %dma_start3A_217 = tpu.memref_slice %arg5[%dma_start3A_202, %add3A_101, %dma_start3A_216] : memref<2x2500x128xi32, #tpu.memory_space<hbm>> -> memref<1x1x128xi32, #tpu.memory_space<hbm>>
      %dma_start3A_218 = tpu.memref_squeeze %dma_start3A_217 : memref<1x1x128xi32, #tpu.memory_space<hbm>> -> memref<128xi32, #tpu.memory_space<hbm>>
      tpu.enqueue_dma source(%dma_start3A_218 : memref<128xi32, #tpu.memory_space<hbm>>) target(%dma_start3A_215 : memref<128xi32, #tpu.memory_space<vmem>>) target_semaphore(%dma_start3A_212 : memref<!tpu.dma_semaphore, #tpu.memory_space<semaphore_mem>>)
      %dma_start3A_219 = arith.constant 1 : i32
      %dma_start3A_220 = arith.constant 1 : i32
      %dma_start3A_221 = arith.constant 1 : i32
      %dma_start3A_222 = arith.constant 0 : i32
      %dma_start3A_223 = tpu.memref_slice %arg9[%dma_start3A_220, %dma_start3A_222] : memref<3x128xi32, #tpu.memory_space<vmem>> -> memref<1x128xi32, #tpu.memory_space<vmem>>
      %dma_start3A_224 = tpu.memref_squeeze %dma_start3A_223 : memref<1x128xi32, #tpu.memory_space<vmem>> -> memref<128xi32, #tpu.memory_space<vmem>>
      %dma_start3A_225 = arith.constant 0 : i32
      %dma_start3A_226 = tpu.memref_slice %arg5[%dma_start3A_219, %add3A_101, %dma_start3A_225] : memref<2x2500x128xi32, #tpu.memory_space<hbm>> -> memref<1x1x128xi32, #tpu.memory_space<hbm>>
      %dma_start3A_227 = tpu.memref_squeeze %dma_start3A_226 : memref<1x1x128xi32, #tpu.memory_space<hbm>> -> memref<128xi32, #tpu.memory_space<hbm>>
      %dma_start3A_228 = tpu.memref_slice %arg17[%dma_start3A_221] : memref<3x!tpu.dma_semaphore, #tpu.memory_space<semaphore_mem>> -> memref<1x!tpu.dma_semaphore, #tpu.memory_space<semaphore_mem>>
      %dma_start3A_229 = tpu.memref_squeeze %dma_start3A_228 : memref<1x!tpu.dma_semaphore, #tpu.memory_space<semaphore_mem>> -> memref<!tpu.dma_semaphore, #tpu.memory_space<semaphore_mem>>
      %dma_start3A_230 = arith.constant 0 : i32
      %dma_start3A_231 = tpu.memref_slice %arg9[%dma_start3A_220, %dma_start3A_230] : memref<3x128xi32, #tpu.memory_space<vmem>> -> memref<1x128xi32, #tpu.memory_space<vmem>>
      %dma_start3A_232 = tpu.memref_squeeze %dma_start3A_231 : memref<1x128xi32, #tpu.memory_space<vmem>> -> memref<128xi32, #tpu.memory_space<vmem>>
      %dma_start3A_233 = arith.constant 0 : i32
      %dma_start3A_234 = tpu.memref_slice %arg5[%dma_start3A_219, %add3A_101, %dma_start3A_233] : memref<2x2500x128xi32, #tpu.memory_space<hbm>> -> memref<1x1x128xi32, #tpu.memory_space<hbm>>
      %dma_start3A_235 = tpu.memref_squeeze %dma_start3A_234 : memref<1x1x128xi32, #tpu.memory_space<hbm>> -> memref<128xi32, #tpu.memory_space<hbm>>
      tpu.enqueue_dma source(%dma_start3A_235 : memref<128xi32, #tpu.memory_space<hbm>>) target(%dma_start3A_232 : memref<128xi32, #tpu.memory_space<vmem>>) target_semaphore(%dma_start3A_229 : memref<!tpu.dma_semaphore, #tpu.memory_space<semaphore_mem>>)
    } else {
    }
    %ge3A_107 = arith.constant 2500 : i32
    %ge3A_108 = arith.cmpi sge, %add3A_101, %ge3A_107 : i32
    %convert_element_type3A_109 = arith.extui %ge3A_108 : i1 to i32
    %cond3A_110 = arith.constant 0 : i32
    %cond3A_111 = arith.cmpi ne, %convert_element_type3A_109, %cond3A_110 : i32
    scf.if %cond3A_111 {
      %mul3A_202 = arith.constant 81 : i32
      %mul3A_203 = arith.muli %add3A, %mul3A_202 : i32
      %add3A_204 = arith.constant 1 : i32
      %add3A_205 = arith.addi %mul3A_203, %add3A_204 : i32
      %mul3A_206 = arith.constant 128 : i32
      %mul3A_207 = arith.muli %add3A_205, %mul3A_206 : i32
      %sub3A = arith.constant 320000 : i32
      %sub3A_208 = arith.subi %mul3A_207, %sub3A : i32
      %add3A_209 = arith.constant 0 : i32
      %add3A_210 = arith.addi %sub3A_208, %add3A_209 : i32
      %add3A_211 = vector.broadcast %add3A_210 : i32 to vector<16xi32>
      %add3A_212 = arith.addi %add3A_211, %iota3A : vector<16xi32>
      %lt3A_213 = arith.constant 10000 : i32
      %lt3A_214 = vector.broadcast %lt3A_213 : i32 to vector<16xi32>
      %lt3A_215 = arith.cmpi slt, %add3A_212, %lt3A_214 : vector<16xi32>
      %sub3A_216 = arith.constant 10000 : i32
      %sub3A_217 = vector.broadcast %sub3A_216 : i32 to vector<16xi32>
      %sub3A_218 = arith.subi %add3A_212, %sub3A_217 : vector<16xi32>
      %select_n3A = arith.select %lt3A_215, %add3A_212, %sub3A_218 : vector<16xi1>, vector<16xi32>
      %swap3A_219 = arith.constant 1 : i32
      %swap3A_220 = arith.index_cast %swap3A_219 : i32 to index
      %swap3A_221 = arith.constant 0 : index
      %swap3A_222 = tpu.vector_load %arg8[%swap3A_220, %swap3A_221] {strides = array<i32>} : memref<3x128xi32, #tpu.memory_space<vmem>>, vector<16xi32>,
      tpu.vector_store %arg8[%swap3A_220, %swap3A_221], %select_n3A {strides = array<i32>} : memref<3x128xi32, #tpu.memory_space<vmem>>, vector<16xi32>,
      %swap3A_223 = arith.constant 1 : i32
      %swap3A_224 = arith.index_cast %swap3A_223 : i32 to index
      %swap3A_225 = arith.constant 0 : index
      %swap3A_226 = tpu.vector_load %arg9[%swap3A_224, %swap3A_225] {strides = array<i32>} : memref<3x128xi32, #tpu.memory_space<vmem>>, vector<16xi32>,
      tpu.vector_store %arg9[%swap3A_224, %swap3A_225], %select_n3A {strides = array<i32>} : memref<3x128xi32, #tpu.memory_space<vmem>>, vector<16xi32>,
      %add3A_227 = arith.constant 16 : i32
      %add3A_228 = arith.addi %sub3A_208, %add3A_227 : i32
      %add3A_229 = vector.broadcast %add3A_228 : i32 to vector<16xi32>
      %add3A_230 = arith.addi %add3A_229, %iota3A : vector<16xi32>
      %lt3A_231 = arith.constant 10000 : i32
      %lt3A_232 = vector.broadcast %lt3A_231 : i32 to vector<16xi32>
      %lt3A_233 = arith.cmpi slt, %add3A_230, %lt3A_232 : vector<16xi32>
      %sub3A_234 = arith.constant 10000 : i32
      %sub3A_235 = vector.broadcast %sub3A_234 : i32 to vector<16xi32>
      %sub3A_236 = arith.subi %add3A_230, %sub3A_235 : vector<16xi32>
      %select_n3A_237 = arith.select %lt3A_233, %add3A_230, %sub3A_236 : vector<16xi1>, vector<16xi32>
      %swap3A_238 = arith.constant 1 : i32
      %swap3A_239 = arith.index_cast %swap3A_238 : i32 to index
      %swap3A_240 = arith.constant 16 : index
      %swap3A_241 = tpu.vector_load %arg8[%swap3A_239, %swap3A_240] {strides = array<i32>} : memref<3x128xi32, #tpu.memory_space<vmem>>, vector<16xi32>,
      tpu.vector_store %arg8[%swap3A_239, %swap3A_240], %select_n3A_237 {strides = array<i32>} : memref<3x128xi32, #tpu.memory_space<vmem>>, vector<16xi32>,
      %swap3A_242 = arith.constant 1 : i32
      %swap3A_243 = arith.index_cast %swap3A_242 : i32 to index
      %swap3A_244 = arith.constant 16 : index
      %swap3A_245 = tpu.vector_load %arg9[%swap3A_243, %swap3A_244] {strides = array<i32>} : memref<3x128xi32, #tpu.memory_space<vmem>>, vector<16xi32>,
      tpu.vector_store %arg9[%swap3A_243, %swap3A_244], %select_n3A_237 {strides = array<i32>} : memref<3x128xi32, #tpu.memory_space<vmem>>, vector<16xi32>,
      %add3A_246 = arith.constant 32 : i32
      %add3A_247 = arith.addi %sub3A_208, %add3A_246 : i32
      %add3A_248 = vector.broadcast %add3A_247 : i32 to vector<16xi32>
      %add3A_249 = arith.addi %add3A_248, %iota3A : vector<16xi32>
      %lt3A_250 = arith.constant 10000 : i32
      %lt3A_251 = vector.broadcast %lt3A_250 : i32 to vector<16xi32>
      %lt3A_252 = arith.cmpi slt, %add3A_249, %lt3A_251 : vector<16xi32>
      %sub3A_253 = arith.constant 10000 : i32
      %sub3A_254 = vector.broadcast %sub3A_253 : i32 to vector<16xi32>
      %sub3A_255 = arith.subi %add3A_249, %sub3A_254 : vector<16xi32>
      %select_n3A_256 = arith.select %lt3A_252, %add3A_249, %sub3A_255 : vector<16xi1>, vector<16xi32>
      %swap3A_257 = arith.constant 1 : i32
      %swap3A_258 = arith.index_cast %swap3A_257 : i32 to index
      %swap3A_259 = arith.constant 32 : index
      %swap3A_260 = tpu.vector_load %arg8[%swap3A_258, %swap3A_259] {strides = array<i32>} : memref<3x128xi32, #tpu.memory_space<vmem>>, vector<16xi32>,
      tpu.vector_store %arg8[%swap3A_258, %swap3A_259], %select_n3A_256 {strides = array<i32>} : memref<3x128xi32, #tpu.memory_space<vmem>>, vector<16xi32>,
      %swap3A_261 = arith.constant 1 : i32
      %swap3A_262 = arith.index_cast %swap3A_261 : i32 to index
      %swap3A_263 = arith.constant 32 : index
      %swap3A_264 = tpu.vector_load %arg9[%swap3A_262, %swap3A_263] {strides = array<i32>} : memref<3x128xi32, #tpu.memory_space<vmem>>, vector<16xi32>,
      tpu.vector_store %arg9[%swap3A_262, %swap3A_263], %select_n3A_256 {strides = array<i32>} : memref<3x128xi32, #tpu.memory_space<vmem>>, vector<16xi32>,
      %add3A_265 = arith.constant 48 : i32
      %add3A_266 = arith.addi %sub3A_208, %add3A_265 : i32
      %add3A_267 = vector.broadcast %add3A_266 : i32 to vector<16xi32>
      %add3A_268 = arith.addi %add3A_267, %iota3A : vector<16xi32>
      %lt3A_269 = arith.constant 10000 : i32
      %lt3A_270 = vector.broadcast %lt3A_269 : i32 to vector<16xi32>
      %lt3A_271 = arith.cmpi slt, %add3A_268, %lt3A_270 : vector<16xi32>
      %sub3A_272 = arith.constant 10000 : i32
      %sub3A_273 = vector.broadcast %sub3A_272 : i32 to vector<16xi32>
      %sub3A_274 = arith.subi %add3A_268, %sub3A_273 : vector<16xi32>
      %select_n3A_275 = arith.select %lt3A_271, %add3A_268, %sub3A_274 : vector<16xi1>, vector<16xi32>
      %swap3A_276 = arith.constant 1 : i32
      %swap3A_277 = arith.index_cast %swap3A_276 : i32 to index
      %swap3A_278 = arith.constant 48 : index
      %swap3A_279 = tpu.vector_load %arg8[%swap3A_277, %swap3A_278] {strides = array<i32>} : memref<3x128xi32, #tpu.memory_space<vmem>>, vector<16xi32>,
      tpu.vector_store %arg8[%swap3A_277, %swap3A_278], %select_n3A_275 {strides = array<i32>} : memref<3x128xi32, #tpu.memory_space<vmem>>, vector<16xi32>,
      %swap3A_280 = arith.constant 1 : i32
      %swap3A_281 = arith.index_cast %swap3A_280 : i32 to index
      %swap3A_282 = arith.constant 48 : index
      %swap3A_283 = tpu.vector_load %arg9[%swap3A_281, %swap3A_282] {strides = array<i32>} : memref<3x128xi32, #tpu.memory_space<vmem>>, vector<16xi32>,
      tpu.vector_store %arg9[%swap3A_281, %swap3A_282], %select_n3A_275 {strides = array<i32>} : memref<3x128xi32, #tpu.memory_space<vmem>>, vector<16xi32>,
      %add3A_284 = arith.constant 64 : i32
      %add3A_285 = arith.addi %sub3A_208, %add3A_284 : i32
      %add3A_286 = vector.broadcast %add3A_285 : i32 to vector<16xi32>
      %add3A_287 = arith.addi %add3A_286, %iota3A : vector<16xi32>
      %lt3A_288 = arith.constant 10000 : i32
      %lt3A_289 = vector.broadcast %lt3A_288 : i32 to vector<16xi32>
      %lt3A_290 = arith.cmpi slt, %add3A_287, %lt3A_289 : vector<16xi32>
      %sub3A_291 = arith.constant 10000 : i32
      %sub3A_292 = vector.broadcast %sub3A_291 : i32 to vector<16xi32>
      %sub3A_293 = arith.subi %add3A_287, %sub3A_292 : vector<16xi32>
      %select_n3A_294 = arith.select %lt3A_290, %add3A_287, %sub3A_293 : vector<16xi1>, vector<16xi32>
      %swap3A_295 = arith.constant 1 : i32
      %swap3A_296 = arith.index_cast %swap3A_295 : i32 to index
      %swap3A_297 = arith.constant 64 : index
      %swap3A_298 = tpu.vector_load %arg8[%swap3A_296, %swap3A_297] {strides = array<i32>} : memref<3x128xi32, #tpu.memory_space<vmem>>, vector<16xi32>,
      tpu.vector_store %arg8[%swap3A_296, %swap3A_297], %select_n3A_294 {strides = array<i32>} : memref<3x128xi32, #tpu.memory_space<vmem>>, vector<16xi32>,
      %swap3A_299 = arith.constant 1 : i32
      %swap3A_300 = arith.index_cast %swap3A_299 : i32 to index
      %swap3A_301 = arith.constant 64 : index
      %swap3A_302 = tpu.vector_load %arg9[%swap3A_300, %swap3A_301] {strides = array<i32>} : memref<3x128xi32, #tpu.memory_space<vmem>>, vector<16xi32>,
      tpu.vector_store %arg9[%swap3A_300, %swap3A_301], %select_n3A_294 {strides = array<i32>} : memref<3x128xi32, #tpu.memory_space<vmem>>, vector<16xi32>,
      %add3A_303 = arith.constant 80 : i32
      %add3A_304 = arith.addi %sub3A_208, %add3A_303 : i32
      %add3A_305 = vector.broadcast %add3A_304 : i32 to vector<16xi32>
      %add3A_306 = arith.addi %add3A_305, %iota3A : vector<16xi32>
      %lt3A_307 = arith.constant 10000 : i32
      %lt3A_308 = vector.broadcast %lt3A_307 : i32 to vector<16xi32>
      %lt3A_309 = arith.cmpi slt, %add3A_306, %lt3A_308 : vector<16xi32>
      %sub3A_310 = arith.constant 10000 : i32
      %sub3A_311 = vector.broadcast %sub3A_310 : i32 to vector<16xi32>
      %sub3A_312 = arith.subi %add3A_306, %sub3A_311 : vector<16xi32>
      %select_n3A_313 = arith.select %lt3A_309, %add3A_306, %sub3A_312 : vector<16xi1>, vector<16xi32>
      %swap3A_314 = arith.constant 1 : i32
      %swap3A_315 = arith.index_cast %swap3A_314 : i32 to index
      %swap3A_316 = arith.constant 80 : index
      %swap3A_317 = tpu.vector_load %arg8[%swap3A_315, %swap3A_316] {strides = array<i32>} : memref<3x128xi32, #tpu.memory_space<vmem>>, vector<16xi32>,
      tpu.vector_store %arg8[%swap3A_315, %swap3A_316], %select_n3A_313 {strides = array<i32>} : memref<3x128xi32, #tpu.memory_space<vmem>>, vector<16xi32>,
      %swap3A_318 = arith.constant 1 : i32
      %swap3A_319 = arith.index_cast %swap3A_318 : i32 to index
      %swap3A_320 = arith.constant 80 : index
      %swap3A_321 = tpu.vector_load %arg9[%swap3A_319, %swap3A_320] {strides = array<i32>} : memref<3x128xi32, #tpu.memory_space<vmem>>, vector<16xi32>,
      tpu.vector_store %arg9[%swap3A_319, %swap3A_320], %select_n3A_313 {strides = array<i32>} : memref<3x128xi32, #tpu.memory_space<vmem>>, vector<16xi32>,
      %add3A_322 = arith.constant 96 : i32
      %add3A_323 = arith.addi %sub3A_208, %add3A_322 : i32
      %add3A_324 = vector.broadcast %add3A_323 : i32 to vector<16xi32>
      %add3A_325 = arith.addi %add3A_324, %iota3A : vector<16xi32>
      %lt3A_326 = arith.constant 10000 : i32
      %lt3A_327 = vector.broadcast %lt3A_326 : i32 to vector<16xi32>
      %lt3A_328 = arith.cmpi slt, %add3A_325, %lt3A_327 : vector<16xi32>
      %sub3A_329 = arith.constant 10000 : i32
      %sub3A_330 = vector.broadcast %sub3A_329 : i32 to vector<16xi32>
      %sub3A_331 = arith.subi %add3A_325, %sub3A_330 : vector<16xi32>
      %select_n3A_332 = arith.select %lt3A_328, %add3A_325, %sub3A_331 : vector<16xi1>, vector<16xi32>
      %swap3A_333 = arith.constant 1 : i32
      %swap3A_334 = arith.index_cast %swap3A_333 : i32 to index
      %swap3A_335 = arith.constant 96 : index
      %swap3A_336 = tpu.vector_load %arg8[%swap3A_334, %swap3A_335] {strides = array<i32>} : memref<3x128xi32, #tpu.memory_space<vmem>>, vector<16xi32>,
      tpu.vector_store %arg8[%swap3A_334, %swap3A_335], %select_n3A_332 {strides = array<i32>} : memref<3x128xi32, #tpu.memory_space<vmem>>, vector<16xi32>,
      %swap3A_337 = arith.constant 1 : i32
      %swap3A_338 = arith.index_cast %swap3A_337 : i32 to index
      %swap3A_339 = arith.constant 96 : index
      %swap3A_340 = tpu.vector_load %arg9[%swap3A_338, %swap3A_339] {strides = array<i32>} : memref<3x128xi32, #tpu.memory_space<vmem>>, vector<16xi32>,
      tpu.vector_store %arg9[%swap3A_338, %swap3A_339], %select_n3A_332 {strides = array<i32>} : memref<3x128xi32, #tpu.memory_space<vmem>>, vector<16xi32>,
      %add3A_341 = arith.constant 112 : i32
      %add3A_342 = arith.addi %sub3A_208, %add3A_341 : i32
      %add3A_343 = vector.broadcast %add3A_342 : i32 to vector<16xi32>
      %add3A_344 = arith.addi %add3A_343, %iota3A : vector<16xi32>
      %lt3A_345 = arith.constant 10000 : i32
      %lt3A_346 = vector.broadcast %lt3A_345 : i32 to vector<16xi32>
      %lt3A_347 = arith.cmpi slt, %add3A_344, %lt3A_346 : vector<16xi32>
      %sub3A_348 = arith.constant 10000 : i32
      %sub3A_349 = vector.broadcast %sub3A_348 : i32 to vector<16xi32>
      %sub3A_350 = arith.subi %add3A_344, %sub3A_349 : vector<16xi32>
      %select_n3A_351 = arith.select %lt3A_347, %add3A_344, %sub3A_350 : vector<16xi1>, vector<16xi32>
      %swap3A_352 = arith.constant 1 : i32
      %swap3A_353 = arith.index_cast %swap3A_352 : i32 to index
      %swap3A_354 = arith.constant 112 : index
      %swap3A_355 = tpu.vector_load %arg8[%swap3A_353, %swap3A_354] {strides = array<i32>} : memref<3x128xi32, #tpu.memory_space<vmem>>, vector<16xi32>,
      tpu.vector_store %arg8[%swap3A_353, %swap3A_354], %select_n3A_351 {strides = array<i32>} : memref<3x128xi32, #tpu.memory_space<vmem>>, vector<16xi32>,
      %swap3A_356 = arith.constant 1 : i32
      %swap3A_357 = arith.index_cast %swap3A_356 : i32 to index
      %swap3A_358 = arith.constant 112 : index
      %swap3A_359 = tpu.vector_load %arg9[%swap3A_357, %swap3A_358] {strides = array<i32>} : memref<3x128xi32, #tpu.memory_space<vmem>>, vector<16xi32>,
      tpu.vector_store %arg9[%swap3A_357, %swap3A_358], %select_n3A_351 {strides = array<i32>} : memref<3x128xi32, #tpu.memory_space<vmem>>, vector<16xi32>,
    } else {
    }
    %dma_start3A = arith.constant 0 : i32
    %dma_start3A_112 = arith.constant 0 : i32
    %dma_start3A_113 = arith.constant 0 : i32
    %dma_start3A_114 = arith.constant 0 : i32
    %dma_start3A_115 = tpu.memref_slice %arg10[%dma_start3A_112, %dma_start3A_114] : memref<2x128xf32, #tpu.memory_space<vmem>> -> memref<1x128xf32, #tpu.memory_space<vmem>>
    %dma_start3A_116 = tpu.memref_squeeze %dma_start3A_115 : memref<1x128xf32, #tpu.memory_space<vmem>> -> memref<128xf32, #tpu.memory_space<vmem>>
    %dma_start3A_117 = arith.constant 0 : i32
    %dma_start3A_118 = tpu.memref_slice %arg8[%dma_start3A, %dma_start3A_117] : memref<3x128xi32, #tpu.memory_space<vmem>> -> memref<1x128xi32, #tpu.memory_space<vmem>>
    %dma_start3A_119 = tpu.memref_squeeze %dma_start3A_118 : memref<1x128xi32, #tpu.memory_space<vmem>> -> memref<128xi32, #tpu.memory_space<vmem>>
    %dma_start3A_120 = arith.constant 0 : i32
    %dma_start3A_121 = tpu.memref_slice %arg3[%dma_start3A_120] : memref<10112xf32, #tpu.memory_space<hbm>> -> memref<10112xf32, #tpu.memory_space<hbm>>
    %dma_start3A_122 = tpu.memref_slice %arg18[%dma_start3A_113] : memref<2x!tpu.dma_semaphore, #tpu.memory_space<semaphore_mem>> -> memref<1x!tpu.dma_semaphore, #tpu.memory_space<semaphore_mem>>
    %dma_start3A_123 = tpu.memref_squeeze %dma_start3A_122 : memref<1x!tpu.dma_semaphore, #tpu.memory_space<semaphore_mem>> -> memref<!tpu.dma_semaphore, #tpu.memory_space<semaphore_mem>>
    tpu.enqueue_indirect_dma source(%dma_start3A_121 : memref<10112xf32, #tpu.memory_space<hbm>>) target(%dma_start3A_116 : memref<128xf32, #tpu.memory_space<vmem>>) offsets(%dma_start3A_119 : memref<128xi32, #tpu.memory_space<vmem>>) semaphore(%dma_start3A_123 : memref<!tpu.dma_semaphore, #tpu.memory_space<semaphore_mem>>)
    %dma_start3A_124 = arith.constant 0 : i32
    %dma_start3A_125 = arith.constant 0 : i32
    %dma_start3A_126 = arith.constant 0 : i32
    %dma_start3A_127 = arith.constant 0 : i32
    %dma_start3A_128 = tpu.memref_slice %arg11[%dma_start3A_125, %dma_start3A_127] : memref<2x128xf32, #tpu.memory_space<vmem>> -> memref<1x128xf32, #tpu.memory_space<vmem>>
    %dma_start3A_129 = tpu.memref_squeeze %dma_start3A_128 : memref<1x128xf32, #tpu.memory_space<vmem>> -> memref<128xf32, #tpu.memory_space<vmem>>
    %dma_start3A_130 = arith.constant 0 : i32
    %dma_start3A_131 = tpu.memref_slice %arg9[%dma_start3A_124, %dma_start3A_130] : memref<3x128xi32, #tpu.memory_space<vmem>> -> memref<1x128xi32, #tpu.memory_space<vmem>>
    %dma_start3A_132 = tpu.memref_squeeze %dma_start3A_131 : memref<1x128xi32, #tpu.memory_space<vmem>> -> memref<128xi32, #tpu.memory_space<vmem>>
    %dma_start3A_133 = arith.constant 0 : i32
    %dma_start3A_134 = tpu.memref_slice %arg4[%dma_start3A_133] : memref<10112xf32, #tpu.memory_space<hbm>> -> memref<10112xf32, #tpu.memory_space<hbm>>
    %dma_start3A_135 = tpu.memref_slice %arg18[%dma_start3A_126] : memref<2x!tpu.dma_semaphore, #tpu.memory_space<semaphore_mem>> -> memref<1x!tpu.dma_semaphore, #tpu.memory_space<semaphore_mem>>
    %dma_start3A_136 = tpu.memref_squeeze %dma_start3A_135 : memref<1x!tpu.dma_semaphore, #tpu.memory_space<semaphore_mem>> -> memref<!tpu.dma_semaphore, #tpu.memory_space<semaphore_mem>>
    tpu.enqueue_indirect_dma source(%dma_start3A_134 : memref<10112xf32, #tpu.memory_space<hbm>>) target(%dma_start3A_129 : memref<128xf32, #tpu.memory_space<vmem>>) offsets(%dma_start3A_132 : memref<128xi32, #tpu.memory_space<vmem>>) semaphore(%dma_start3A_136 : memref<!tpu.dma_semaphore, #tpu.memory_space<semaphore_mem>>)
    %dma_start3A_137 = arith.constant 0 : i32
    %dma_start3A_138 = arith.constant 0 : i32
    %dma_start3A_139 = arith.constant 0 : i32
    %dma_start3A_140 = arith.constant 0 : i32
    %dma_start3A_141 = arith.constant 0 : i32
    %dma_start3A_142 = tpu.memref_slice %arg13[%dma_start3A_138, %dma_start3A_140, %dma_start3A_141] : memref<2x128x128xf32, #tpu.memory_space<vmem>> -> memref<1x128x128xf32, #tpu.memory_space<vmem>>
    %dma_start3A_143 = tpu.memref_squeeze %dma_start3A_142 : memref<1x128x128xf32, #tpu.memory_space<vmem>> -> memref<128x128xf32, #tpu.memory_space<vmem>>
    %dma_start3A_144 = arith.constant 0 : i32
    %dma_start3A_145 = tpu.memref_slice %arg8[%dma_start3A_137, %dma_start3A_144] : memref<3x128xi32, #tpu.memory_space<vmem>> -> memref<1x128xi32, #tpu.memory_space<vmem>>
    %dma_start3A_146 = tpu.memref_squeeze %dma_start3A_145 : memref<1x128xi32, #tpu.memory_space<vmem>> -> memref<128xi32, #tpu.memory_space<vmem>>
    %dma_start3A_147 = arith.constant 0 : i32
    %dma_start3A_148 = arith.constant 0 : i32
    %dma_start3A_149 = tpu.memref_slice %arg2[%dma_start3A_147, %dma_start3A_148] : memref<10112x128xf32, #tpu.memory_space<hbm>> -> memref<10112x128xf32, #tpu.memory_space<hbm>>
    %dma_start3A_150 = tpu.memref_slice %arg19[%dma_start3A_139] : memref<2x!tpu.dma_semaphore, #tpu.memory_space<semaphore_mem>> -> memref<1x!tpu.dma_semaphore, #tpu.memory_space<semaphore_mem>>
    %dma_start3A_151 = tpu.memref_squeeze %dma_start3A_150 : memref<1x!tpu.dma_semaphore, #tpu.memory_space<semaphore_mem>> -> memref<!tpu.dma_semaphore, #tpu.memory_space<semaphore_mem>>
    tpu.enqueue_indirect_dma source(%dma_start3A_149 : memref<10112x128xf32, #tpu.memory_space<hbm>>) target(%dma_start3A_143 : memref<128x128xf32, #tpu.memory_space<vmem>>) offsets(%dma_start3A_146 : memref<128xi32, #tpu.memory_space<vmem>>) semaphore(%dma_start3A_151 : memref<!tpu.dma_semaphore, #tpu.memory_space<semaphore_mem>>)
    %scan3A_152 = arith.constant 0 : i32
    %scan3A_153 = arith.constant 0 : i32
    %scan3A_154 = arith.constant 81 : i32
    %scan3A_155 = arith.addi %scan3A_153, %scan3A_154 : i32
    %scan3A_156 = arith.constant 1 : i32
    %scan3A_157 = scf.for %scan3A_202 = %scan3A_153 to %scan3A_155 step %scan3A_156 iter_args(%scan3A_203 = %scan3A_152) -> (i32)  : i32 {
      %rem3A = arith.constant 2 : i32
      %rem3A_204 = arith.remsi %scan3A_202, %rem3A : i32
      %sub3A = arith.constant 1 : i32
      %sub3A_205 = arith.subi %sub3A, %rem3A_204 : i32
      %rem3A_206 = arith.constant 3 : i32
      %rem3A_207 = arith.remsi %scan3A_202, %rem3A_206 : i32
      %add3A_208 = arith.constant 1 : i32
      %add3A_209 = arith.addi %scan3A_202, %add3A_208 : i32
      %rem3A_210 = arith.constant 3 : i32
      %rem3A_211 = arith.remsi %add3A_209, %rem3A_210 : i32
      %add3A_212 = arith.constant 2 : i32
      %add3A_213 = arith.addi %scan3A_202, %add3A_212 : i32
      %rem3A_214 = arith.constant 3 : i32
      %rem3A_215 = arith.remsi %add3A_213, %rem3A_214 : i32
      %ge3A_216 = arith.constant 1 : i32
      %ge3A_217 = arith.cmpi sge, %scan3A_202, %ge3A_216 : i32
      %convert_element_type3A_218 = arith.extui %ge3A_217 : i1 to i32
      %cond3A_219 = arith.constant 0 : i32
      %cond3A_220 = arith.cmpi ne, %convert_element_type3A_218, %cond3A_219 : i32
      scf.if %cond3A_220 {
        %dma_wait3A_524 = arith.constant 0 : i32
        %dma_wait3A_525 = arith.constant 0 : i32
        %dma_wait3A_526 = tpu.memref_slice %arg13[%sub3A_205, %dma_wait3A_524, %dma_wait3A_525] : memref<2x128x128xf32, #tpu.memory_space<vmem>> -> memref<1x128x128xf32, #tpu.memory_space<vmem>>
        %dma_wait3A_527 = tpu.memref_squeeze %dma_wait3A_526 : memref<1x128x128xf32, #tpu.memory_space<vmem>> -> memref<128x128xf32, #tpu.memory_space<vmem>>
        %dma_wait3A_528 = arith.constant 0 : i32
        %dma_wait3A_529 = arith.constant 0 : i32
        %dma_wait3A_530 = tpu.memref_slice %arg2[%dma_wait3A_528, %dma_wait3A_529] : memref<10112x128xf32, #tpu.memory_space<hbm>> -> memref<128x128xf32, #tpu.memory_space<hbm>>
        %dma_wait3A_531 = tpu.memref_slice %arg20[%sub3A_205] : memref<2x!tpu.dma_semaphore, #tpu.memory_space<semaphore_mem>> -> memref<1x!tpu.dma_semaphore, #tpu.memory_space<semaphore_mem>>
        %dma_wait3A_532 = tpu.memref_squeeze %dma_wait3A_531 : memref<1x!tpu.dma_semaphore, #tpu.memory_space<semaphore_mem>> -> memref<!tpu.dma_semaphore, #tpu.memory_space<semaphore_mem>>
        %dma_wait3A_533 = arith.constant 0 : i32
        %dma_wait3A_534 = arith.constant 0 : i32
        %dma_wait3A_535 = tpu.memref_slice %arg13[%sub3A_205, %dma_wait3A_533, %dma_wait3A_534] : memref<2x128x128xf32, #tpu.memory_space<vmem>> -> memref<1x128x128xf32, #tpu.memory_space<vmem>>
        %dma_wait3A_536 = tpu.memref_squeeze %dma_wait3A_535 : memref<1x128x128xf32, #tpu.memory_space<vmem>> -> memref<128x128xf32, #tpu.memory_space<vmem>>
        %dma_wait3A_537 = arith.constant 0 : i32
        %dma_wait3A_538 = arith.constant 0 : i32
        %dma_wait3A_539 = tpu.memref_slice %arg2[%dma_wait3A_537, %dma_wait3A_538] : memref<10112x128xf32, #tpu.memory_space<hbm>> -> memref<128x128xf32, #tpu.memory_space<hbm>>
        tpu.wait_dma2 semaphore(%dma_wait3A_532 : memref<!tpu.dma_semaphore, #tpu.memory_space<semaphore_mem>>) src(%dma_wait3A_539 : memref<128x128xf32, #tpu.memory_space<hbm>>) dst(%dma_wait3A_536 : memref<128x128xf32, #tpu.memory_space<vmem>>)
        %dma_wait3A_540 = arith.constant 0 : i32
        %dma_wait3A_541 = tpu.memref_slice %arg12[%sub3A_205, %dma_wait3A_540] : memref<2x128xf32, #tpu.memory_space<vmem>> -> memref<1x128xf32, #tpu.memory_space<vmem>>
        %dma_wait3A_542 = tpu.memref_squeeze %dma_wait3A_541 : memref<1x128xf32, #tpu.memory_space<vmem>> -> memref<128xf32, #tpu.memory_space<vmem>>
        %dma_wait3A_543 = arith.constant 0 : i32
        %dma_wait3A_544 = tpu.memref_slice %arg3[%dma_wait3A_543] : memref<10112xf32, #tpu.memory_space<hbm>> -> memref<128xf32, #tpu.memory_space<hbm>>
        %dma_wait3A_545 = tpu.memref_slice %arg21[%sub3A_205] : memref<2x!tpu.dma_semaphore, #tpu.memory_space<semaphore_mem>> -> memref<1x!tpu.dma_semaphore, #tpu.memory_space<semaphore_mem>>
        %dma_wait3A_546 = tpu.memref_squeeze %dma_wait3A_545 : memref<1x!tpu.dma_semaphore, #tpu.memory_space<semaphore_mem>> -> memref<!tpu.dma_semaphore, #tpu.memory_space<semaphore_mem>>
        %dma_wait3A_547 = arith.constant 0 : i32
        %dma_wait3A_548 = tpu.memref_slice %arg12[%sub3A_205, %dma_wait3A_547] : memref<2x128xf32, #tpu.memory_space<vmem>> -> memref<1x128xf32, #tpu.memory_space<vmem>>
        %dma_wait3A_549 = tpu.memref_squeeze %dma_wait3A_548 : memref<1x128xf32, #tpu.memory_space<vmem>> -> memref<128xf32, #tpu.memory_space<vmem>>
        %dma_wait3A_550 = arith.constant 0 : i32
        %dma_wait3A_551 = tpu.memref_slice %arg3[%dma_wait3A_550] : memref<10112xf32, #tpu.memory_space<hbm>> -> memref<128xf32, #tpu.memory_space<hbm>>
        tpu.wait_dma2 semaphore(%dma_wait3A_546 : memref<!tpu.dma_semaphore, #tpu.memory_space<semaphore_mem>>) src(%dma_wait3A_551 : memref<128xf32, #tpu.memory_space<hbm>>) dst(%dma_wait3A_549 : memref<128xf32, #tpu.memory_space<vmem>>)
      } else {
      }
      %le3A = arith.constant 79 : i32
      %le3A_221 = arith.cmpi sle, %scan3A_202, %le3A : i32
      %convert_element_type3A_222 = arith.extui %le3A_221 : i1 to i32
      %cond3A_223 = arith.constant 0 : i32
      %cond3A_224 = arith.cmpi ne, %convert_element_type3A_222, %cond3A_223 : i32
      scf.if %cond3A_224 {
        %add3A_524 = arith.constant 1 : i32
        %add3A_525 = arith.addi %scan3A_202, %add3A_524 : i32
        %mul3A_526 = arith.constant 81 : i32
        %mul3A_527 = arith.muli %add3A, %mul3A_526 : i32
        %add3A_528 = arith.addi %mul3A_527, %add3A_525 : i32
        %lt3A_529 = arith.constant 2500 : i32
        %lt3A_530 = arith.cmpi slt, %add3A_528, %lt3A_529 : i32
        %convert_element_type3A_531 = arith.extui %lt3A_530 : i1 to i32
        %cond3A_532 = arith.constant 0 : i32
        %cond3A_533 = arith.cmpi ne, %convert_element_type3A_531, %cond3A_532 : i32
        scf.if %cond3A_533 {
          %dma_wait3A_566 = arith.constant 0 : i32
          %dma_wait3A_567 = arith.constant 0 : i32
          %dma_wait3A_568 = arith.constant 0 : i32
          %dma_wait3A_569 = tpu.memref_slice %arg8[%rem3A_211, %dma_wait3A_568] : memref<3x128xi32, #tpu.memory_space<vmem>> -> memref<1x128xi32, #tpu.memory_space<vmem>>
          %dma_wait3A_570 = tpu.memref_squeeze %dma_wait3A_569 : memref<1x128xi32, #tpu.memory_space<vmem>> -> memref<128xi32, #tpu.memory_space<vmem>>
          %dma_wait3A_571 = arith.constant 0 : i32
          %dma_wait3A_572 = tpu.memref_slice %arg5[%dma_wait3A_566, %dma_wait3A_567, %dma_wait3A_571] : memref<2x2500x128xi32, #tpu.memory_space<hbm>> -> memref<1x1x128xi32, #tpu.memory_space<hbm>>
          %dma_wait3A_573 = tpu.memref_squeeze %dma_wait3A_572 : memref<1x1x128xi32, #tpu.memory_space<hbm>> -> memref<128xi32, #tpu.memory_space<hbm>>
          %dma_wait3A_574 = tpu.memref_slice %arg17[%rem3A_211] : memref<3x!tpu.dma_semaphore, #tpu.memory_space<semaphore_mem>> -> memref<1x!tpu.dma_semaphore, #tpu.memory_space<semaphore_mem>>
          %dma_wait3A_575 = tpu.memref_squeeze %dma_wait3A_574 : memref<1x!tpu.dma_semaphore, #tpu.memory_space<semaphore_mem>> -> memref<!tpu.dma_semaphore, #tpu.memory_space<semaphore_mem>>
          %dma_wait3A_576 = arith.constant 0 : i32
          %dma_wait3A_577 = tpu.memref_slice %arg8[%rem3A_211, %dma_wait3A_576] : memref<3x128xi32, #tpu.memory_space<vmem>> -> memref<1x128xi32, #tpu.memory_space<vmem>>
          %dma_wait3A_578 = tpu.memref_squeeze %dma_wait3A_577 : memref<1x128xi32, #tpu.memory_space<vmem>> -> memref<128xi32, #tpu.memory_space<vmem>>
          %dma_wait3A_579 = arith.constant 0 : i32
          %dma_wait3A_580 = tpu.memref_slice %arg5[%dma_wait3A_566, %dma_wait3A_567, %dma_wait3A_579] : memref<2x2500x128xi32, #tpu.memory_space<hbm>> -> memref<1x1x128xi32, #tpu.memory_space<hbm>>
          %dma_wait3A_581 = tpu.memref_squeeze %dma_wait3A_580 : memref<1x1x128xi32, #tpu.memory_space<hbm>> -> memref<128xi32, #tpu.memory_space<hbm>>
          tpu.wait_dma2 semaphore(%dma_wait3A_575 : memref<!tpu.dma_semaphore, #tpu.memory_space<semaphore_mem>>) src(%dma_wait3A_581 : memref<128xi32, #tpu.memory_space<hbm>>) dst(%dma_wait3A_578 : memref<128xi32, #tpu.memory_space<vmem>>)
          %dma_wait3A_582 = arith.constant 1 : i32
          %dma_wait3A_583 = arith.constant 0 : i32
          %dma_wait3A_584 = arith.constant 0 : i32
          %dma_wait3A_585 = tpu.memref_slice %arg9[%rem3A_211, %dma_wait3A_584] : memref<3x128xi32, #tpu.memory_space<vmem>> -> memref<1x128xi32, #tpu.memory_space<vmem>>
          %dma_wait3A_586 = tpu.memref_squeeze %dma_wait3A_585 : memref<1x128xi32, #tpu.memory_space<vmem>> -> memref<128xi32, #tpu.memory_space<vmem>>
          %dma_wait3A_587 = arith.constant 0 : i32
          %dma_wait3A_588 = tpu.memref_slice %arg5[%dma_wait3A_582, %dma_wait3A_583, %dma_wait3A_587] : memref<2x2500x128xi32, #tpu.memory_space<hbm>> -> memref<1x1x128xi32, #tpu.memory_space<hbm>>
          %dma_wait3A_589 = tpu.memref_squeeze %dma_wait3A_588 : memref<1x1x128xi32, #tpu.memory_space<hbm>> -> memref<128xi32, #tpu.memory_space<hbm>>
          %dma_wait3A_590 = tpu.memref_slice %arg17[%rem3A_211] : memref<3x!tpu.dma_semaphore, #tpu.memory_space<semaphore_mem>> -> memref<1x!tpu.dma_semaphore, #tpu.memory_space<semaphore_mem>>
          %dma_wait3A_591 = tpu.memref_squeeze %dma_wait3A_590 : memref<1x!tpu.dma_semaphore, #tpu.memory_space<semaphore_mem>> -> memref<!tpu.dma_semaphore, #tpu.memory_space<semaphore_mem>>
          %dma_wait3A_592 = arith.constant 0 : i32
          %dma_wait3A_593 = tpu.memref_slice %arg9[%rem3A_211, %dma_wait3A_592] : memref<3x128xi32, #tpu.memory_space<vmem>> -> memref<1x128xi32, #tpu.memory_space<vmem>>
          %dma_wait3A_594 = tpu.memref_squeeze %dma_wait3A_593 : memref<1x128xi32, #tpu.memory_space<vmem>> -> memref<128xi32, #tpu.memory_space<vmem>>
          %dma_wait3A_595 = arith.constant 0 : i32
          %dma_wait3A_596 = tpu.memref_slice %arg5[%dma_wait3A_582, %dma_wait3A_583, %dma_wait3A_595] : memref<2x2500x128xi32, #tpu.memory_space<hbm>> -> memref<1x1x128xi32, #tpu.memory_space<hbm>>
          %dma_wait3A_597 = tpu.memref_squeeze %dma_wait3A_596 : memref<1x1x128xi32, #tpu.memory_space<hbm>> -> memref<128xi32, #tpu.memory_space<hbm>>
          tpu.wait_dma2 semaphore(%dma_wait3A_591 : memref<!tpu.dma_semaphore, #tpu.memory_space<semaphore_mem>>) src(%dma_wait3A_597 : memref<128xi32, #tpu.memory_space<hbm>>) dst(%dma_wait3A_594 : memref<128xi32, #tpu.memory_space<vmem>>)
        } else {
        }
        %dma_start3A_534 = arith.constant 0 : i32
        %dma_start3A_535 = tpu.memref_slice %arg10[%sub3A_205, %dma_start3A_534] : memref<2x128xf32, #tpu.memory_space<vmem>> -> memref<1x128xf32, #tpu.memory_space<vmem>>
        %dma_start3A_536 = tpu.memref_squeeze %dma_start3A_535 : memref<1x128xf32, #tpu.memory_space<vmem>> -> memref<128xf32, #tpu.memory_space<vmem>>
        %dma_start3A_537 = arith.constant 0 : i32
        %dma_start3A_538 = tpu.memref_slice %arg8[%rem3A_211, %dma_start3A_537] : memref<3x128xi32, #tpu.memory_space<vmem>> -> memref<1x128xi32, #tpu.memory_space<vmem>>
        %dma_start3A_539 = tpu.memref_squeeze %dma_start3A_538 : memref<1x128xi32, #tpu.memory_space<vmem>> -> memref<128xi32, #tpu.memory_space<vmem>>
        %dma_start3A_540 = arith.constant 0 : i32
        %dma_start3A_541 = tpu.memref_slice %arg3[%dma_start3A_540] : memref<10112xf32, #tpu.memory_space<hbm>> -> memref<10112xf32, #tpu.memory_space<hbm>>
        %dma_start3A_542 = tpu.memref_slice %arg18[%sub3A_205] : memref<2x!tpu.dma_semaphore, #tpu.memory_space<semaphore_mem>> -> memref<1x!tpu.dma_semaphore, #tpu.memory_space<semaphore_mem>>
        %dma_start3A_543 = tpu.memref_squeeze %dma_start3A_542 : memref<1x!tpu.dma_semaphore, #tpu.memory_space<semaphore_mem>> -> memref<!tpu.dma_semaphore, #tpu.memory_space<semaphore_mem>>
        tpu.enqueue_indirect_dma source(%dma_start3A_541 : memref<10112xf32, #tpu.memory_space<hbm>>) target(%dma_start3A_536 : memref<128xf32, #tpu.memory_space<vmem>>) offsets(%dma_start3A_539 : memref<128xi32, #tpu.memory_space<vmem>>) semaphore(%dma_start3A_543 : memref<!tpu.dma_semaphore, #tpu.memory_space<semaphore_mem>>)
        %dma_start3A_544 = arith.constant 0 : i32
        %dma_start3A_545 = tpu.memref_slice %arg11[%sub3A_205, %dma_start3A_544] : memref<2x128xf32, #tpu.memory_space<vmem>> -> memref<1x128xf32, #tpu.memory_space<vmem>>
        %dma_start3A_546 = tpu.memref_squeeze %dma_start3A_545 : memref<1x128xf32, #tpu.memory_space<vmem>> -> memref<128xf32, #tpu.memory_space<vmem>>
        %dma_start3A_547 = arith.constant 0 : i32
        %dma_start3A_548 = tpu.memref_slice %arg9[%rem3A_211, %dma_start3A_547] : memref<3x128xi32, #tpu.memory_space<vmem>> -> memref<1x128xi32, #tpu.memory_space<vmem>>
        %dma_start3A_549 = tpu.memref_squeeze %dma_start3A_548 : memref<1x128xi32, #tpu.memory_space<vmem>> -> memref<128xi32, #tpu.memory_space<vmem>>
        %dma_start3A_550 = arith.constant 0 : i32
        %dma_start3A_551 = tpu.memref_slice %arg4[%dma_start3A_550] : memref<10112xf32, #tpu.memory_space<hbm>> -> memref<10112xf32, #tpu.memory_space<hbm>>
        %dma_start3A_552 = tpu.memref_slice %arg18[%sub3A_205] : memref<2x!tpu.dma_semaphore, #tpu.memory_space<semaphore_mem>> -> memref<1x!tpu.dma_semaphore, #tpu.memory_space<semaphore_mem>>
        %dma_start3A_553 = tpu.memref_squeeze %dma_start3A_552 : memref<1x!tpu.dma_semaphore, #tpu.memory_space<semaphore_mem>> -> memref<!tpu.dma_semaphore, #tpu.memory_space<semaphore_mem>>
        tpu.enqueue_indirect_dma source(%dma_start3A_551 : memref<10112xf32, #tpu.memory_space<hbm>>) target(%dma_start3A_546 : memref<128xf32, #tpu.memory_space<vmem>>) offsets(%dma_start3A_549 : memref<128xi32, #tpu.memory_space<vmem>>) semaphore(%dma_start3A_553 : memref<!tpu.dma_semaphore, #tpu.memory_space<semaphore_mem>>)
        %dma_start3A_554 = arith.constant 0 : i32
        %dma_start3A_555 = arith.constant 0 : i32
        %dma_start3A_556 = tpu.memref_slice %arg13[%sub3A_205, %dma_start3A_554, %dma_start3A_555] : memref<2x128x128xf32, #tpu.memory_space<vmem>> -> memref<1x128x128xf32, #tpu.memory_space<vmem>>
        %dma_start3A_557 = tpu.memref_squeeze %dma_start3A_556 : memref<1x128x128xf32, #tpu.memory_space<vmem>> -> memref<128x128xf32, #tpu.memory_space<vmem>>
        %dma_start3A_558 = arith.constant 0 : i32
        %dma_start3A_559 = tpu.memref_slice %arg8[%rem3A_211, %dma_start3A_558] : memref<3x128xi32, #tpu.memory_space<vmem>> -> memref<1x128xi32, #tpu.memory_space<vmem>>
        %dma_start3A_560 = tpu.memref_squeeze %dma_start3A_559 : memref<1x128xi32, #tpu.memory_space<vmem>> -> memref<128xi32, #tpu.memory_space<vmem>>
        %dma_start3A_561 = arith.constant 0 : i32
        %dma_start3A_562 = arith.constant 0 : i32
        %dma_start3A_563 = tpu.memref_slice %arg2[%dma_start3A_561, %dma_start3A_562] : memref<10112x128xf32, #tpu.memory_space<hbm>> -> memref<10112x128xf32, #tpu.memory_space<hbm>>
        %dma_start3A_564 = tpu.memref_slice %arg19[%sub3A_205] : memref<2x!tpu.dma_semaphore, #tpu.memory_space<semaphore_mem>> -> memref<1x!tpu.dma_semaphore, #tpu.memory_space<semaphore_mem>>
        %dma_start3A_565 = tpu.memref_squeeze %dma_start3A_564 : memref<1x!tpu.dma_semaphore, #tpu.memory_space<semaphore_mem>> -> memref<!tpu.dma_semaphore, #tpu.memory_space<semaphore_mem>>
        tpu.enqueue_indirect_dma source(%dma_start3A_563 : memref<10112x128xf32, #tpu.memory_space<hbm>>) target(%dma_start3A_557 : memref<128x128xf32, #tpu.memory_space<vmem>>) offsets(%dma_start3A_560 : memref<128xi32, #tpu.memory_space<vmem>>) semaphore(%dma_start3A_565 : memref<!tpu.dma_semaphore, #tpu.memory_space<semaphore_mem>>)
      } else {
      }
      %dma_wait3A_225 = arith.constant 0 : i32
      %dma_wait3A_226 = arith.constant 0 : i32
      %dma_wait3A_227 = tpu.memref_slice %arg13[%rem3A_204, %dma_wait3A_225, %dma_wait3A_226] : memref<2x128x128xf32, #tpu.memory_space<vmem>> -> memref<1x128x128xf32, #tpu.memory_space<vmem>>
      %dma_wait3A_228 = tpu.memref_squeeze %dma_wait3A_227 : memref<1x128x128xf32, #tpu.memory_space<vmem>> -> memref<128x128xf32, #tpu.memory_space<vmem>>
      %dma_wait3A_229 = arith.constant 0 : i32
      %dma_wait3A_230 = arith.constant 0 : i32
      %dma_wait3A_231 = tpu.memref_slice %arg2[%dma_wait3A_229, %dma_wait3A_230] : memref<10112x128xf32, #tpu.memory_space<hbm>> -> memref<128x128xf32, #tpu.memory_space<hbm>>
      %dma_wait3A_232 = tpu.memref_slice %arg19[%rem3A_204] : memref<2x!tpu.dma_semaphore, #tpu.memory_space<semaphore_mem>> -> memref<1x!tpu.dma_semaphore, #tpu.memory_space<semaphore_mem>>
      %dma_wait3A_233 = tpu.memref_squeeze %dma_wait3A_232 : memref<1x!tpu.dma_semaphore, #tpu.memory_space<semaphore_mem>> -> memref<!tpu.dma_semaphore, #tpu.memory_space<semaphore_mem>>
      %dma_wait3A_234 = arith.constant 0 : i32
      %dma_wait3A_235 = arith.constant 0 : i32
      %dma_wait3A_236 = tpu.memref_slice %arg13[%rem3A_204, %dma_wait3A_234, %dma_wait3A_235] : memref<2x128x128xf32, #tpu.memory_space<vmem>> -> memref<1x128x128xf32, #tpu.memory_space<vmem>>
      %dma_wait3A_237 = tpu.memref_squeeze %dma_wait3A_236 : memref<1x128x128xf32, #tpu.memory_space<vmem>> -> memref<128x128xf32, #tpu.memory_space<vmem>>
      %dma_wait3A_238 = arith.constant 0 : i32
      %dma_wait3A_239 = arith.constant 0 : i32
      %dma_wait3A_240 = tpu.memref_slice %arg2[%dma_wait3A_238, %dma_wait3A_239] : memref<10112x128xf32, #tpu.memory_space<hbm>> -> memref<128x128xf32, #tpu.memory_space<hbm>>
      tpu.wait_dma2 semaphore(%dma_wait3A_233 : memref<!tpu.dma_semaphore, #tpu.memory_space<semaphore_mem>>) src(%dma_wait3A_240 : memref<128x128xf32, #tpu.memory_space<hbm>>) dst(%dma_wait3A_237 : memref<128x128xf32, #tpu.memory_space<vmem>>)
      %dma_wait3A_241 = arith.constant 0 : i32
      %dma_wait3A_242 = tpu.memref_slice %arg10[%rem3A_204, %dma_wait3A_241] : memref<2x128xf32, #tpu.memory_space<vmem>> -> memref<1x128xf32, #tpu.memory_space<vmem>>
      %dma_wait3A_243 = tpu.memref_squeeze %dma_wait3A_242 : memref<1x128xf32, #tpu.memory_space<vmem>> -> memref<128xf32, #tpu.memory_space<vmem>>
      %dma_wait3A_244 = arith.constant 0 : i32
      %dma_wait3A_245 = tpu.memref_slice %arg3[%dma_wait3A_244] : memref<10112xf32, #tpu.memory_space<hbm>> -> memref<128xf32, #tpu.memory_space<hbm>>
      %dma_wait3A_246 = tpu.memref_slice %arg18[%rem3A_204] : memref<2x!tpu.dma_semaphore, #tpu.memory_space<semaphore_mem>> -> memref<1x!tpu.dma_semaphore, #tpu.memory_space<semaphore_mem>>
      %dma_wait3A_247 = tpu.memref_squeeze %dma_wait3A_246 : memref<1x!tpu.dma_semaphore, #tpu.memory_space<semaphore_mem>> -> memref<!tpu.dma_semaphore, #tpu.memory_space<semaphore_mem>>
      %dma_wait3A_248 = arith.constant 0 : i32
      %dma_wait3A_249 = tpu.memref_slice %arg10[%rem3A_204, %dma_wait3A_248] : memref<2x128xf32, #tpu.memory_space<vmem>> -> memref<1x128xf32, #tpu.memory_space<vmem>>
      %dma_wait3A_250 = tpu.memref_squeeze %dma_wait3A_249 : memref<1x128xf32, #tpu.memory_space<vmem>> -> memref<128xf32, #tpu.memory_space<vmem>>
      %dma_wait3A_251 = arith.constant 0 : i32
      %dma_wait3A_252 = tpu.memref_slice %arg3[%dma_wait3A_251] : memref<10112xf32, #tpu.memory_space<hbm>> -> memref<128xf32, #tpu.memory_space<hbm>>
      tpu.wait_dma2 semaphore(%dma_wait3A_247 : memref<!tpu.dma_semaphore, #tpu.memory_space<semaphore_mem>>) src(%dma_wait3A_252 : memref<128xf32, #tpu.memory_space<hbm>>) dst(%dma_wait3A_250 : memref<128xf32, #tpu.memory_space<vmem>>)
      %dma_wait3A_253 = arith.constant 0 : i32
      %dma_wait3A_254 = tpu.memref_slice %arg11[%rem3A_204, %dma_wait3A_253] : memref<2x128xf32, #tpu.memory_space<vmem>> -> memref<1x128xf32, #tpu.memory_space<vmem>>
      %dma_wait3A_255 = tpu.memref_squeeze %dma_wait3A_254 : memref<1x128xf32, #tpu.memory_space<vmem>> -> memref<128xf32, #tpu.memory_space<vmem>>
      %dma_wait3A_256 = arith.constant 0 : i32
      %dma_wait3A_257 = tpu.memref_slice %arg4[%dma_wait3A_256] : memref<10112xf32, #tpu.memory_space<hbm>> -> memref<128xf32, #tpu.memory_space<hbm>>
      %dma_wait3A_258 = tpu.memref_slice %arg18[%rem3A_204] : memref<2x!tpu.dma_semaphore, #tpu.memory_space<semaphore_mem>> -> memref<1x!tpu.dma_semaphore, #tpu.memory_space<semaphore_mem>>
      %dma_wait3A_259 = tpu.memref_squeeze %dma_wait3A_258 : memref<1x!tpu.dma_semaphore, #tpu.memory_space<semaphore_mem>> -> memref<!tpu.dma_semaphore, #tpu.memory_space<semaphore_mem>>
      %dma_wait3A_260 = arith.constant 0 : i32
      %dma_wait3A_261 = tpu.memref_slice %arg11[%rem3A_204, %dma_wait3A_260] : memref<2x128xf32, #tpu.memory_space<vmem>> -> memref<1x128xf32, #tpu.memory_space<vmem>>
      %dma_wait3A_262 = tpu.memref_squeeze %dma_wait3A_261 : memref<1x128xf32, #tpu.memory_space<vmem>> -> memref<128xf32, #tpu.memory_space<vmem>>
      %dma_wait3A_263 = arith.constant 0 : i32
      %dma_wait3A_264 = tpu.memref_slice %arg4[%dma_wait3A_263] : memref<10112xf32, #tpu.memory_space<hbm>> -> memref<128xf32, #tpu.memory_space<hbm>>
      tpu.wait_dma2 semaphore(%dma_wait3A_259 : memref<!tpu.dma_semaphore, #tpu.memory_space<semaphore_mem>>) src(%dma_wait3A_264 : memref<128xf32, #tpu.memory_space<hbm>>) dst(%dma_wait3A_262 : memref<128xf32, #tpu.memory_space<vmem>>)
      %le3A_265 = arith.constant 78 : i32
      %le3A_266 = arith.cmpi sle, %scan3A_202, %le3A_265 : i32
      %convert_element_type3A_267 = arith.extui %le3A_266 : i1 to i32
      %cond3A_268 = arith.constant 0 : i32
      %cond3A_269 = arith.cmpi ne, %convert_element_type3A_267, %cond3A_268 : i32
      scf.if %cond3A_269 {
        %add3A_524 = arith.constant 2 : i32
        %add3A_525 = arith.addi %scan3A_202, %add3A_524 : i32
        %mul3A_526 = arith.constant 81 : i32
        %mul3A_527 = arith.muli %add3A, %mul3A_526 : i32
        %add3A_528 = arith.addi %mul3A_527, %add3A_525 : i32
        %lt3A_529 = arith.constant 2500 : i32
        %lt3A_530 = arith.cmpi slt, %add3A_528, %lt3A_529 : i32
        %convert_element_type3A_531 = arith.extui %lt3A_530 : i1 to i32
        %cond3A_532 = arith.constant 0 : i32
        %cond3A_533 = arith.cmpi ne, %convert_element_type3A_531, %cond3A_532 : i32
        scf.if %cond3A_533 {
          %dma_start3A_539 = arith.constant 0 : i32
          %dma_start3A_540 = arith.constant 0 : i32
          %dma_start3A_541 = tpu.memref_slice %arg8[%rem3A_215, %dma_start3A_540] : memref<3x128xi32, #tpu.memory_space<vmem>> -> memref<1x128xi32, #tpu.memory_space<vmem>>
          %dma_start3A_542 = tpu.memref_squeeze %dma_start3A_541 : memref<1x128xi32, #tpu.memory_space<vmem>> -> memref<128xi32, #tpu.memory_space<vmem>>
          %dma_start3A_543 = arith.constant 0 : i32
          %dma_start3A_544 = tpu.memref_slice %arg5[%dma_start3A_539, %add3A_528, %dma_start3A_543] : memref<2x2500x128xi32, #tpu.memory_space<hbm>> -> memref<1x1x128xi32, #tpu.memory_space<hbm>>
          %dma_start3A_545 = tpu.memref_squeeze %dma_start3A_544 : memref<1x1x128xi32, #tpu.memory_space<hbm>> -> memref<128xi32, #tpu.memory_space<hbm>>
          %dma_start3A_546 = tpu.memref_slice %arg17[%rem3A_215] : memref<3x!tpu.dma_semaphore, #tpu.memory_space<semaphore_mem>> -> memref<1x!tpu.dma_semaphore, #tpu.memory_space<semaphore_mem>>
          %dma_start3A_547 = tpu.memref_squeeze %dma_start3A_546 : memref<1x!tpu.dma_semaphore, #tpu.memory_space<semaphore_mem>> -> memref<!tpu.dma_semaphore, #tpu.memory_space<semaphore_mem>>
          %dma_start3A_548 = arith.constant 0 : i32
          %dma_start3A_549 = tpu.memref_slice %arg8[%rem3A_215, %dma_start3A_548] : memref<3x128xi32, #tpu.memory_space<vmem>> -> memref<1x128xi32, #tpu.memory_space<vmem>>
          %dma_start3A_550 = tpu.memref_squeeze %dma_start3A_549 : memref<1x128xi32, #tpu.memory_space<vmem>> -> memref<128xi32, #tpu.memory_space<vmem>>
          %dma_start3A_551 = arith.constant 0 : i32
          %dma_start3A_552 = tpu.memref_slice %arg5[%dma_start3A_539, %add3A_528, %dma_start3A_551] : memref<2x2500x128xi32, #tpu.memory_space<hbm>> -> memref<1x1x128xi32, #tpu.memory_space<hbm>>
          %dma_start3A_553 = tpu.memref_squeeze %dma_start3A_552 : memref<1x1x128xi32, #tpu.memory_space<hbm>> -> memref<128xi32, #tpu.memory_space<hbm>>
          tpu.enqueue_dma source(%dma_start3A_553 : memref<128xi32, #tpu.memory_space<hbm>>) target(%dma_start3A_550 : memref<128xi32, #tpu.memory_space<vmem>>) target_semaphore(%dma_start3A_547 : memref<!tpu.dma_semaphore, #tpu.memory_space<semaphore_mem>>)
          %dma_start3A_554 = arith.constant 1 : i32
          %dma_start3A_555 = arith.constant 0 : i32
          %dma_start3A_556 = tpu.memref_slice %arg9[%rem3A_215, %dma_start3A_555] : memref<3x128xi32, #tpu.memory_space<vmem>> -> memref<1x128xi32, #tpu.memory_space<vmem>>
          %dma_start3A_557 = tpu.memref_squeeze %dma_start3A_556 : memref<1x128xi32, #tpu.memory_space<vmem>> -> memref<128xi32, #tpu.memory_space<vmem>>
          %dma_start3A_558 = arith.constant 0 : i32
          %dma_start3A_559 = tpu.memref_slice %arg5[%dma_start3A_554, %add3A_528, %dma_start3A_558] : memref<2x2500x128xi32, #tpu.memory_space<hbm>> -> memref<1x1x128xi32, #tpu.memory_space<hbm>>
          %dma_start3A_560 = tpu.memref_squeeze %dma_start3A_559 : memref<1x1x128xi32, #tpu.memory_space<hbm>> -> memref<128xi32, #tpu.memory_space<hbm>>
          %dma_start3A_561 = tpu.memref_slice %arg17[%rem3A_215] : memref<3x!tpu.dma_semaphore, #tpu.memory_space<semaphore_mem>> -> memref<1x!tpu.dma_semaphore, #tpu.memory_space<semaphore_mem>>
          %dma_start3A_562 = tpu.memref_squeeze %dma_start3A_561 : memref<1x!tpu.dma_semaphore, #tpu.memory_space<semaphore_mem>> -> memref<!tpu.dma_semaphore, #tpu.memory_space<semaphore_mem>>
          %dma_start3A_563 = arith.constant 0 : i32
          %dma_start3A_564 = tpu.memref_slice %arg9[%rem3A_215, %dma_start3A_563] : memref<3x128xi32, #tpu.memory_space<vmem>> -> memref<1x128xi32, #tpu.memory_space<vmem>>
          %dma_start3A_565 = tpu.memref_squeeze %dma_start3A_564 : memref<1x128xi32, #tpu.memory_space<vmem>> -> memref<128xi32, #tpu.memory_space<vmem>>
          %dma_start3A_566 = arith.constant 0 : i32
          %dma_start3A_567 = tpu.memref_slice %arg5[%dma_start3A_554, %add3A_528, %dma_start3A_566] : memref<2x2500x128xi32, #tpu.memory_space<hbm>> -> memref<1x1x128xi32, #tpu.memory_space<hbm>>
          %dma_start3A_568 = tpu.memref_squeeze %dma_start3A_567 : memref<1x1x128xi32, #tpu.memory_space<hbm>> -> memref<128xi32, #tpu.memory_space<hbm>>
          tpu.enqueue_dma source(%dma_start3A_568 : memref<128xi32, #tpu.memory_space<hbm>>) target(%dma_start3A_565 : memref<128xi32, #tpu.memory_space<vmem>>) target_semaphore(%dma_start3A_562 : memref<!tpu.dma_semaphore, #tpu.memory_space<semaphore_mem>>)
        } else {
        }
        %ge3A_534 = arith.constant 2500 : i32
        %ge3A_535 = arith.cmpi sge, %add3A_528, %ge3A_534 : i32
        %convert_element_type3A_536 = arith.extui %ge3A_535 : i1 to i32
        %cond3A_537 = arith.constant 0 : i32
        %cond3A_538 = arith.cmpi ne, %convert_element_type3A_536, %cond3A_537 : i32
        scf.if %cond3A_538 {
          %mul3A_539 = arith.constant 81 : i32
          %mul3A_540 = arith.muli %add3A, %mul3A_539 : i32
          %add3A_541 = arith.addi %mul3A_540, %add3A_525 : i32
          %mul3A_542 = arith.constant 128 : i32
          %mul3A_543 = arith.muli %add3A_541, %mul3A_542 : i32
          %sub3A_544 = arith.constant 320000 : i32
          %sub3A_545 = arith.subi %mul3A_543, %sub3A_544 : i32
          %add3A_546 = arith.constant 0 : i32
          %add3A_547 = arith.addi %sub3A_545, %add3A_546 : i32
          %add3A_548 = vector.broadcast %add3A_547 : i32 to vector<16xi32>
          %add3A_549 = arith.addi %add3A_548, %iota3A : vector<16xi32>
          %lt3A_550 = arith.constant 10000 : i32
          %lt3A_551 = vector.broadcast %lt3A_550 : i32 to vector<16xi32>
          %lt3A_552 = arith.cmpi slt, %add3A_549, %lt3A_551 : vector<16xi32>
          %sub3A_553 = arith.constant 10000 : i32
          %sub3A_554 = vector.broadcast %sub3A_553 : i32 to vector<16xi32>
          %sub3A_555 = arith.subi %add3A_549, %sub3A_554 : vector<16xi32>
          %select_n3A_556 = arith.select %lt3A_552, %add3A_549, %sub3A_555 : vector<16xi1>, vector<16xi32>
          %swap3A_557 = arith.index_cast %rem3A_215 : i32 to index
          %swap3A_558 = arith.constant 0 : index
          %swap3A_559 = tpu.vector_load %arg8[%swap3A_557, %swap3A_558] {strides = array<i32>} : memref<3x128xi32, #tpu.memory_space<vmem>>, vector<16xi32>,
          tpu.vector_store %arg8[%swap3A_557, %swap3A_558], %select_n3A_556 {strides = array<i32>} : memref<3x128xi32, #tpu.memory_space<vmem>>, vector<16xi32>,
          %swap3A_560 = arith.index_cast %rem3A_215 : i32 to index
          %swap3A_561 = arith.constant 0 : index
          %swap3A_562 = tpu.vector_load %arg9[%swap3A_560, %swap3A_561] {strides = array<i32>} : memref<3x128xi32, #tpu.memory_space<vmem>>, vector<16xi32>,
          tpu.vector_store %arg9[%swap3A_560, %swap3A_561], %select_n3A_556 {strides = array<i32>} : memref<3x128xi32, #tpu.memory_space<vmem>>, vector<16xi32>,
          %add3A_563 = arith.constant 16 : i32
          %add3A_564 = arith.addi %sub3A_545, %add3A_563 : i32
          %add3A_565 = vector.broadcast %add3A_564 : i32 to vector<16xi32>
          %add3A_566 = arith.addi %add3A_565, %iota3A : vector<16xi32>
          %lt3A_567 = arith.constant 10000 : i32
          %lt3A_568 = vector.broadcast %lt3A_567 : i32 to vector<16xi32>
          %lt3A_569 = arith.cmpi slt, %add3A_566, %lt3A_568 : vector<16xi32>
          %sub3A_570 = arith.constant 10000 : i32
          %sub3A_571 = vector.broadcast %sub3A_570 : i32 to vector<16xi32>
          %sub3A_572 = arith.subi %add3A_566, %sub3A_571 : vector<16xi32>
          %select_n3A_573 = arith.select %lt3A_569, %add3A_566, %sub3A_572 : vector<16xi1>, vector<16xi32>
          %swap3A_574 = arith.index_cast %rem3A_215 : i32 to index
          %swap3A_575 = arith.constant 16 : index
          %swap3A_576 = tpu.vector_load %arg8[%swap3A_574, %swap3A_575] {strides = array<i32>} : memref<3x128xi32, #tpu.memory_space<vmem>>, vector<16xi32>,
          tpu.vector_store %arg8[%swap3A_574, %swap3A_575], %select_n3A_573 {strides = array<i32>} : memref<3x128xi32, #tpu.memory_space<vmem>>, vector<16xi32>,
          %swap3A_577 = arith.index_cast %rem3A_215 : i32 to index
          %swap3A_578 = arith.constant 16 : index
          %swap3A_579 = tpu.vector_load %arg9[%swap3A_577, %swap3A_578] {strides = array<i32>} : memref<3x128xi32, #tpu.memory_space<vmem>>, vector<16xi32>,
          tpu.vector_store %arg9[%swap3A_577, %swap3A_578], %select_n3A_573 {strides = array<i32>} : memref<3x128xi32, #tpu.memory_space<vmem>>, vector<16xi32>,
          %add3A_580 = arith.constant 32 : i32
          %add3A_581 = arith.addi %sub3A_545, %add3A_580 : i32
          %add3A_582 = vector.broadcast %add3A_581 : i32 to vector<16xi32>
          %add3A_583 = arith.addi %add3A_582, %iota3A : vector<16xi32>
          %lt3A_584 = arith.constant 10000 : i32
          %lt3A_585 = vector.broadcast %lt3A_584 : i32 to vector<16xi32>
          %lt3A_586 = arith.cmpi slt, %add3A_583, %lt3A_585 : vector<16xi32>
          %sub3A_587 = arith.constant 10000 : i32
          %sub3A_588 = vector.broadcast %sub3A_587 : i32 to vector<16xi32>
          %sub3A_589 = arith.subi %add3A_583, %sub3A_588 : vector<16xi32>
          %select_n3A_590 = arith.select %lt3A_586, %add3A_583, %sub3A_589 : vector<16xi1>, vector<16xi32>
          %swap3A_591 = arith.index_cast %rem3A_215 : i32 to index
          %swap3A_592 = arith.constant 32 : index
          %swap3A_593 = tpu.vector_load %arg8[%swap3A_591, %swap3A_592] {strides = array<i32>} : memref<3x128xi32, #tpu.memory_space<vmem>>, vector<16xi32>,
          tpu.vector_store %arg8[%swap3A_591, %swap3A_592], %select_n3A_590 {strides = array<i32>} : memref<3x128xi32, #tpu.memory_space<vmem>>, vector<16xi32>,
          %swap3A_594 = arith.index_cast %rem3A_215 : i32 to index
          %swap3A_595 = arith.constant 32 : index
          %swap3A_596 = tpu.vector_load %arg9[%swap3A_594, %swap3A_595] {strides = array<i32>} : memref<3x128xi32, #tpu.memory_space<vmem>>, vector<16xi32>,
          tpu.vector_store %arg9[%swap3A_594, %swap3A_595], %select_n3A_590 {strides = array<i32>} : memref<3x128xi32, #tpu.memory_space<vmem>>, vector<16xi32>,
          %add3A_597 = arith.constant 48 : i32
          %add3A_598 = arith.addi %sub3A_545, %add3A_597 : i32
          %add3A_599 = vector.broadcast %add3A_598 : i32 to vector<16xi32>
          %add3A_600 = arith.addi %add3A_599, %iota3A : vector<16xi32>
          %lt3A_601 = arith.constant 10000 : i32
          %lt3A_602 = vector.broadcast %lt3A_601 : i32 to vector<16xi32>
          %lt3A_603 = arith.cmpi slt, %add3A_600, %lt3A_602 : vector<16xi32>
          %sub3A_604 = arith.constant 10000 : i32
          %sub3A_605 = vector.broadcast %sub3A_604 : i32 to vector<16xi32>
          %sub3A_606 = arith.subi %add3A_600, %sub3A_605 : vector<16xi32>
          %select_n3A_607 = arith.select %lt3A_603, %add3A_600, %sub3A_606 : vector<16xi1>, vector<16xi32>
          %swap3A_608 = arith.index_cast %rem3A_215 : i32 to index
          %swap3A_609 = arith.constant 48 : index
          %swap3A_610 = tpu.vector_load %arg8[%swap3A_608, %swap3A_609] {strides = array<i32>} : memref<3x128xi32, #tpu.memory_space<vmem>>, vector<16xi32>,
          tpu.vector_store %arg8[%swap3A_608, %swap3A_609], %select_n3A_607 {strides = array<i32>} : memref<3x128xi32, #tpu.memory_space<vmem>>, vector<16xi32>,
          %swap3A_611 = arith.index_cast %rem3A_215 : i32 to index
          %swap3A_612 = arith.constant 48 : index
          %swap3A_613 = tpu.vector_load %arg9[%swap3A_611, %swap3A_612] {strides = array<i32>} : memref<3x128xi32, #tpu.memory_space<vmem>>, vector<16xi32>,
          tpu.vector_store %arg9[%swap3A_611, %swap3A_612], %select_n3A_607 {strides = array<i32>} : memref<3x128xi32, #tpu.memory_space<vmem>>, vector<16xi32>,
          %add3A_614 = arith.constant 64 : i32
          %add3A_615 = arith.addi %sub3A_545, %add3A_614 : i32
          %add3A_616 = vector.broadcast %add3A_615 : i32 to vector<16xi32>
          %add3A_617 = arith.addi %add3A_616, %iota3A : vector<16xi32>
          %lt3A_618 = arith.constant 10000 : i32
          %lt3A_619 = vector.broadcast %lt3A_618 : i32 to vector<16xi32>
          %lt3A_620 = arith.cmpi slt, %add3A_617, %lt3A_619 : vector<16xi32>
          %sub3A_621 = arith.constant 10000 : i32
          %sub3A_622 = vector.broadcast %sub3A_621 : i32 to vector<16xi32>
          %sub3A_623 = arith.subi %add3A_617, %sub3A_622 : vector<16xi32>
          %select_n3A_624 = arith.select %lt3A_620, %add3A_617, %sub3A_623 : vector<16xi1>, vector<16xi32>
          %swap3A_625 = arith.index_cast %rem3A_215 : i32 to index
          %swap3A_626 = arith.constant 64 : index
          %swap3A_627 = tpu.vector_load %arg8[%swap3A_625, %swap3A_626] {strides = array<i32>} : memref<3x128xi32, #tpu.memory_space<vmem>>, vector<16xi32>,
          tpu.vector_store %arg8[%swap3A_625, %swap3A_626], %select_n3A_624 {strides = array<i32>} : memref<3x128xi32, #tpu.memory_space<vmem>>, vector<16xi32>,
          %swap3A_628 = arith.index_cast %rem3A_215 : i32 to index
          %swap3A_629 = arith.constant 64 : index
          %swap3A_630 = tpu.vector_load %arg9[%swap3A_628, %swap3A_629] {strides = array<i32>} : memref<3x128xi32, #tpu.memory_space<vmem>>, vector<16xi32>,
          tpu.vector_store %arg9[%swap3A_628, %swap3A_629], %select_n3A_624 {strides = array<i32>} : memref<3x128xi32, #tpu.memory_space<vmem>>, vector<16xi32>,
          %add3A_631 = arith.constant 80 : i32
          %add3A_632 = arith.addi %sub3A_545, %add3A_631 : i32
          %add3A_633 = vector.broadcast %add3A_632 : i32 to vector<16xi32>
          %add3A_634 = arith.addi %add3A_633, %iota3A : vector<16xi32>
          %lt3A_635 = arith.constant 10000 : i32
          %lt3A_636 = vector.broadcast %lt3A_635 : i32 to vector<16xi32>
          %lt3A_637 = arith.cmpi slt, %add3A_634, %lt3A_636 : vector<16xi32>
          %sub3A_638 = arith.constant 10000 : i32
          %sub3A_639 = vector.broadcast %sub3A_638 : i32 to vector<16xi32>
          %sub3A_640 = arith.subi %add3A_634, %sub3A_639 : vector<16xi32>
          %select_n3A_641 = arith.select %lt3A_637, %add3A_634, %sub3A_640 : vector<16xi1>, vector<16xi32>
          %swap3A_642 = arith.index_cast %rem3A_215 : i32 to index
          %swap3A_643 = arith.constant 80 : index
          %swap3A_644 = tpu.vector_load %arg8[%swap3A_642, %swap3A_643] {strides = array<i32>} : memref<3x128xi32, #tpu.memory_space<vmem>>, vector<16xi32>,
          tpu.vector_store %arg8[%swap3A_642, %swap3A_643], %select_n3A_641 {strides = array<i32>} : memref<3x128xi32, #tpu.memory_space<vmem>>, vector<16xi32>,
          %swap3A_645 = arith.index_cast %rem3A_215 : i32 to index
          %swap3A_646 = arith.constant 80 : index
          %swap3A_647 = tpu.vector_load %arg9[%swap3A_645, %swap3A_646] {strides = array<i32>} : memref<3x128xi32, #tpu.memory_space<vmem>>, vector<16xi32>,
          tpu.vector_store %arg9[%swap3A_645, %swap3A_646], %select_n3A_641 {strides = array<i32>} : memref<3x128xi32, #tpu.memory_space<vmem>>, vector<16xi32>,
          %add3A_648 = arith.constant 96 : i32
          %add3A_649 = arith.addi %sub3A_545, %add3A_648 : i32
          %add3A_650 = vector.broadcast %add3A_649 : i32 to vector<16xi32>
          %add3A_651 = arith.addi %add3A_650, %iota3A : vector<16xi32>
          %lt3A_652 = arith.constant 10000 : i32
          %lt3A_653 = vector.broadcast %lt3A_652 : i32 to vector<16xi32>
          %lt3A_654 = arith.cmpi slt, %add3A_651, %lt3A_653 : vector<16xi32>
          %sub3A_655 = arith.constant 10000 : i32
          %sub3A_656 = vector.broadcast %sub3A_655 : i32 to vector<16xi32>
          %sub3A_657 = arith.subi %add3A_651, %sub3A_656 : vector<16xi32>
          %select_n3A_658 = arith.select %lt3A_654, %add3A_651, %sub3A_657 : vector<16xi1>, vector<16xi32>
          %swap3A_659 = arith.index_cast %rem3A_215 : i32 to index
          %swap3A_660 = arith.constant 96 : index
          %swap3A_661 = tpu.vector_load %arg8[%swap3A_659, %swap3A_660] {strides = array<i32>} : memref<3x128xi32, #tpu.memory_space<vmem>>, vector<16xi32>,
          tpu.vector_store %arg8[%swap3A_659, %swap3A_660], %select_n3A_658 {strides = array<i32>} : memref<3x128xi32, #tpu.memory_space<vmem>>, vector<16xi32>,
          %swap3A_662 = arith.index_cast %rem3A_215 : i32 to index
          %swap3A_663 = arith.constant 96 : index
          %swap3A_664 = tpu.vector_load %arg9[%swap3A_662, %swap3A_663] {strides = array<i32>} : memref<3x128xi32, #tpu.memory_space<vmem>>, vector<16xi32>,
          tpu.vector_store %arg9[%swap3A_662, %swap3A_663], %select_n3A_658 {strides = array<i32>} : memref<3x128xi32, #tpu.memory_space<vmem>>, vector<16xi32>,
          %add3A_665 = arith.constant 112 : i32
          %add3A_666 = arith.addi %sub3A_545, %add3A_665 : i32
          %add3A_667 = vector.broadcast %add3A_666 : i32 to vector<16xi32>
          %add3A_668 = arith.addi %add3A_667, %iota3A : vector<16xi32>
          %lt3A_669 = arith.constant 10000 : i32
          %lt3A_670 = vector.broadcast %lt3A_669 : i32 to vector<16xi32>
          %lt3A_671 = arith.cmpi slt, %add3A_668, %lt3A_670 : vector<16xi32>
          %sub3A_672 = arith.constant 10000 : i32
          %sub3A_673 = vector.broadcast %sub3A_672 : i32 to vector<16xi32>
          %sub3A_674 = arith.subi %add3A_668, %sub3A_673 : vector<16xi32>
          %select_n3A_675 = arith.select %lt3A_671, %add3A_668, %sub3A_674 : vector<16xi1>, vector<16xi32>
          %swap3A_676 = arith.index_cast %rem3A_215 : i32 to index
          %swap3A_677 = arith.constant 112 : index
          %swap3A_678 = tpu.vector_load %arg8[%swap3A_676, %swap3A_677] {strides = array<i32>} : memref<3x128xi32, #tpu.memory_space<vmem>>, vector<16xi32>,
          tpu.vector_store %arg8[%swap3A_676, %swap3A_677], %select_n3A_675 {strides = array<i32>} : memref<3x128xi32, #tpu.memory_space<vmem>>, vector<16xi32>,
          %swap3A_679 = arith.index_cast %rem3A_215 : i32 to index
          %swap3A_680 = arith.constant 112 : index
          %swap3A_681 = tpu.vector_load %arg9[%swap3A_679, %swap3A_680] {strides = array<i32>} : memref<3x128xi32, #tpu.memory_space<vmem>>, vector<16xi32>,
          tpu.vector_store %arg9[%swap3A_679, %swap3A_680], %select_n3A_675 {strides = array<i32>} : memref<3x128xi32, #tpu.memory_space<vmem>>, vector<16xi32>,
        } else {
        }
      } else {
      }
      %mul3A_270 = arith.constant 81 : i32
      %mul3A_271 = arith.muli %add3A, %mul3A_270 : i32
      %add3A_272 = arith.addi %mul3A_271, %scan3A_202 : i32
      %mul3A_273 = arith.constant 128 : i32
      %mul3A_274 = arith.muli %add3A_272, %mul3A_273 : i32
      %get3A = arith.index_cast %rem3A_204 : i32 to index
      %get3A_275 = arith.constant 0 : index
      %get3A_276 = tpu.vector_load %arg10[%get3A, %get3A_275] {strides = array<i32>} : memref<2x128xf32, #tpu.memory_space<vmem>>, vector<16xf32>,
      %get3A_277 = arith.index_cast %rem3A_204 : i32 to index
      %get3A_278 = arith.constant 0 : index
      %get3A_279 = tpu.vector_load %arg11[%get3A_277, %get3A_278] {strides = array<i32>} : memref<2x128xf32, #tpu.memory_space<vmem>>, vector<16xf32>,
      %add3A_280 = arith.addf %get3A_276, %get3A_279 : vector<16xf32>
      %gt3A = arith.constant 0.000000e+00 : f32
      %gt3A_281 = vector.broadcast %gt3A : f32 to vector<16xf32>
      %gt3A_282 = arith.cmpf ogt, %add3A_280, %gt3A_281 : vector<16xf32>
      %mul3A_283 = arith.constant 2.000000e-01 : f32
      %mul3A_284 = vector.broadcast %mul3A_283 : f32 to vector<16xf32>
      %mul3A_285 = arith.mulf %mul3A_284, %add3A_280 : vector<16xf32>
      %select_n3A = arith.select %gt3A_282, %add3A_280, %mul3A_285 : vector<16xi1>, vector<16xf32>
      %exp3A = math.exp %select_n3A : vector<16xf32>
      %add3A_286 = arith.constant 0 : i32
      %add3A_287 = arith.addi %mul3A_274, %add3A_286 : i32
      %add3A_288 = vector.broadcast %add3A_287 : i32 to vector<16xi32>
      %add3A_289 = arith.addi %add3A_288, %iota3A : vector<16xi32>
      %lt3A_290 = arith.constant 330000 : i32
      %lt3A_291 = vector.broadcast %lt3A_290 : i32 to vector<16xi32>
      %lt3A_292 = arith.cmpi slt, %add3A_289, %lt3A_291 : vector<16xi32>
      %jit3A = arith.constant 0.000000e+00 : f32
      %broadcast_in_dim3A_293 = vector.broadcast %jit3A : f32 to vector<16xf32>
      %select_n3A_294 = arith.select %lt3A_292, %exp3A, %broadcast_in_dim3A_293 : vector<16xi1>, vector<16xf32>
      %swap3A_295 = arith.index_cast %rem3A_204 : i32 to index
      %swap3A_296 = arith.constant 0 : index
      %swap3A_297 = tpu.vector_load %arg12[%swap3A_295, %swap3A_296] {strides = array<i32>} : memref<2x128xf32, #tpu.memory_space<vmem>>, vector<16xf32>,
      tpu.vector_store %arg12[%swap3A_295, %swap3A_296], %select_n3A_294 {strides = array<i32>} : memref<2x128xf32, #tpu.memory_space<vmem>>, vector<16xf32>,
      %get3A_298 = arith.index_cast %rem3A_204 : i32 to index
      %get3A_299 = arith.constant 16 : index
      %get3A_300 = tpu.vector_load %arg10[%get3A_298, %get3A_299] {strides = array<i32>} : memref<2x128xf32, #tpu.memory_space<vmem>>, vector<16xf32>,
      %get3A_301 = arith.index_cast %rem3A_204 : i32 to index
      %get3A_302 = arith.constant 16 : index
      %get3A_303 = tpu.vector_load %arg11[%get3A_301, %get3A_302] {strides = array<i32>} : memref<2x128xf32, #tpu.memory_space<vmem>>, vector<16xf32>,
      %add3A_304 = arith.addf %get3A_300, %get3A_303 : vector<16xf32>
      %gt3A_305 = arith.constant 0.000000e+00 : f32
      %gt3A_306 = vector.broadcast %gt3A_305 : f32 to vector<16xf32>
      %gt3A_307 = arith.cmpf ogt, %add3A_304, %gt3A_306 : vector<16xf32>
      %mul3A_308 = arith.constant 2.000000e-01 : f32
      %mul3A_309 = vector.broadcast %mul3A_308 : f32 to vector<16xf32>
      %mul3A_310 = arith.mulf %mul3A_309, %add3A_304 : vector<16xf32>
      %select_n3A_311 = arith.select %gt3A_307, %add3A_304, %mul3A_310 : vector<16xi1>, vector<16xf32>
      %exp3A_312 = math.exp %select_n3A_311 : vector<16xf32>
      %add3A_313 = arith.constant 16 : i32
      %add3A_314 = arith.addi %mul3A_274, %add3A_313 : i32
      %add3A_315 = vector.broadcast %add3A_314 : i32 to vector<16xi32>
      %add3A_316 = arith.addi %add3A_315, %iota3A : vector<16xi32>
      %lt3A_317 = arith.constant 330000 : i32
      %lt3A_318 = vector.broadcast %lt3A_317 : i32 to vector<16xi32>
      %lt3A_319 = arith.cmpi slt, %add3A_316, %lt3A_318 : vector<16xi32>
      %jit3A_320 = arith.constant 0.000000e+00 : f32
      %broadcast_in_dim3A_321 = vector.broadcast %jit3A_320 : f32 to vector<16xf32>
      %select_n3A_322 = arith.select %lt3A_319, %exp3A_312, %broadcast_in_dim3A_321 : vector<16xi1>, vector<16xf32>
      %swap3A_323 = arith.index_cast %rem3A_204 : i32 to index
      %swap3A_324 = arith.constant 16 : index
      %swap3A_325 = tpu.vector_load %arg12[%swap3A_323, %swap3A_324] {strides = array<i32>} : memref<2x128xf32, #tpu.memory_space<vmem>>, vector<16xf32>,
      tpu.vector_store %arg12[%swap3A_323, %swap3A_324], %select_n3A_322 {strides = array<i32>} : memref<2x128xf32, #tpu.memory_space<vmem>>, vector<16xf32>,
      %get3A_326 = arith.index_cast %rem3A_204 : i32 to index
      %get3A_327 = arith.constant 32 : index
      %get3A_328 = tpu.vector_load %arg10[%get3A_326, %get3A_327] {strides = array<i32>} : memref<2x128xf32, #tpu.memory_space<vmem>>, vector<16xf32>,
      %get3A_329 = arith.index_cast %rem3A_204 : i32 to index
      %get3A_330 = arith.constant 32 : index
      %get3A_331 = tpu.vector_load %arg11[%get3A_329, %get3A_330] {strides = array<i32>} : memref<2x128xf32, #tpu.memory_space<vmem>>, vector<16xf32>,
      %add3A_332 = arith.addf %get3A_328, %get3A_331 : vector<16xf32>
      %gt3A_333 = arith.constant 0.000000e+00 : f32
      %gt3A_334 = vector.broadcast %gt3A_333 : f32 to vector<16xf32>
      %gt3A_335 = arith.cmpf ogt, %add3A_332, %gt3A_334 : vector<16xf32>
      %mul3A_336 = arith.constant 2.000000e-01 : f32
      %mul3A_337 = vector.broadcast %mul3A_336 : f32 to vector<16xf32>
      %mul3A_338 = arith.mulf %mul3A_337, %add3A_332 : vector<16xf32>
      %select_n3A_339 = arith.select %gt3A_335, %add3A_332, %mul3A_338 : vector<16xi1>, vector<16xf32>
      %exp3A_340 = math.exp %select_n3A_339 : vector<16xf32>
      %add3A_341 = arith.constant 32 : i32
      %add3A_342 = arith.addi %mul3A_274, %add3A_341 : i32
      %add3A_343 = vector.broadcast %add3A_342 : i32 to vector<16xi32>
      %add3A_344 = arith.addi %add3A_343, %iota3A : vector<16xi32>
      %lt3A_345 = arith.constant 330000 : i32
      %lt3A_346 = vector.broadcast %lt3A_345 : i32 to vector<16xi32>
      %lt3A_347 = arith.cmpi slt, %add3A_344, %lt3A_346 : vector<16xi32>
      %jit3A_348 = arith.constant 0.000000e+00 : f32
      %broadcast_in_dim3A_349 = vector.broadcast %jit3A_348 : f32 to vector<16xf32>
      %select_n3A_350 = arith.select %lt3A_347, %exp3A_340, %broadcast_in_dim3A_349 : vector<16xi1>, vector<16xf32>
      %swap3A_351 = arith.index_cast %rem3A_204 : i32 to index
      %swap3A_352 = arith.constant 32 : index
      %swap3A_353 = tpu.vector_load %arg12[%swap3A_351, %swap3A_352] {strides = array<i32>} : memref<2x128xf32, #tpu.memory_space<vmem>>, vector<16xf32>,
      tpu.vector_store %arg12[%swap3A_351, %swap3A_352], %select_n3A_350 {strides = array<i32>} : memref<2x128xf32, #tpu.memory_space<vmem>>, vector<16xf32>,
      %get3A_354 = arith.index_cast %rem3A_204 : i32 to index
      %get3A_355 = arith.constant 48 : index
      %get3A_356 = tpu.vector_load %arg10[%get3A_354, %get3A_355] {strides = array<i32>} : memref<2x128xf32, #tpu.memory_space<vmem>>, vector<16xf32>,
      %get3A_357 = arith.index_cast %rem3A_204 : i32 to index
      %get3A_358 = arith.constant 48 : index
      %get3A_359 = tpu.vector_load %arg11[%get3A_357, %get3A_358] {strides = array<i32>} : memref<2x128xf32, #tpu.memory_space<vmem>>, vector<16xf32>,
      %add3A_360 = arith.addf %get3A_356, %get3A_359 : vector<16xf32>
      %gt3A_361 = arith.constant 0.000000e+00 : f32
      %gt3A_362 = vector.broadcast %gt3A_361 : f32 to vector<16xf32>
      %gt3A_363 = arith.cmpf ogt, %add3A_360, %gt3A_362 : vector<16xf32>
      %mul3A_364 = arith.constant 2.000000e-01 : f32
      %mul3A_365 = vector.broadcast %mul3A_364 : f32 to vector<16xf32>
      %mul3A_366 = arith.mulf %mul3A_365, %add3A_360 : vector<16xf32>
      %select_n3A_367 = arith.select %gt3A_363, %add3A_360, %mul3A_366 : vector<16xi1>, vector<16xf32>
      %exp3A_368 = math.exp %select_n3A_367 : vector<16xf32>
      %add3A_369 = arith.constant 48 : i32
      %add3A_370 = arith.addi %mul3A_274, %add3A_369 : i32
      %add3A_371 = vector.broadcast %add3A_370 : i32 to vector<16xi32>
      %add3A_372 = arith.addi %add3A_371, %iota3A : vector<16xi32>
      %lt3A_373 = arith.constant 330000 : i32
      %lt3A_374 = vector.broadcast %lt3A_373 : i32 to vector<16xi32>
      %lt3A_375 = arith.cmpi slt, %add3A_372, %lt3A_374 : vector<16xi32>
      %jit3A_376 = arith.constant 0.000000e+00 : f32
      %broadcast_in_dim3A_377 = vector.broadcast %jit3A_376 : f32 to vector<16xf32>
      %select_n3A_378 = arith.select %lt3A_375, %exp3A_368, %broadcast_in_dim3A_377 : vector<16xi1>, vector<16xf32>
      %swap3A_379 = arith.index_cast %rem3A_204 : i32 to index
      %swap3A_380 = arith.constant 48 : index
      %swap3A_381 = tpu.vector_load %arg12[%swap3A_379, %swap3A_380] {strides = array<i32>} : memref<2x128xf32, #tpu.memory_space<vmem>>, vector<16xf32>,
      tpu.vector_store %arg12[%swap3A_379, %swap3A_380], %select_n3A_378 {strides = array<i32>} : memref<2x128xf32, #tpu.memory_space<vmem>>, vector<16xf32>,
      %get3A_382 = arith.index_cast %rem3A_204 : i32 to index
      %get3A_383 = arith.constant 64 : index
      %get3A_384 = tpu.vector_load %arg10[%get3A_382, %get3A_383] {strides = array<i32>} : memref<2x128xf32, #tpu.memory_space<vmem>>, vector<16xf32>,
      %get3A_385 = arith.index_cast %rem3A_204 : i32 to index
      %get3A_386 = arith.constant 64 : index
      %get3A_387 = tpu.vector_load %arg11[%get3A_385, %get3A_386] {strides = array<i32>} : memref<2x128xf32, #tpu.memory_space<vmem>>, vector<16xf32>,
      %add3A_388 = arith.addf %get3A_384, %get3A_387 : vector<16xf32>
      %gt3A_389 = arith.constant 0.000000e+00 : f32
      %gt3A_390 = vector.broadcast %gt3A_389 : f32 to vector<16xf32>
      %gt3A_391 = arith.cmpf ogt, %add3A_388, %gt3A_390 : vector<16xf32>
      %mul3A_392 = arith.constant 2.000000e-01 : f32
      %mul3A_393 = vector.broadcast %mul3A_392 : f32 to vector<16xf32>
      %mul3A_394 = arith.mulf %mul3A_393, %add3A_388 : vector<16xf32>
      %select_n3A_395 = arith.select %gt3A_391, %add3A_388, %mul3A_394 : vector<16xi1>, vector<16xf32>
      %exp3A_396 = math.exp %select_n3A_395 : vector<16xf32>
      %add3A_397 = arith.constant 64 : i32
      %add3A_398 = arith.addi %mul3A_274, %add3A_397 : i32
      %add3A_399 = vector.broadcast %add3A_398 : i32 to vector<16xi32>
      %add3A_400 = arith.addi %add3A_399, %iota3A : vector<16xi32>
      %lt3A_401 = arith.constant 330000 : i32
      %lt3A_402 = vector.broadcast %lt3A_401 : i32 to vector<16xi32>
      %lt3A_403 = arith.cmpi slt, %add3A_400, %lt3A_402 : vector<16xi32>
      %jit3A_404 = arith.constant 0.000000e+00 : f32
      %broadcast_in_dim3A_405 = vector.broadcast %jit3A_404 : f32 to vector<16xf32>
      %select_n3A_406 = arith.select %lt3A_403, %exp3A_396, %broadcast_in_dim3A_405 : vector<16xi1>, vector<16xf32>
      %swap3A_407 = arith.index_cast %rem3A_204 : i32 to index
      %swap3A_408 = arith.constant 64 : index
      %swap3A_409 = tpu.vector_load %arg12[%swap3A_407, %swap3A_408] {strides = array<i32>} : memref<2x128xf32, #tpu.memory_space<vmem>>, vector<16xf32>,
      tpu.vector_store %arg12[%swap3A_407, %swap3A_408], %select_n3A_406 {strides = array<i32>} : memref<2x128xf32, #tpu.memory_space<vmem>>, vector<16xf32>,
      %get3A_410 = arith.index_cast %rem3A_204 : i32 to index
      %get3A_411 = arith.constant 80 : index
      %get3A_412 = tpu.vector_load %arg10[%get3A_410, %get3A_411] {strides = array<i32>} : memref<2x128xf32, #tpu.memory_space<vmem>>, vector<16xf32>,
      %get3A_413 = arith.index_cast %rem3A_204 : i32 to index
      %get3A_414 = arith.constant 80 : index
      %get3A_415 = tpu.vector_load %arg11[%get3A_413, %get3A_414] {strides = array<i32>} : memref<2x128xf32, #tpu.memory_space<vmem>>, vector<16xf32>,
      %add3A_416 = arith.addf %get3A_412, %get3A_415 : vector<16xf32>
      %gt3A_417 = arith.constant 0.000000e+00 : f32
      %gt3A_418 = vector.broadcast %gt3A_417 : f32 to vector<16xf32>
      %gt3A_419 = arith.cmpf ogt, %add3A_416, %gt3A_418 : vector<16xf32>
      %mul3A_420 = arith.constant 2.000000e-01 : f32
      %mul3A_421 = vector.broadcast %mul3A_420 : f32 to vector<16xf32>
      %mul3A_422 = arith.mulf %mul3A_421, %add3A_416 : vector<16xf32>
      %select_n3A_423 = arith.select %gt3A_419, %add3A_416, %mul3A_422 : vector<16xi1>, vector<16xf32>
      %exp3A_424 = math.exp %select_n3A_423 : vector<16xf32>
      %add3A_425 = arith.constant 80 : i32
      %add3A_426 = arith.addi %mul3A_274, %add3A_425 : i32
      %add3A_427 = vector.broadcast %add3A_426 : i32 to vector<16xi32>
      %add3A_428 = arith.addi %add3A_427, %iota3A : vector<16xi32>
      %lt3A_429 = arith.constant 330000 : i32
      %lt3A_430 = vector.broadcast %lt3A_429 : i32 to vector<16xi32>
      %lt3A_431 = arith.cmpi slt, %add3A_428, %lt3A_430 : vector<16xi32>
      %jit3A_432 = arith.constant 0.000000e+00 : f32
      %broadcast_in_dim3A_433 = vector.broadcast %jit3A_432 : f32 to vector<16xf32>
      %select_n3A_434 = arith.select %lt3A_431, %exp3A_424, %broadcast_in_dim3A_433 : vector<16xi1>, vector<16xf32>
      %swap3A_435 = arith.index_cast %rem3A_204 : i32 to index
      %swap3A_436 = arith.constant 80 : index
      %swap3A_437 = tpu.vector_load %arg12[%swap3A_435, %swap3A_436] {strides = array<i32>} : memref<2x128xf32, #tpu.memory_space<vmem>>, vector<16xf32>,
      tpu.vector_store %arg12[%swap3A_435, %swap3A_436], %select_n3A_434 {strides = array<i32>} : memref<2x128xf32, #tpu.memory_space<vmem>>, vector<16xf32>,
      %get3A_438 = arith.index_cast %rem3A_204 : i32 to index
      %get3A_439 = arith.constant 96 : index
      %get3A_440 = tpu.vector_load %arg10[%get3A_438, %get3A_439] {strides = array<i32>} : memref<2x128xf32, #tpu.memory_space<vmem>>, vector<16xf32>,
      %get3A_441 = arith.index_cast %rem3A_204 : i32 to index
      %get3A_442 = arith.constant 96 : index
      %get3A_443 = tpu.vector_load %arg11[%get3A_441, %get3A_442] {strides = array<i32>} : memref<2x128xf32, #tpu.memory_space<vmem>>, vector<16xf32>,
      %add3A_444 = arith.addf %get3A_440, %get3A_443 : vector<16xf32>
      %gt3A_445 = arith.constant 0.000000e+00 : f32
      %gt3A_446 = vector.broadcast %gt3A_445 : f32 to vector<16xf32>
      %gt3A_447 = arith.cmpf ogt, %add3A_444, %gt3A_446 : vector<16xf32>
      %mul3A_448 = arith.constant 2.000000e-01 : f32
      %mul3A_449 = vector.broadcast %mul3A_448 : f32 to vector<16xf32>
      %mul3A_450 = arith.mulf %mul3A_449, %add3A_444 : vector<16xf32>
      %select_n3A_451 = arith.select %gt3A_447, %add3A_444, %mul3A_450 : vector<16xi1>, vector<16xf32>
      %exp3A_452 = math.exp %select_n3A_451 : vector<16xf32>
      %add3A_453 = arith.constant 96 : i32
      %add3A_454 = arith.addi %mul3A_274, %add3A_453 : i32
      %add3A_455 = vector.broadcast %add3A_454 : i32 to vector<16xi32>
      %add3A_456 = arith.addi %add3A_455, %iota3A : vector<16xi32>
      %lt3A_457 = arith.constant 330000 : i32
      %lt3A_458 = vector.broadcast %lt3A_457 : i32 to vector<16xi32>
      %lt3A_459 = arith.cmpi slt, %add3A_456, %lt3A_458 : vector<16xi32>
      %jit3A_460 = arith.constant 0.000000e+00 : f32
      %broadcast_in_dim3A_461 = vector.broadcast %jit3A_460 : f32 to vector<16xf32>
      %select_n3A_462 = arith.select %lt3A_459, %exp3A_452, %broadcast_in_dim3A_461 : vector<16xi1>, vector<16xf32>
      %swap3A_463 = arith.index_cast %rem3A_204 : i32 to index
      %swap3A_464 = arith.constant 96 : index
      %swap3A_465 = tpu.vector_load %arg12[%swap3A_463, %swap3A_464] {strides = array<i32>} : memref<2x128xf32, #tpu.memory_space<vmem>>, vector<16xf32>,
      tpu.vector_store %arg12[%swap3A_463, %swap3A_464], %select_n3A_462 {strides = array<i32>} : memref<2x128xf32, #tpu.memory_space<vmem>>, vector<16xf32>,
      %get3A_466 = arith.index_cast %rem3A_204 : i32 to index
      %get3A_467 = arith.constant 112 : index
      %get3A_468 = tpu.vector_load %arg10[%get3A_466, %get3A_467] {strides = array<i32>} : memref<2x128xf32, #tpu.memory_space<vmem>>, vector<16xf32>,
      %get3A_469 = arith.index_cast %rem3A_204 : i32 to index
      %get3A_470 = arith.constant 112 : index
      %get3A_471 = tpu.vector_load %arg11[%get3A_469, %get3A_470] {strides = array<i32>} : memref<2x128xf32, #tpu.memory_space<vmem>>, vector<16xf32>,
      %add3A_472 = arith.addf %get3A_468, %get3A_471 : vector<16xf32>
      %gt3A_473 = arith.constant 0.000000e+00 : f32
      %gt3A_474 = vector.broadcast %gt3A_473 : f32 to vector<16xf32>
      %gt3A_475 = arith.cmpf ogt, %add3A_472, %gt3A_474 : vector<16xf32>
      %mul3A_476 = arith.constant 2.000000e-01 : f32
      %mul3A_477 = vector.broadcast %mul3A_476 : f32 to vector<16xf32>
      %mul3A_478 = arith.mulf %mul3A_477, %add3A_472 : vector<16xf32>
      %select_n3A_479 = arith.select %gt3A_475, %add3A_472, %mul3A_478 : vector<16xi1>, vector<16xf32>
      %exp3A_480 = math.exp %select_n3A_479 : vector<16xf32>
      %add3A_481 = arith.constant 112 : i32
      %add3A_482 = arith.addi %mul3A_274, %add3A_481 : i32
      %add3A_483 = vector.broadcast %add3A_482 : i32 to vector<16xi32>
      %add3A_484 = arith.addi %add3A_483, %iota3A : vector<16xi32>
      %lt3A_485 = arith.constant 330000 : i32
      %lt3A_486 = vector.broadcast %lt3A_485 : i32 to vector<16xi32>
      %lt3A_487 = arith.cmpi slt, %add3A_484, %lt3A_486 : vector<16xi32>
      %jit3A_488 = arith.constant 0.000000e+00 : f32
      %broadcast_in_dim3A_489 = vector.broadcast %jit3A_488 : f32 to vector<16xf32>
      %select_n3A_490 = arith.select %lt3A_487, %exp3A_480, %broadcast_in_dim3A_489 : vector<16xi1>, vector<16xf32>
      %swap3A_491 = arith.index_cast %rem3A_204 : i32 to index
      %swap3A_492 = arith.constant 112 : index
      %swap3A_493 = tpu.vector_load %arg12[%swap3A_491, %swap3A_492] {strides = array<i32>} : memref<2x128xf32, #tpu.memory_space<vmem>>, vector<16xf32>,
      tpu.vector_store %arg12[%swap3A_491, %swap3A_492], %select_n3A_490 {strides = array<i32>} : memref<2x128xf32, #tpu.memory_space<vmem>>, vector<16xf32>,
      %scan3A_494 = arith.constant 0 : i32
      %scan3A_495 = arith.constant 0 : i32
      %scan3A_496 = arith.constant 128 : i32
      %scan3A_497 = arith.addi %scan3A_495, %scan3A_496 : i32
      %scan3A_498 = arith.constant 1 : i32
      %scan3A_499 = scf.for %scan3A_524 = %scan3A_495 to %scan3A_497 step %scan3A_498 iter_args(%scan3A_525 = %scan3A_494) -> (i32)  : i32 {
        %broadcast_in_dim3A_526 = vector.broadcast %rem3A_204 : i32 to vector<16xi32>
        %broadcast_in_dim3A_527 = vector.broadcast %scan3A_524 : i32 to vector<16xi32>
        %gather3A = tpu.vector_load_idx %arg12[%broadcast_in_dim3A_526, %broadcast_in_dim3A_527] : memref<2x128xf32, #tpu.memory_space<vmem>>[vector<16xi32>, vector<16xi32>], vector<16xf32>,
        %get3A_528 = arith.index_cast %rem3A_204 : i32 to index
        %get3A_529 = arith.index_cast %scan3A_524 : i32 to index
        %get3A_530 = arith.constant 0 : index
        %get3A_531 = tpu.vector_load %arg13[%get3A_528, %get3A_529, %get3A_530] {strides = array<i32>} : memref<2x128x128xf32, #tpu.memory_space<vmem>>, vector<16xf32>,
        %mul3A_532 = arith.mulf %get3A_531, %gather3A : vector<16xf32>
        %swap3A_533 = arith.index_cast %rem3A_204 : i32 to index
        %swap3A_534 = arith.index_cast %scan3A_524 : i32 to index
        %swap3A_535 = arith.constant 0 : index
        %swap3A_536 = tpu.vector_load %arg13[%swap3A_533, %swap3A_534, %swap3A_535] {strides = array<i32>} : memref<2x128x128xf32, #tpu.memory_space<vmem>>, vector<16xf32>,
        tpu.vector_store %arg13[%swap3A_533, %swap3A_534, %swap3A_535], %mul3A_532 {strides = array<i32>} : memref<2x128x128xf32, #tpu.memory_space<vmem>>, vector<16xf32>,
        %get3A_537 = arith.index_cast %rem3A_204 : i32 to index
        %get3A_538 = arith.index_cast %scan3A_524 : i32 to index
        %get3A_539 = arith.constant 16 : index
        %get3A_540 = tpu.vector_load %arg13[%get3A_537, %get3A_538, %get3A_539] {strides = array<i32>} : memref<2x128x128xf32, #tpu.memory_space<vmem>>, vector<16xf32>,
        %mul3A_541 = arith.mulf %get3A_540, %gather3A : vector<16xf32>
        %swap3A_542 = arith.index_cast %rem3A_204 : i32 to index
        %swap3A_543 = arith.index_cast %scan3A_524 : i32 to index
        %swap3A_544 = arith.constant 16 : index
        %swap3A_545 = tpu.vector_load %arg13[%swap3A_542, %swap3A_543, %swap3A_544] {strides = array<i32>} : memref<2x128x128xf32, #tpu.memory_space<vmem>>, vector<16xf32>,
        tpu.vector_store %arg13[%swap3A_542, %swap3A_543, %swap3A_544], %mul3A_541 {strides = array<i32>} : memref<2x128x128xf32, #tpu.memory_space<vmem>>, vector<16xf32>,
        %get3A_546 = arith.index_cast %rem3A_204 : i32 to index
        %get3A_547 = arith.index_cast %scan3A_524 : i32 to index
        %get3A_548 = arith.constant 32 : index
        %get3A_549 = tpu.vector_load %arg13[%get3A_546, %get3A_547, %get3A_548] {strides = array<i32>} : memref<2x128x128xf32, #tpu.memory_space<vmem>>, vector<16xf32>,
        %mul3A_550 = arith.mulf %get3A_549, %gather3A : vector<16xf32>
        %swap3A_551 = arith.index_cast %rem3A_204 : i32 to index
        %swap3A_552 = arith.index_cast %scan3A_524 : i32 to index
        %swap3A_553 = arith.constant 32 : index
        %swap3A_554 = tpu.vector_load %arg13[%swap3A_551, %swap3A_552, %swap3A_553] {strides = array<i32>} : memref<2x128x128xf32, #tpu.memory_space<vmem>>, vector<16xf32>,
        tpu.vector_store %arg13[%swap3A_551, %swap3A_552, %swap3A_553], %mul3A_550 {strides = array<i32>} : memref<2x128x128xf32, #tpu.memory_space<vmem>>, vector<16xf32>,
        %get3A_555 = arith.index_cast %rem3A_204 : i32 to index
        %get3A_556 = arith.index_cast %scan3A_524 : i32 to index
        %get3A_557 = arith.constant 48 : index
        %get3A_558 = tpu.vector_load %arg13[%get3A_555, %get3A_556, %get3A_557] {strides = array<i32>} : memref<2x128x128xf32, #tpu.memory_space<vmem>>, vector<16xf32>,
        %mul3A_559 = arith.mulf %get3A_558, %gather3A : vector<16xf32>
        %swap3A_560 = arith.index_cast %rem3A_204 : i32 to index
        %swap3A_561 = arith.index_cast %scan3A_524 : i32 to index
        %swap3A_562 = arith.constant 48 : index
        %swap3A_563 = tpu.vector_load %arg13[%swap3A_560, %swap3A_561, %swap3A_562] {strides = array<i32>} : memref<2x128x128xf32, #tpu.memory_space<vmem>>, vector<16xf32>,
        tpu.vector_store %arg13[%swap3A_560, %swap3A_561, %swap3A_562], %mul3A_559 {strides = array<i32>} : memref<2x128x128xf32, #tpu.memory_space<vmem>>, vector<16xf32>,
        %get3A_564 = arith.index_cast %rem3A_204 : i32 to index
        %get3A_565 = arith.index_cast %scan3A_524 : i32 to index
        %get3A_566 = arith.constant 64 : index
        %get3A_567 = tpu.vector_load %arg13[%get3A_564, %get3A_565, %get3A_566] {strides = array<i32>} : memref<2x128x128xf32, #tpu.memory_space<vmem>>, vector<16xf32>,
        %mul3A_568 = arith.mulf %get3A_567, %gather3A : vector<16xf32>
        %swap3A_569 = arith.index_cast %rem3A_204 : i32 to index
        %swap3A_570 = arith.index_cast %scan3A_524 : i32 to index
        %swap3A_571 = arith.constant 64 : index
        %swap3A_572 = tpu.vector_load %arg13[%swap3A_569, %swap3A_570, %swap3A_571] {strides = array<i32>} : memref<2x128x128xf32, #tpu.memory_space<vmem>>, vector<16xf32>,
        tpu.vector_store %arg13[%swap3A_569, %swap3A_570, %swap3A_571], %mul3A_568 {strides = array<i32>} : memref<2x128x128xf32, #tpu.memory_space<vmem>>, vector<16xf32>,
        %get3A_573 = arith.index_cast %rem3A_204 : i32 to index
        %get3A_574 = arith.index_cast %scan3A_524 : i32 to index
        %get3A_575 = arith.constant 80 : index
        %get3A_576 = tpu.vector_load %arg13[%get3A_573, %get3A_574, %get3A_575] {strides = array<i32>} : memref<2x128x128xf32, #tpu.memory_space<vmem>>, vector<16xf32>,
        %mul3A_577 = arith.mulf %get3A_576, %gather3A : vector<16xf32>
        %swap3A_578 = arith.index_cast %rem3A_204 : i32 to index
        %swap3A_579 = arith.index_cast %scan3A_524 : i32 to index
        %swap3A_580 = arith.constant 80 : index
        %swap3A_581 = tpu.vector_load %arg13[%swap3A_578, %swap3A_579, %swap3A_580] {strides = array<i32>} : memref<2x128x128xf32, #tpu.memory_space<vmem>>, vector<16xf32>,
        tpu.vector_store %arg13[%swap3A_578, %swap3A_579, %swap3A_580], %mul3A_577 {strides = array<i32>} : memref<2x128x128xf32, #tpu.memory_space<vmem>>, vector<16xf32>,
        %get3A_582 = arith.index_cast %rem3A_204 : i32 to index
        %get3A_583 = arith.index_cast %scan3A_524 : i32 to index
        %get3A_584 = arith.constant 96 : index
        %get3A_585 = tpu.vector_load %arg13[%get3A_582, %get3A_583, %get3A_584] {strides = array<i32>} : memref<2x128x128xf32, #tpu.memory_space<vmem>>, vector<16xf32>,
        %mul3A_586 = arith.mulf %get3A_585, %gather3A : vector<16xf32>
        %swap3A_587 = arith.index_cast %rem3A_204 : i32 to index
        %swap3A_588 = arith.index_cast %scan3A_524 : i32 to index
        %swap3A_589 = arith.constant 96 : index
        %swap3A_590 = tpu.vector_load %arg13[%swap3A_587, %swap3A_588, %swap3A_589] {strides = array<i32>} : memref<2x128x128xf32, #tpu.memory_space<vmem>>, vector<16xf32>,
        tpu.vector_store %arg13[%swap3A_587, %swap3A_588, %swap3A_589], %mul3A_586 {strides = array<i32>} : memref<2x128x128xf32, #tpu.memory_space<vmem>>, vector<16xf32>,
        %get3A_591 = arith.index_cast %rem3A_204 : i32 to index
        %get3A_592 = arith.index_cast %scan3A_524 : i32 to index
        %get3A_593 = arith.constant 112 : index
        %get3A_594 = tpu.vector_load %arg13[%get3A_591, %get3A_592, %get3A_593] {strides = array<i32>} : memref<2x128x128xf32, #tpu.memory_space<vmem>>, vector<16xf32>,
        %mul3A_595 = arith.mulf %get3A_594, %gather3A : vector<16xf32>
        %swap3A_596 = arith.index_cast %rem3A_204 : i32 to index
        %swap3A_597 = arith.index_cast %scan3A_524 : i32 to index
        %swap3A_598 = arith.constant 112 : index
        %swap3A_599 = tpu.vector_load %arg13[%swap3A_596, %swap3A_597, %swap3A_598] {strides = array<i32>} : memref<2x128x128xf32, #tpu.memory_space<vmem>>, vector<16xf32>,
        tpu.vector_store %arg13[%swap3A_596, %swap3A_597, %swap3A_598], %mul3A_595 {strides = array<i32>} : memref<2x128x128xf32, #tpu.memory_space<vmem>>, vector<16xf32>,
        %scan3A_600 = arith.constant 0 : i32
        scf.yield %scan3A_600 : i32
      }
      %scan3A_500 = arith.constant 128 : i32
      %dma_start3A_501 = arith.constant 0 : i32
      %dma_start3A_502 = arith.constant 0 : i32
      %dma_start3A_503 = tpu.memref_slice %arg13[%rem3A_204, %dma_start3A_501, %dma_start3A_502] : memref<2x128x128xf32, #tpu.memory_space<vmem>> -> memref<1x128x128xf32, #tpu.memory_space<vmem>>
      %dma_start3A_504 = tpu.memref_squeeze %dma_start3A_503 : memref<1x128x128xf32, #tpu.memory_space<vmem>> -> memref<128x128xf32, #tpu.memory_space<vmem>>
      %dma_start3A_505 = arith.constant 0 : i32
      %dma_start3A_506 = tpu.memref_slice %arg9[%rem3A_207, %dma_start3A_505] : memref<3x128xi32, #tpu.memory_space<vmem>> -> memref<1x128xi32, #tpu.memory_space<vmem>>
      %dma_start3A_507 = tpu.memref_squeeze %dma_start3A_506 : memref<1x128xi32, #tpu.memory_space<vmem>> -> memref<128xi32, #tpu.memory_space<vmem>>
      %dma_start3A_508 = arith.constant 0 : i32
      %dma_start3A_509 = arith.constant 0 : i32
      %dma_start3A_510 = tpu.memref_slice %arg15[%dma_start3A_508, %dma_start3A_509] : memref<10112x128xf32, #tpu.memory_space<vmem_shared>> -> memref<10112x128xf32, #tpu.memory_space<vmem_shared>>
      %dma_start3A_511 = tpu.memref_slice %arg20[%rem3A_204] : memref<2x!tpu.dma_semaphore, #tpu.memory_space<semaphore_mem>> -> memref<1x!tpu.dma_semaphore, #tpu.memory_space<semaphore_mem>>
      %dma_start3A_512 = tpu.memref_squeeze %dma_start3A_511 : memref<1x!tpu.dma_semaphore, #tpu.memory_space<semaphore_mem>> -> memref<!tpu.dma_semaphore, #tpu.memory_space<semaphore_mem>>
      tpu.enqueue_indirect_dma source(%dma_start3A_504 : memref<128x128xf32, #tpu.memory_space<vmem>>) target(%dma_start3A_510 : memref<10112x128xf32, #tpu.memory_space<vmem_shared>>) offsets(%dma_start3A_507 : memref<128xi32, #tpu.memory_space<vmem>>) semaphore(%dma_start3A_512 : memref<!tpu.dma_semaphore, #tpu.memory_space<semaphore_mem>>) {add = true}
      %dma_start3A_513 = arith.constant 0 : i32
      %dma_start3A_514 = tpu.memref_slice %arg12[%rem3A_204, %dma_start3A_513] : memref<2x128xf32, #tpu.memory_space<vmem>> -> memref<1x128xf32, #tpu.memory_space<vmem>>
      %dma_start3A_515 = tpu.memref_squeeze %dma_start3A_514 : memref<1x128xf32, #tpu.memory_space<vmem>> -> memref<128xf32, #tpu.memory_space<vmem>>
      %dma_start3A_516 = arith.constant 0 : i32
      %dma_start3A_517 = tpu.memref_slice %arg9[%rem3A_207, %dma_start3A_516] : memref<3x128xi32, #tpu.memory_space<vmem>> -> memref<1x128xi32, #tpu.memory_space<vmem>>
      %dma_start3A_518 = tpu.memref_squeeze %dma_start3A_517 : memref<1x128xi32, #tpu.memory_space<vmem>> -> memref<128xi32, #tpu.memory_space<vmem>>
      %dma_start3A_519 = arith.constant 0 : i32
      %dma_start3A_520 = tpu.memref_slice %arg16[%dma_start3A_519] : memref<10112xf32, #tpu.memory_space<vmem_shared>> -> memref<10112xf32, #tpu.memory_space<vmem_shared>>
      %dma_start3A_521 = tpu.memref_slice %arg21[%rem3A_204] : memref<2x!tpu.dma_semaphore, #tpu.memory_space<semaphore_mem>> -> memref<1x!tpu.dma_semaphore, #tpu.memory_space<semaphore_mem>>
      %dma_start3A_522 = tpu.memref_squeeze %dma_start3A_521 : memref<1x!tpu.dma_semaphore, #tpu.memory_space<semaphore_mem>> -> memref<!tpu.dma_semaphore, #tpu.memory_space<semaphore_mem>>
      tpu.enqueue_indirect_dma source(%dma_start3A_515 : memref<128xf32, #tpu.memory_space<vmem>>) target(%dma_start3A_520 : memref<10112xf32, #tpu.memory_space<vmem_shared>>) offsets(%dma_start3A_518 : memref<128xi32, #tpu.memory_space<vmem>>) semaphore(%dma_start3A_522 : memref<!tpu.dma_semaphore, #tpu.memory_space<semaphore_mem>>) {add = true}
      %scan3A_523 = arith.constant 0 : i32
      scf.yield %scan3A_523 : i32
    }
    %scan3A_158 = arith.constant 81 : i32
    %dma_wait3A = arith.constant 0 : i32
    %dma_wait3A_159 = arith.constant 0 : i32
    %dma_wait3A_160 = arith.constant 0 : i32
    %dma_wait3A_161 = arith.constant 0 : i32
    %dma_wait3A_162 = tpu.memref_slice %arg13[%dma_wait3A, %dma_wait3A_160, %dma_wait3A_161] : memref<2x128x128xf32, #tpu.memory_space<vmem>> -> memref<1x128x128xf32, #tpu.memory_space<vmem>>
    %dma_wait3A_163 = tpu.memref_squeeze %dma_wait3A_162 : memref<1x128x128xf32, #tpu.memory_space<vmem>> -> memref<128x128xf32, #tpu.memory_space<vmem>>
    %dma_wait3A_164 = arith.constant 0 : i32
    %dma_wait3A_165 = arith.constant 0 : i32
    %dma_wait3A_166 = tpu.memref_slice %arg2[%dma_wait3A_164, %dma_wait3A_165] : memref<10112x128xf32, #tpu.memory_space<hbm>> -> memref<128x128xf32, #tpu.memory_space<hbm>>
    %dma_wait3A_167 = tpu.memref_slice %arg20[%dma_wait3A_159] : memref<2x!tpu.dma_semaphore, #tpu.memory_space<semaphore_mem>> -> memref<1x!tpu.dma_semaphore, #tpu.memory_space<semaphore_mem>>
    %dma_wait3A_168 = tpu.memref_squeeze %dma_wait3A_167 : memref<1x!tpu.dma_semaphore, #tpu.memory_space<semaphore_mem>> -> memref<!tpu.dma_semaphore, #tpu.memory_space<semaphore_mem>>
    %dma_wait3A_169 = arith.constant 0 : i32
    %dma_wait3A_170 = arith.constant 0 : i32
    %dma_wait3A_171 = tpu.memref_slice %arg13[%dma_wait3A, %dma_wait3A_169, %dma_wait3A_170] : memref<2x128x128xf32, #tpu.memory_space<vmem>> -> memref<1x128x128xf32, #tpu.memory_space<vmem>>
    %dma_wait3A_172 = tpu.memref_squeeze %dma_wait3A_171 : memref<1x128x128xf32, #tpu.memory_space<vmem>> -> memref<128x128xf32, #tpu.memory_space<vmem>>
    %dma_wait3A_173 = arith.constant 0 : i32
    %dma_wait3A_174 = arith.constant 0 : i32
    %dma_wait3A_175 = tpu.memref_slice %arg2[%dma_wait3A_173, %dma_wait3A_174] : memref<10112x128xf32, #tpu.memory_space<hbm>> -> memref<128x128xf32, #tpu.memory_space<hbm>>
    tpu.wait_dma2 semaphore(%dma_wait3A_168 : memref<!tpu.dma_semaphore, #tpu.memory_space<semaphore_mem>>) src(%dma_wait3A_175 : memref<128x128xf32, #tpu.memory_space<hbm>>) dst(%dma_wait3A_172 : memref<128x128xf32, #tpu.memory_space<vmem>>)
    %dma_wait3A_176 = arith.constant 0 : i32
    %dma_wait3A_177 = arith.constant 0 : i32
    %dma_wait3A_178 = arith.constant 0 : i32
    %dma_wait3A_179 = tpu.memref_slice %arg12[%dma_wait3A_176, %dma_wait3A_178] : memref<2x128xf32, #tpu.memory_space<vmem>> -> memref<1x128xf32, #tpu.memory_space<vmem>>
    %dma_wait3A_180 = tpu.memref_squeeze %dma_wait3A_179 : memref<1x128xf32, #tpu.memory_space<vmem>> -> memref<128xf32, #tpu.memory_space<vmem>>
    %dma_wait3A_181 = arith.constant 0 : i32
    %dma_wait3A_182 = tpu.memref_slice %arg3[%dma_wait3A_181] : memref<10112xf32, #tpu.memory_space<hbm>> -> memref<128xf32, #tpu.memory_space<hbm>>
    %dma_wait3A_183 = tpu.memref_slice %arg21[%dma_wait3A_177] : memref<2x!tpu.dma_semaphore, #tpu.memory_space<semaphore_mem>> -> memref<1x!tpu.dma_semaphore, #tpu.memory_space<semaphore_mem>>
    %dma_wait3A_184 = tpu.memref_squeeze %dma_wait3A_183 : memref<1x!tpu.dma_semaphore, #tpu.memory_space<semaphore_mem>> -> memref<!tpu.dma_semaphore, #tpu.memory_space<semaphore_mem>>
    %dma_wait3A_185 = arith.constant 0 : i32
    %dma_wait3A_186 = tpu.memref_slice %arg12[%dma_wait3A_176, %dma_wait3A_185] : memref<2x128xf32, #tpu.memory_space<vmem>> -> memref<1x128xf32, #tpu.memory_space<vmem>>
    %dma_wait3A_187 = tpu.memref_squeeze %dma_wait3A_186 : memref<1x128xf32, #tpu.memory_space<vmem>> -> memref<128xf32, #tpu.memory_space<vmem>>
    %dma_wait3A_188 = arith.constant 0 : i32
    %dma_wait3A_189 = tpu.memref_slice %arg3[%dma_wait3A_188] : memref<10112xf32, #tpu.memory_space<hbm>> -> memref<128xf32, #tpu.memory_space<hbm>>
    tpu.wait_dma2 semaphore(%dma_wait3A_184 : memref<!tpu.dma_semaphore, #tpu.memory_space<semaphore_mem>>) src(%dma_wait3A_189 : memref<128xf32, #tpu.memory_space<hbm>>) dst(%dma_wait3A_187 : memref<128xf32, #tpu.memory_space<vmem>>)
    %barrier3A_190 = arith.constant 0 : index
    tpu.barrier barrier_id(%barrier3A_190)
    %mul3A_191 = arith.constant 632 : i32
    %mul3A_192 = arith.muli %arg1, %mul3A_191 : i32
    %mul3A_193 = arith.constant 632 : i32
    %mul3A_194 = arith.muli %arg1, %mul3A_193 : i32
    "tpu.region"() ({
      %run_scoped3A_202 = tpu.sem_alloc : memref<!tpu.dma_semaphore, #tpu.memory_space<semaphore_mem>>
      %dma_start3A_203 = arith.constant 0 : i32
      %dma_start3A_204 = tpu.memref_slice %arg6[%arg0, %mul3A_194, %dma_start3A_203] : memref<2x10112x128xf32, #tpu.memory_space<hbm>> -> memref<1x632x128xf32, #tpu.memory_space<hbm>>
      %dma_start3A_205 = tpu.memref_squeeze %dma_start3A_204 : memref<1x632x128xf32, #tpu.memory_space<hbm>> -> memref<632x128xf32, #tpu.memory_space<hbm>>
      %dma_start3A_206 = arith.constant 0 : i32
      %dma_start3A_207 = tpu.memref_slice %arg15[%mul3A_192, %dma_start3A_206] : memref<10112x128xf32, #tpu.memory_space<vmem_shared>> -> memref<632x128xf32, #tpu.memory_space<vmem_shared>>
      tpu.enqueue_dma source(%dma_start3A_207 : memref<632x128xf32, #tpu.memory_space<vmem_shared>>) target(%dma_start3A_205 : memref<632x128xf32, #tpu.memory_space<hbm>>) target_semaphore(%run_scoped3A_202 : memref<!tpu.dma_semaphore, #tpu.memory_space<semaphore_mem>>)
      %dma_wait3A_208 = arith.constant 0 : i32
      %dma_wait3A_209 = tpu.memref_slice %arg6[%arg0, %mul3A_194, %dma_wait3A_208] : memref<2x10112x128xf32, #tpu.memory_space<hbm>> -> memref<1x632x128xf32, #tpu.memory_space<hbm>>
      %dma_wait3A_210 = tpu.memref_squeeze %dma_wait3A_209 : memref<1x632x128xf32, #tpu.memory_space<hbm>> -> memref<632x128xf32, #tpu.memory_space<hbm>>
      %dma_wait3A_211 = arith.constant 0 : i32
      %dma_wait3A_212 = tpu.memref_slice %arg15[%mul3A_192, %dma_wait3A_211] : memref<10112x128xf32, #tpu.memory_space<vmem_shared>> -> memref<632x128xf32, #tpu.memory_space<vmem_shared>>
      tpu.wait_dma2 semaphore(%run_scoped3A_202 : memref<!tpu.dma_semaphore, #tpu.memory_space<semaphore_mem>>) src(%dma_wait3A_212 : memref<632x128xf32, #tpu.memory_space<vmem_shared>>) dst(%dma_wait3A_210 : memref<632x128xf32, #tpu.memory_space<hbm>>)
      tpu.yield
    }) : () -> ()
    %mul3A_195 = arith.constant 632 : i32
    %mul3A_196 = arith.muli %arg1, %mul3A_195 : i32
    "tpu.region"() ({
      %run_scoped3A_202 = tpu.sem_alloc : memref<!tpu.dma_semaphore, #tpu.memory_space<semaphore_mem>>
      %dma_start3A_203 = tpu.memref_slice %arg16[%mul3A_196] : memref<10112xf32, #tpu.memory_space<vmem_shared>> -> memref<632xf32, #tpu.memory_space<vmem_shared>>
      %dma_start3A_204 = tpu.memref_slice %arg16[%mul3A_196] : memref<10112xf32, #tpu.memory_space<vmem_shared>> -> memref<632xf32, #tpu.memory_space<vmem_shared>>
      tpu.enqueue_dma source(%dma_start3A_204 : memref<632xf32, #tpu.memory_space<vmem_shared>>) target(%arg14 : memref<632xf32, #tpu.memory_space<vmem>>) target_semaphore(%run_scoped3A_202 : memref<!tpu.dma_semaphore, #tpu.memory_space<semaphore_mem>>)
      %dma_wait3A_205 = tpu.memref_slice %arg16[%mul3A_196] : memref<10112xf32, #tpu.memory_space<vmem_shared>> -> memref<632xf32, #tpu.memory_space<vmem_shared>>
      %dma_wait3A_206 = tpu.memref_slice %arg16[%mul3A_196] : memref<10112xf32, #tpu.memory_space<vmem_shared>> -> memref<632xf32, #tpu.memory_space<vmem_shared>>
      tpu.wait_dma2 semaphore(%run_scoped3A_202 : memref<!tpu.dma_semaphore, #tpu.memory_space<semaphore_mem>>) src(%dma_wait3A_206 : memref<632xf32, #tpu.memory_space<vmem_shared>>) dst(%arg14 : memref<632xf32, #tpu.memory_space<vmem>>)
      tpu.yield
    }) : () -> ()
    %mul3A_197 = arith.constant 10112 : i32
    %mul3A_198 = arith.muli %arg0, %mul3A_197 : i32
    %mul3A_199 = arith.constant 632 : i32
    %mul3A_200 = arith.muli %arg1, %mul3A_199 : i32
    %add3A_201 = arith.addi %mul3A_198, %mul3A_200 : i32
    "tpu.region"() ({
      %run_scoped3A_202 = tpu.sem_alloc : memref<!tpu.dma_semaphore, #tpu.memory_space<semaphore_mem>>
      %dma_start3A_203 = tpu.memref_slice %arg7[%add3A_201] : memref<20224xf32, #tpu.memory_space<hbm>> -> memref<632xf32, #tpu.memory_space<hbm>>
      %dma_start3A_204 = tpu.memref_slice %arg7[%add3A_201] : memref<20224xf32, #tpu.memory_space<hbm>> -> memref<632xf32, #tpu.memory_space<hbm>>
      tpu.enqueue_dma source(%arg14 : memref<632xf32, #tpu.memory_space<vmem>>) target(%dma_start3A_204 : memref<632xf32, #tpu.memory_space<hbm>>) target_semaphore(%run_scoped3A_202 : memref<!tpu.dma_semaphore, #tpu.memory_space<semaphore_mem>>)
      %dma_wait3A_205 = tpu.memref_slice %arg7[%add3A_201] : memref<20224xf32, #tpu.memory_space<hbm>> -> memref<632xf32, #tpu.memory_space<hbm>>
      %dma_wait3A_206 = tpu.memref_slice %arg7[%add3A_201] : memref<20224xf32, #tpu.memory_space<hbm>> -> memref<632xf32, #tpu.memory_space<hbm>>
      tpu.wait_dma2 semaphore(%run_scoped3A_202 : memref<!tpu.dma_semaphore, #tpu.memory_space<semaphore_mem>>) src(%arg14 : memref<632xf32, #tpu.memory_space<vmem>>) dst(%dma_wait3A_206 : memref<632xf32, #tpu.memory_space<hbm>>)
      tpu.yield
    }) : () -> ()
    return
  }
}

module attributes {stable_mosaic.version = 14 : i64} {
  func.func @body(%arg0: memref<10000x128xf32, #tpu.memory_space<vmem>>, %arg1: memref<128x128xf32, #tpu.memory_space<vmem>>, %arg2: memref<2x128xf32, #tpu.memory_space<vmem>>, %arg3: memref<10112x128xf32, #tpu.memory_space<vmem>>, %arg4: memref<10112xf32, #tpu.memory_space<vmem>>, %arg5: memref<10112xf32, #tpu.memory_space<vmem>>) attributes {dimension_semantics = [], scalar_prefetch = 0 : i64, scratch_operands = 0 : i64, tpu.core_type = #tpu.core_type<tc>} {
    %get3A = arith.constant 0 : index
    %get3A_0 = arith.constant 0 : index
    %get3A_1 = vector.load %arg0[%get3A, %get3A_0] : memref<10000x128xf32, #tpu.memory_space<vmem>>, vector<10000x128xf32>
    %get3A_2 = arith.constant 0 : index
    %get3A_3 = arith.constant 0 : index
    %get3A_4 = vector.load %arg1[%get3A_2, %get3A_3] : memref<128x128xf32, #tpu.memory_space<vmem>>, vector<128x128xf32>
    %dot_general3A = arith.constant dense<0.000000e+00> : vector<10000x128xf32>
    %dot_general3A_5 = tpu.matmul %get3A_1, %get3A_4, %dot_general3A {dimension_numbers = #tpu.dot_dimension_numbers<[1], [0], [0], [1], [0, 0, 1, 1], [], []>, transpose_lhs_hint = false} : vector<10000x128xf32>, vector<128x128xf32>, vector<10000x128xf32> -> vector<10000x128xf32>
    %swap3A = arith.constant 0 : index
    %swap3A_6 = arith.constant 0 : index
    %swap3A_7 = vector.load %arg3[%swap3A, %swap3A_6] : memref<10112x128xf32, #tpu.memory_space<vmem>>, vector<10000x128xf32>
    tpu.vector_store %arg3[%swap3A, %swap3A_6], %dot_general3A_5 {strides = array<i32>} : memref<10112x128xf32, #tpu.memory_space<vmem>>, vector<10000x128xf32>,
    %broadcast_in_dim3A = arith.constant 0.000000e+00 : f32
    %broadcast_in_dim3A_8 = vector.broadcast %broadcast_in_dim3A : f32 to vector<112x128xf32>
    %swap3A_9 = arith.constant 10000 : index
    %swap3A_10 = arith.constant 0 : index
    %swap3A_11 = vector.load %arg3[%swap3A_9, %swap3A_10] : memref<10112x128xf32, #tpu.memory_space<vmem>>, vector<112x128xf32>
    tpu.vector_store %arg3[%swap3A_9, %swap3A_10], %broadcast_in_dim3A_8 {strides = array<i32>} : memref<10112x128xf32, #tpu.memory_space<vmem>>, vector<112x128xf32>,
    %get3A_12 = arith.constant 0 : index
    %get3A_13 = arith.constant 0 : index
    %get3A_14 = vector.load %arg2[%get3A_12, %get3A_13] : memref<2x128xf32, #tpu.memory_space<vmem>>, vector<2x128xf32>
    %dot_general3A_15 = arith.constant dense<0.000000e+00> : vector<2x10000xf32>
    %dot_general3A_16 = tpu.matmul %get3A_14, %dot_general3A_5, %dot_general3A_15 {dimension_numbers = #tpu.dot_dimension_numbers<[1], [1], [0], [0], [0, 0, 1, 0], [], []>, transpose_lhs_hint = false} : vector<2x128xf32>, vector<10000x128xf32>, vector<2x10000xf32> -> vector<2x10000xf32>
    %slice3A = vector.extract_strided_slice %dot_general3A_16 {offsets = [0, 0], sizes = [1, 10000], strides = [1, 1]} : vector<2x10000xf32> to vector<1x10000xf32>
    %squeeze3A = vector.shape_cast %slice3A : vector<1x10000xf32> to vector<10000xf32>
    %swap3A_17 = arith.constant 0 : index
    %swap3A_18 = vector.load %arg4[%swap3A_17] : memref<10112xf32, #tpu.memory_space<vmem>>, vector<10000xf32>
    tpu.vector_store %arg4[%swap3A_17], %squeeze3A {strides = array<i32>} : memref<10112xf32, #tpu.memory_space<vmem>>, vector<10000xf32>,
    %broadcast_in_dim3A_19 = arith.constant 0.000000e+00 : f32
    %broadcast_in_dim3A_20 = vector.broadcast %broadcast_in_dim3A_19 : f32 to vector<112xf32>
    %swap3A_21 = arith.constant 10000 : index
    %swap3A_22 = vector.load %arg4[%swap3A_21] : memref<10112xf32, #tpu.memory_space<vmem>>, vector<112xf32>
    tpu.vector_store %arg4[%swap3A_21], %broadcast_in_dim3A_20 {strides = array<i32>} : memref<10112xf32, #tpu.memory_space<vmem>>, vector<112xf32>,
    %slice3A_23 = vector.extract_strided_slice %dot_general3A_16 {offsets = [1, 0], sizes = [1, 10000], strides = [1, 1]} : vector<2x10000xf32> to vector<1x10000xf32>
    %squeeze3A_24 = vector.shape_cast %slice3A_23 : vector<1x10000xf32> to vector<10000xf32>
    %swap3A_25 = arith.constant 0 : index
    %swap3A_26 = vector.load %arg5[%swap3A_25] : memref<10112xf32, #tpu.memory_space<vmem>>, vector<10000xf32>
    tpu.vector_store %arg5[%swap3A_25], %squeeze3A_24 {strides = array<i32>} : memref<10112xf32, #tpu.memory_space<vmem>>, vector<10000xf32>,
    %broadcast_in_dim3A_27 = arith.constant 0.000000e+00 : f32
    %broadcast_in_dim3A_28 = vector.broadcast %broadcast_in_dim3A_27 : f32 to vector<112xf32>
    %swap3A_29 = arith.constant 10000 : index
    %swap3A_30 = vector.load %arg5[%swap3A_29] : memref<10112xf32, #tpu.memory_space<vmem>>, vector<112xf32>
    tpu.vector_store %arg5[%swap3A_29], %broadcast_in_dim3A_28 {strides = array<i32>} : memref<10112xf32, #tpu.memory_space<vmem>>, vector<112xf32>,
    return
  }
}

module attributes {stable_mosaic.version = 14 : i64} {
  func.func @body(%arg0: memref<2x10112x128xf32, #tpu.memory_space<vmem>>, %arg1: memref<2x10112x1xf32, #tpu.memory_space<vmem>>, %arg2: memref<1x128xf32, #tpu.memory_space<vmem>>, %arg3: memref<10000x128xf32, #tpu.memory_space<vmem>>) attributes {dimension_semantics = [], scalar_prefetch = 0 : i64, scratch_operands = 0 : i64, tpu.core_type = #tpu.core_type<tc>} {
    %get3A = arith.constant 0 : index
    %get3A_0 = arith.constant 0 : index
    %get3A_1 = arith.constant 0 : index
    %get3A_2 = vector.load %arg0[%get3A, %get3A_0, %get3A_1] : memref<2x10112x128xf32, #tpu.memory_space<vmem>>, vector<1x10112x128xf32>
    %get3A_3 = vector.shape_cast %get3A_2 : vector<1x10112x128xf32> to vector<10112x128xf32>
    %get3A_4 = arith.constant 1 : index
    %get3A_5 = arith.constant 0 : index
    %get3A_6 = arith.constant 0 : index
    %get3A_7 = vector.load %arg0[%get3A_4, %get3A_5, %get3A_6] : memref<2x10112x128xf32, #tpu.memory_space<vmem>>, vector<1x10112x128xf32>
    %get3A_8 = vector.shape_cast %get3A_7 : vector<1x10112x128xf32> to vector<10112x128xf32>
    %add3A = arith.addf %get3A_3, %get3A_8 : vector<10112x128xf32>
    %get3A_9 = arith.constant 0 : index
    %get3A_10 = arith.constant 0 : index
    %get3A_11 = arith.constant 0 : index
    %get3A_12 = vector.load %arg1[%get3A_9, %get3A_10, %get3A_11] : memref<2x10112x1xf32, #tpu.memory_space<vmem>>, vector<1x10112x1xf32>
    %get3A_13 = vector.shape_cast %get3A_12 : vector<1x10112x1xf32> to vector<10112x1xf32>
    %get3A_14 = arith.constant 1 : index
    %get3A_15 = arith.constant 0 : index
    %get3A_16 = arith.constant 0 : index
    %get3A_17 = vector.load %arg1[%get3A_14, %get3A_15, %get3A_16] : memref<2x10112x1xf32, #tpu.memory_space<vmem>>, vector<1x10112x1xf32>
    %get3A_18 = vector.shape_cast %get3A_17 : vector<1x10112x1xf32> to vector<10112x1xf32>
    %add3A_19 = arith.addf %get3A_13, %get3A_18 : vector<10112x1xf32>
    %slice3A = vector.extract_strided_slice %add3A {offsets = [0, 0], sizes = [10000, 128], strides = [1, 1]} : vector<10112x128xf32> to vector<10000x128xf32>
    %slice3A_20 = vector.extract_strided_slice %add3A_19 {offsets = [0, 0], sizes = [10000, 1], strides = [1, 1]} : vector<10112x1xf32> to vector<10000x1xf32>
    %add3A_21 = arith.constant 1.000000e-16 : f32
    %add3A_22 = vector.broadcast %add3A_21 : f32 to vector<10000x1xf32>
    %add3A_23 = arith.addf %slice3A_20, %add3A_22 : vector<10000x1xf32>
    %div3A = vector.broadcast %add3A_23 : vector<10000x1xf32> to vector<10000x128xf32>
    %div3A_24 = arith.divf %slice3A, %div3A : vector<10000x128xf32>
    %get3A_25 = arith.constant 0 : index
    %get3A_26 = arith.constant 0 : index
    %get3A_27 = vector.load %arg2[%get3A_25, %get3A_26] : memref<1x128xf32, #tpu.memory_space<vmem>>, vector<1x128xf32>
    %add3A_28 = vector.broadcast %get3A_27 : vector<1x128xf32> to vector<10000x128xf32>
    %add3A_29 = arith.addf %div3A_24, %add3A_28 : vector<10000x128xf32>
    %swap3A = arith.constant 0 : index
    %swap3A_30 = arith.constant 0 : index
    %swap3A_31 = vector.load %arg3[%swap3A, %swap3A_30] : memref<10000x128xf32, #tpu.memory_space<vmem>>, vector<10000x128xf32>
    tpu.vector_store %arg3[%swap3A, %swap3A_30], %add3A_29 {strides = array<i32>} : memref<10000x128xf32, #tpu.memory_space<vmem>>, vector<10000x128xf32>,
    return
  }
}

</mosaic_0001>

<sc_bundles>
// kernel: kernel.5.cloned.1.call-start
scs
__scs_entry_jumppad:
0x0: {  	(pc) =	sbr.rel $0x88, $3  }
0x1: {  	(tag) =	ssettag $0x0;
	lr =	simm.s32 $0x1  }
0x2: {  	[smem:$0x3F9B] =	sst lr;
	_ =	strace $0xD0000000  }
0x3: {  	_ = 	snop  }
0x4: {  	_ = 	snop  }
0x5: {  	_ = 	snop  }
0x6: {  	_ = 	snop  }
0x7: {  	_ = 	snop  }
__scs_overlays_trampoline_lowered:
0x8: {  	[smem:$0x3FAA] =	sst s0  }
0x9: {  	[smem:$0x3FAB] =	sst s1  }
0xa: {  	[smem:$0x3FAC] =	sst s2  }
0xb: {  	[smem:$0x3FAD] =	sst s3  }
0xc: {  	[smem:$0x3FAE] =	sst s4  }
0xd: {  	[smem:$0x3FAF] =	sst s5  }
0xe: {  	[smem:$0x3FB0] =	sst s6  }
0xf: {  	[smem:$0x3FB1] =	sst s7  }
0x10: {  	[smem:$0x3FB2] =	sst s8  }
0x11: {  	[smem:$0x3FB3] =	sst s9;
	s0 =	simm.s32 @!p0 $0x0  }
0x12: {  	s1 =	sld [smem:$0x3F99];
	s0 =	simm.s32 @p0 $0x1  }
0x13: {  	[smem:$0x3FB4] =	sst s0;
	s0 =	simm.s32 @!p1 $0x0  }
0x14: {  	s2 =	sld [smem:$0x3F98];
	s0 =	simm.s32 @p1 $0x1  }
0x15: {  	[smem:$0x3FB5] =	sst s0;
	s0 =	simm.s32 @!p2 $0x0  }
0x16: {  	s3 =	sld [smem:$0x3FDB];
	s0 =	simm.s32 @p2 $0x1  }
0x17: {  	s4 =	simm.s32 $0x1BF5;
	[smem:$0x3FB7] =	sst s0  }
0x18: {  	s0 =	sld [smem:$0x3F9A];
	_ =	swait.ge [sflag:s4], $0x0  }
0x19: {  	s7 =	sld [smem:$0x3F9B]  }
0x1a: {  	s8 =	sadd.s32 $0xFFFFE003, lr  }
0x1b: {  	s9 =	sadd.s32 $0xFFFFFEF7, lr;
	s5 =	simm.s32 $0xFFFFFFFF;
	p2 =	slt.u32 s8, $0xFFFFF086  }
0x1c: {  	p1 =	slt.u32 s9, $0xF7A;
	s5 =	simm.s32 @!p2 $0x0  }
0x1d: {  	s5 =	simm.s32 @p1 $0x1;
	p0 =	seq.s32 s7, s2  }
0x1e: {  	s7 =	smul.u32 @!p0 $0xF7A, s2;
	p2 =	seq.s32 @!p0 s5, $0x0  }
0x1f: {  	s9 =	smul.u32 $0xF7A, s1;
	s8 =	simm.s32 @!p0 $0x1BF5;
	p2 =	por !p2, p0  }
0x20: {  	[sflag:s8] =	ssyncset.s32 @!p0 $0xFFFFF086;
	s6 =	sadd.s32 @!p0 s3, s7;
	s7 =	simm.s32 @!p0 $0x108  }
0x21: {  	s3 =	sadd.s32 s3, s9;
	s6 =	sadd.s32 @!p0 $0x88, s6;
	s7 =	simm.s32 @p2 $0x1082  }
0x22: {  	[simem:s7], [sflag:s8] =	dma.local @!p0 [hbm:s6], $0xF7A  }
0x23: {  	s9 =	sor.u32 $0xD0000000, s2;
	s6 =	simm.s32 $0x108;
	_ =	swait.ge @!p0 [sflag:s8], $0x0  }
0x24: {  	s3 =	sadd.s32 $0x88, s3;
	s6 =	simm.s32 @!p1 $0x1082;
	[sflag:s4] =	ssyncset.s32 $0xFFFFF086  }
0x25: {  	[simem:s6], [sflag:s4] =	dma.local [hbm:s3], $0xF7A  }
0x26: {  	[smem:$0x3F9B] =	sst s1;
	(tag) =	ssettag s2;
	_ =	strace s9  }
0x27: {  	s1 =	sld [smem:$0x3FAB]  }
0x28: {  	s2 =	sld [smem:$0x3FAC]  }
0x29: {  	s4 =	sld [smem:$0x3FAE]  }
0x2a: {  	p0 =	seq.s32 s5, $0x0;
	s5 =	sld [smem:$0x3FAF]  }
0x2b: {  	s6 =	sld [smem:$0x3FB0]  }
0x2c: {  	s7 =	sld [smem:$0x3FB1]  }
0x2d: {  	s3 =	simm.s32 $0x108;
	s8 =	sld [smem:$0x3FB2]  }
0x2e: {  	s3 =	simm.s32 @!p0 $0x1082;
	s9 =	sld [smem:$0x3FB3]  }
0x2f: {  	lr =	sadd.s32 s0, s3;
	s0 =	sld [smem:$0x3FAA]  }
0x30: {  	s3 =	sld [smem:$0x3FAD]  }
0x31: {  	[smem:$0x3FB6] =	sst s10  }
0x32: {  	s10 =	sld [smem:$0x3FB4];
	_ =	sdelay $0x3  }
0x33: {  	p0 =	seq.s32 s10, $0x1;
	s10 =	sld [smem:$0x3FB6];
	_ =	sdelay $0x3  }
0x34: {  	[smem:$0x3FB6] =	sst s10  }
0x35: {  	s10 =	sld [smem:$0x3FB5];
	_ =	sdelay $0x3  }
0x36: {  	p1 =	seq.s32 s10, $0x1;
	s10 =	sld [smem:$0x3FB6];
	_ =	sdelay $0x3  }
0x37: {  	[smem:$0x3FB6] =	sst s10  }
0x38: {  	s10 =	sld [smem:$0x3FB7]  }
0x39: {  	_ = 	snop;
	(pc) =	sbr.ind lr, $3  }
0x3a: {  	_ = 	snop  }
0x3b: {  	_ = 	snop  }
0x3c: {  	p2 =	seq.s32 s10, $0x1;
	s10 =	sld [smem:$0x3FB6]  }
0x3d: {  	_ =	shalt  }
0x3e: {  	_ =	shalt  }
0x3f: {  	_ =	shalt  }
0x40: {  	_ =	shalt  }
0x41: {  	_ =	shalt  }
0x42: {  	_ =	shalt  }
0x43: {  	_ =	shalt  }
0x44: {  	_ =	shalt  }
0x45: {  	_ =	shalt  }
0x46: {  	_ =	shalt  }
0x47: {  	_ =	shalt  }
0x48: {  	_ =	shalt  }
0x49: {  	_ =	shalt  }
0x4a: {  	_ =	shalt  }
0x4b: {  	_ =	shalt  }
0x4c: {  	_ =	shalt  }
0x4d: {  	_ =	shalt  }
0x4e: {  	_ =	shalt  }
0x4f: {  	_ =	shalt  }
0x50: {  	_ =	shalt  }
0x51: {  	_ =	shalt  }
0x52: {  	_ =	shalt  }
0x53: {  	_ =	shalt  }
0x54: {  	_ =	shalt  }
0x55: {  	_ =	shalt  }
0x56: {  	_ =	shalt  }
0x57: {  	_ =	shalt  }
0x58: {  	_ =	shalt  }
0x59: {  	_ =	shalt  }
0x5a: {  	_ =	shalt  }
0x5b: {  	_ =	shalt  }
0x5c: {  	_ =	shalt  }
0x5d: {  	_ =	shalt  }
0x5e: {  	_ =	shalt  }
0x5f: {  	_ =	shalt  }
0x60: {  	_ =	shalt  }
0x61: {  	_ =	shalt  }
0x62: {  	_ =	shalt  }
0x63: {  	_ =	shalt  }
0x64: {  	_ =	shalt  }
0x65: {  	_ =	shalt  }
0x66: {  	_ =	shalt  }
0x67: {  	_ =	shalt  }
0x68: {  	_ =	shalt  }
0x69: {  	_ =	shalt  }
0x6a: {  	_ =	shalt  }
0x6b: {  	_ =	shalt  }
0x6c: {  	_ =	shalt  }
0x6d: {  	_ =	shalt  }
0x6e: {  	_ =	shalt  }
0x6f: {  	_ =	shalt  }
0x70: {  	_ =	shalt  }
0x71: {  	_ =	shalt  }
0x72: {  	_ =	shalt  }
0x73: {  	_ =	shalt  }
0x74: {  	_ =	shalt  }
0x75: {  	_ =	shalt  }
0x76: {  	_ =	shalt  }
0x77: {  	_ =	shalt  }
0x78: {  	_ =	shalt  }
0x79: {  	_ =	shalt  }
0x7a: {  	_ =	shalt  }
0x7b: {  	_ =	shalt  }
0x7c: {  	_ =	shalt  }
0x7d: {  	_ =	shalt  }
0x7e: {  	_ =	shalt  }
0x7f: {  	_ =	shalt  }
0x80: {  	_ =	shalt  }
0x81: {  	_ =	shalt  }
0x82: {  	_ =	shalt  }
0x83: {  	_ =	shalt  }
0x84: {  	_ =	shalt  }
0x85: {  	_ =	shalt  }
0x86: {  	_ =	shalt  }
0x87: {  	_ =	shalt  }
.Lfunc_end0:
.L_simem_size_0:
called_computation_lowered:
.L_overlay_start_0:
0x88: {  	s2 =	sld [smem:$0x3FD9]  }
0x89: {  	s3 =	sld [smem:$0x3FFE];
	_ =	sdelay $0x1  }
0x8a: {  	s1 =	srdreg.scid  }
0x8b: {  	s0 =	sand.u32 $0x1, s1  }
0x8c: {  	s17 =	sshll.u32 s0, $0xA;
	s2 =	sadd.s32 s3, s2  }
0x8d: {  	s2 =	sadd.s32 s2, s17  }
0x8e: {  	[smem:$0x3FC2] =	sst s2  }
0x8f: {  	_ = 	snop  }
0x90: {  	s2 =	sld [smem:$0x3FD0];
	(tm) =	ssettm $0x1  }
0x91: {  	s18 =	sld [smem:$0x3FFB];
	_ =	sdelay $0x3  }
0x92: {  	_ =	strace s18  }
0x93: {  	s3 =	sld [smem:$0x3FFC];
	_ =	sdelay $0x3  }
0x94: {  	_ =	strace s3  }
0x95: {  	s3 =	sld [smem:$0x3FFD];
	_ =	sdelay $0x3  }
0x96: {  	_ =	strace s3  }
0x97: {  	_ =	strace $0x8FFFFFFF  }
0x98: {  	s19 =	sld [smem:$0x3FDB];
	_ =	sdelay $0x1  }
0x99: {  	s4 =	simm.s32 $_scs_section_size  }
0x9a: {  	s5 =	simm.s32 $_size__tile_overlayer_lowered;
	s6 =	simm.s32 $_tile_overlayer_lowered  }
0x9b: {  	s22 =	simm.s32 $0x1BFF;
	s21 =	sshll.u32 s6, $0x1;
	s3 =	sadd.s32 s4, s19  }
0x9c: {  	s7 =	simm.s32 $0x0;
	s20 =	sshll.u32 s5, $0x1;
	s5 =	sadd.s32 s21, s3  }
0x9d: {  	[timem:s7], [sflag:s22] =	dma.local [hbm:s5], s20  }
0x9e: {  	_ =	swait.ge [sflag:s22], s20  }
0x9f: {  	s4 =	ssub.s32 $0x0, s20;
	[sflag:s22] =	ssyncset.done $0x0  }
0xa0: {  	[sflag:s22] =	ssyncadd.s32 s4;
	_ =	sdelay $0x1  }
0xa1: {  	s23 =	simm.s32 $0x1B8B  }
0xa2: {  	_ =	swait.ge [sflag:s23], $0x1  }
0xa3: {  	[sflag:s23] =	ssyncset.done $0x0  }
0xa4: {  	s25 =	simm.s32 $0x1B8E;
	s24 =	sld [smem:$0x3FFE];
	[sflag:s23] =	ssyncadd.s32 $0xFFFFFFFF  }
0xa5: {  	s26 =	simm.s32 $execute0_lowered;
	[smem:$0x3FD2] =	sst s25  }
0xa6: {  	s5 =	sshll.u32 s26, $0x1;
	_ =	strace $0x80000046;
	[dreg:$0x1] =	wrdreg $0xFFFFFFFF  }
0xa7: {  	s28 =	simm.s32 $_size_execute0_lowered;
	s3 =	sadd.s32 s3, s5;
	[dreg:$0x0] =	wrdreg $0x0  }
0xa8: {  	s5 =	sshll.u32 s28, $0x1;
	[dreg:$0x2] =	wrdreg s3  }
0xa9: {  	[dreg:$0x3] =	wrdreg s5  }
0xaa: {  	[dreg:$0x4] =	wrdreg $0xC0  }
0xab: {  	_ =	task [dreg:s7], $0x5FFFF  }
0xac: {  	[dreg:$0x1] =	wrdreg $0xFFFFFFFF  }
0xad: {  	[dreg:$0x0] =	wrdreg $0x60  }
0xae: {  	[dreg:$0x2] =	wrdreg s24  }
0xaf: {  	[dreg:$0x3] =	wrdreg s2  }
0xb0: {  	[dreg:$0x4] =	wrdreg $0x89800  }
0xb1: {  	[dreg:$0x5] =	wrdreg $0x1C5800  }
0xb2: {  	[dreg:$0x6] =	wrdreg $0x9  }
0xb3: {  	_ =	task.clear_ibuf [dreg:s7], $0x7FFFF;
	_ =	strace $0x90000046  }
0xb4: {  	s29 =	simm.s32 $0x9;
	_ =	strace $0x80000048  }
0xb5: {  	_ =	swait.ge [sflag:s29], $0x1  }
0xb6: {  	[sflag:s29] =	ssyncadd.s32 $0xFFFFFFFF  }
0xb7: {  	_ =	strace $0x90000048  }
0xb8: {  	_ =	sfence  }
0xb9: {  	s30 =	sld [smem:$0x0];
	_ =	sdelay $0x2  }
0xba: {  	s31 =	sshll.u32 s1, $0xD;
	s1 =	sshrl.u32 s1, $0x2  }
0xbb: {  	s3 =	sand.u32 $0x4000, s31;
	s1 =	sadd.s32 s1, s30  }
0xbc: {  	s0 =	sor.u32 s3, s0;
	s1 =	sshll.u32 s1, $0x11  }
0xbd: {  	s0 =	sor.u32 s1, s0  }
0xbe: {  	s0 =	sadd.s32 $0x8F2B, s0  }
0xbf: {  	[sflag:s0] =	ssyncadd.remote.s32 $0x1  }
0xc0: {  	_ =	sfence.sel $0xFFFF  }
0xc1: {  	[dreg:$0x0] =	wrdreg $0xFFFFFFFF;
	(pc) =	sbr.abs _section_cstart, $3  }
0xc2: {  	[dreg:$0x1] =	wrdreg $0xFFFFFFFF  }
0xc3: {  	_ =	task.clear_ibuf [dreg:s7], $0x2FFFF;
	_ =	strace $0x9FFFFFFF  }
0xc4: {  	(tm) =	ssettm $0x7FFFFFFF  }
0xc5: {  	_ =	shalt  }
tec
execute0_lowered:
.L_overlay_start_1:
0x0: {  	(tag) =	ssettag $0x1  }
0x1: {  	s1 =	rddreg [dreg:$0x0]  }
0x2: {  	s0 =	rddreg [dreg:$0x1]  }
0x3: {  	s3 =	rddreg [dreg:$0x2];
	s2 =	srdreg.scid  }
0x4: {  	s4 =	rddreg [dreg:$0x3];
	s17 =	stileid.u32  }
0x5: {  	s6 =	simm.s32 $0x0;
	s28 =	simm.s32 $0x700;
	s29 =	simm.s32 $0xC  }
0x6: {  	s30 =	simm.s32 $0x600;
	s31 =	simm.s32 $0x80;
	s8 =	smul.u32 $0x13C00, s17  }
0x7: {  	s2 =	sand.u32 $0x1, s2;
	[smem:$0x7FF] =	sst s6;
	s11 =	smul.u32 $0x278, s17  }
0x8: {  	s6 =	sadd.s32 $0x1C00, s1;
	s7 =	sadd.s32 $0x29400, s1;
	s12 =	smul.u32 $0x4F000, s17  }
0x9: {  	s5 =	smul.u32 $0x13C000, s2;
	_ =	strace $0x80000047;
	s10 =	ssub.s32 $0x2, s2  }
0xa: {  	s9 =	smul.u32 $0x2780, s2;
	s2 =	sshll.u32 s2, $0x4;
	s19 =	sshrl.u32 s10, $0x1  }
0xb: {  	s20 =	sshrl.u32 s12, $0x2;
	s2 =	sor.u32 s17, s2;
	s21 =	sadd.s32 $0x80, s11  }
0xc: {  	s15 =	sadd.s32 $0x100, s11;
	s16 =	sadd.s32 $0x180, s11;
	s5 =	sadd.s32 s8, s5  }
0xd: {  	s8 =	sadd.s32 $0x29A00, s1;
	s9 =	sadd.s32 s11, s9;
	s13 =	ssub.s32 s10, s19  }
0xe: {  	s10 =	sadd.s32 s11, s4;
	s14 =	sshll.u32 s21, $0x7;
	s22 =	sshll.u32 s15, $0x7  }
0xf: {  	s12 =	sadd.s32 s21, s4;
	s24 =	sshll.u32 s16, $0x7;
	s25 =	sadd.s32 s15, s4  }
0x10: {  	s26 =	smul.u32 $0x2880, s2;
	s18 =	sadd.s32 s16, s4;
	s11 =	sadd.s32 $0x200, s11  }
0x11: {  	s19 =	sshll.u32 s17, $0x7;
	p0 =	seq.s32 s2, $0x1F;
	[dreg:$0x6] =	wrdreg s12  }
0x12: {  	s5 =	sshrl.u32 s5, $0x3;
	s9 =	sshrl.u32 s9, $0x3;
	[dreg:$0x8] =	wrdreg s25  }
0x13: {  	s14 =	sadd.s32 s14, s3;
	s23 =	sadd.s32 s22, s3;
	[dreg:$0xa] =	wrdreg s18  }
0x14: {  	s12 =	sadd.s32 s24, s3;
	s5 =	sadd.s32 s5, s1;
	[dreg:$0x5] =	wrdreg s14  }
0x15: {  	s1 =	sadd.s32 s9, s1;
	s9 =	sadd.s32 s20, s3;
	[dreg:$0x7] =	wrdreg s23  }
0x16: {  	[dreg:$0x9] =	wrdreg s12;
	s20 =	sshll.u32 s11, $0x7;
	s21 =	sand.u32 $0x7FC00, s26  }
0x17: {  	s14 =	sand.u32 $0x380, s19;
	s11 =	sadd.s32 s11, s4;
	s19 =	smul.u32 $0x51, s2  }
0x18: {  	s25 =	sshrl.u32 s26, $0x3;
	s12 =	sadd.s32 $0x4E480, s26;
	s15 =	sadd.s32 s20, s3  }
0x19: {  	[dreg:$0xc] =	wrdreg s11;
	s22 =	sor.u32 s14, s21;
	s11 =	sadd.s32 s0, s25  }
0x1a: {  	s26 =	sshrl.u32 s12, $0x3;
	s25 =	sadd.s32 $0x2A000, s1;
	s1 =	simm.s32 $0xA  }
0x1b: {  	[dreg:$0xb] =	wrdreg s15;
	s23 =	sshrl.u32 s22, $0x3;
	s24 =	sadd.s32 $0x4E400, s22  }
0x1c: {  	s22 =	sadd.s32 $0x10, s11;
	s11 =	simm.s32 $0x0;
	s2 =	sadd.s32 s0, s23  }
0x1d: {  	s23 =	sadd.s32 s0, s26;
	[dreg:$0xd] =	wrdreg s2;
	s2 =	sshrl.u32 s24, $0x3  }
0x1e: {  	s26 =	smax.u32 s13, $0x1;
	s24 =	sadd.s32 $0x2AA00, s5;
	s2 =	sadd.s32 s0, s2  }
0x1f: {  	v0 =	vimm.f32 $0.0e+00;
	s5 =	simm.s32 $0x8;
	[dreg:$0xe] =	wrdreg s2;
	s2 =	simm.s32 $0x8700  }
.LBB2_1:
0x20: {  	s12 =	simm.s32 $0x0;
	s13 =	simm.s32 $0x200  }
.LBB2_2:
0x21: {  	p1 =	sne.s32 s13, $0xFE00;
	[tilespmem:s12+$0x770] =	vst v0  }
0x22: {  	[tilespmem:s12+$0x700] =	vst v0  }
0x23: {  	[tilespmem:s12+$0x710] =	vst v0  }
.Ltmp0:
0x24: {  	[tilespmem:s12+$0x720] =	vst v0;
	(pc) =	sbr.rel @p1 .LBB2_2-.Ltmp0, $4  }
0x25: {  	[tilespmem:s12+$0x730] =	vst v0  }
0x26: {  	[tilespmem:s12+$0x740] =	vst v0  }
0x27: {  	[tilespmem:s12+$0x750] =	vst v0  }
0x28: {  	[tilespmem:s12+$0x760] =	vst v0;
	s12 =	sshra.s32 s13, $0x2;
	s13 =	sadd.s32 $0x200, s13  }
0x29: {  	[tilespmem:s12+$0x770] =	vst v0  }
0x2a: {  	[tilespmem:s12+$0x700] =	vst v0  }
0x2b: {  	[tilespmem:s12+$0x710] =	vst v0  }
0x2c: {  	[tilespmem:s12+$0x720] =	vst v0  }
0x2d: {  	[tilespmem:s12+$0x730] =	vst v0  }
0x2e: {  	[tilespmem:s12+$0x740] =	vst v0  }
0x2f: {  	[tilespmem:s12+$0x750] =	vst v0  }
0x30: {  	[tilespmem:s12+$0x760] =	vst v0  }
0x31: {  	[tilespmem:$0x600] =	vst v0  }
0x32: {  	[tilespmem:$0x610] =	vst v0  }
0x33: {  	[tilespmem:$0x620] =	vst v0  }
0x34: {  	[tilespmem:$0x630] =	vst v0  }
0x35: {  	[tilespmem:$0x640] =	vst v0  }
0x36: {  	[tilespmem:$0x650] =	vst v0  }
0x37: {  	[tilespmem:$0x660] =	vst v0  }
0x38: {  	[tilespmem:$0x670] =	vst v0  }
0x39: {  	[spmem:s9] =	stream.linear.scatter [tilespmem:s28], [sflag:$0xC], $0x4000, $0x38;
	[tilespmem:$0x1C7F8] =	vst v63  }
0x3a: {  	_ =	swait.ge [sflag:s29], $0x4000  }
0x3b: {  	[sflag:s29] =	ssyncset.done $0x0  }
0x3c: {  	[sflag:s29] =	ssyncadd.s32 $0xFFFFC000  }
0x3d: {  	[spmem:s10] =	stream.linear.scatter [tilespmem:s30], [sflag:$0xC], $0x80, $0x38;
	[tilespmem:$0x1C7F8] =	vst v63  }
0x3e: {  	_ =	swait.ge [sflag:s29], $0x80  }
0x3f: {  	[sflag:s29] =	ssyncset.done $0x0  }
0x40: {  	s18 =	rddreg [dreg:$0x5];
	[sflag:s29] =	ssyncadd.s32 $0xFFFFFF80  }
0x41: {  	[spmem:s18] =	stream.linear.scatter [tilespmem:s28], [sflag:$0xC], $0x4000, $0x38;
	[tilespmem:$0x1C7F8] =	vst v63  }
0x42: {  	_ =	swait.ge [sflag:s29], $0x4000  }
0x43: {  	[sflag:s29] =	ssyncset.done $0x0  }
0x44: {  	s20 =	rddreg [dreg:$0x6];
	[sflag:s29] =	ssyncadd.s32 $0xFFFFC000  }
0x45: {  	[spmem:s20] =	stream.linear.scatter [tilespmem:s30], [sflag:$0xC], $0x80, $0x38;
	[tilespmem:$0x1C7F8] =	vst v63  }
0x46: {  	_ =	swait.ge [sflag:s29], $0x80  }
0x47: {  	[sflag:s29] =	ssyncset.done $0x0  }
0x48: {  	s21 =	rddreg [dreg:$0x7];
	[sflag:s29] =	ssyncadd.s32 $0xFFFFFF80  }
0x49: {  	[spmem:s21] =	stream.linear.scatter [tilespmem:s28], [sflag:$0xC], $0x4000, $0x38;
	[tilespmem:$0x1C7F8] =	vst v63  }
0x4a: {  	_ =	swait.ge [sflag:s29], $0x4000  }
0x4b: {  	[sflag:s29] =	ssyncset.done $0x0  }
0x4c: {  	s13 =	rddreg [dreg:$0x8];
	[sflag:s29] =	ssyncadd.s32 $0xFFFFC000  }
0x4d: {  	[spmem:s13] =	stream.linear.scatter [tilespmem:s30], [sflag:$0xC], $0x80, $0x38;
	[tilespmem:$0x1C7F8] =	vst v63  }
0x4e: {  	_ =	swait.ge [sflag:s29], $0x80  }
0x4f: {  	[sflag:s29] =	ssyncset.done $0x0  }
0x50: {  	s14 =	rddreg [dreg:$0x9];
	[sflag:s29] =	ssyncadd.s32 $0xFFFFFF80  }
0x51: {  	[spmem:s14] =	stream.linear.scatter [tilespmem:s28], [sflag:$0xC], $0x4000, $0x38;
	[tilespmem:$0x1C7F8] =	vst v63  }
0x52: {  	_ =	swait.ge [sflag:s29], $0x4000  }
0x53: {  	[sflag:s29] =	ssyncset.done $0x0  }
0x54: {  	s15 =	rddreg [dreg:$0xa];
	[sflag:s29] =	ssyncadd.s32 $0xFFFFC000  }
0x55: {  	[spmem:s15] =	stream.linear.scatter [tilespmem:s30], [sflag:$0xC], $0x80, $0x38;
	[tilespmem:$0x1C7F8] =	vst v63  }
0x56: {  	_ =	swait.ge [sflag:s29], $0x80  }
0x57: {  	[sflag:s29] =	ssyncset.done $0x0  }
0x58: {  	s16 =	rddreg [dreg:$0xb];
	[sflag:s29] =	ssyncadd.s32 $0xFFFFFF80  }
0x59: {  	[spmem:s16] =	stream.linear.scatter [tilespmem:s28], [sflag:$0xC], $0x3C00, $0x38;
	[tilespmem:$0x1C7F8] =	vst v63  }
0x5a: {  	_ =	swait.ge [sflag:s29], $0x3C00  }
0x5b: {  	[sflag:s29] =	ssyncset.done $0x0  }
0x5c: {  	s17 =	rddreg [dreg:$0xc];
	[sflag:s29] =	ssyncadd.s32 $0xFFFFC400  }
0x5d: {  	[spmem:s17] =	stream.linear.scatter [tilespmem:s30], [sflag:$0xC], $0x78, $0x38;
	[tilespmem:$0x1C7F8] =	vst v63  }
0x5e: {  	_ =	swait.ge [sflag:s29], $0x78  }
0x5f: {  	[sflag:s29] =	ssyncset.done $0x0  }
0x60: {  	v1 =	vlaneseq.u32 @p0;
	[sflag:s29] =	ssyncadd.s32 $0xFFFFFF88  }
0x61: {  	v2 =	vor.u32 @p0 $0x580, v1;
	[bflag:$0x0] =	sbarrier.arrive $0xFFFF  }
0x62: {  	[tilespmem:$0x0] =	vst @p0 v2  }
0x63: {  	[tilespmem:$0x200] =	vst @p0 v2;
	v2 =	vor.u32 @p0 $0x590, v1  }
0x64: {  	[tilespmem:$0x10] =	vst @p0 v2  }
0x65: {  	[tilespmem:$0x210] =	vst @p0 v2;
	v2 =	vor.u32 @p0 $0x5A0, v1  }
0x66: {  	[tilespmem:$0x20] =	vst @p0 v2  }
0x67: {  	[tilespmem:$0x220] =	vst @p0 v2;
	v2 =	vor.u32 @p0 $0x5B0, v1  }
0x68: {  	[tilespmem:$0x30] =	vst @p0 v2  }
0x69: {  	[tilespmem:$0x230] =	vst @p0 v2;
	v2 =	vor.u32 @p0 $0x5C0, v1  }
0x6a: {  	[tilespmem:$0x40] =	vst @p0 v2  }
0x6b: {  	[tilespmem:$0x240] =	vst @p0 v2;
	v2 =	vor.u32 @p0 $0x5D0, v1  }
0x6c: {  	[tilespmem:$0x50] =	vst @p0 v2  }
0x6d: {  	[tilespmem:$0x250] =	vst @p0 v2;
	v2 =	vor.u32 @p0 $0x5E0, v1  }
0x6e: {  	[tilespmem:$0x60] =	vst @p0 v2  }
0x6f: {  	[tilespmem:$0x260] =	vst @p0 v2;
	v2 =	vor.u32 @p0 $0x5F0, v1  }
0x70: {  	[tilespmem:$0x70] =	vst @p0 v2  }
0x71: {  	[tilespmem:$0x270] =	vst @p0 v2;
	v2 =	vor.u32 @p0 $0x600, v1  }
0x72: {  	[tilespmem:$0x80] =	vst @p0 v2  }
0x73: {  	[tilespmem:$0x280] =	vst @p0 v2;
	v2 =	vor.u32 @p0 $0x610, v1  }
0x74: {  	[tilespmem:$0x90] =	vst @p0 v2  }
0x75: {  	[tilespmem:$0x290] =	vst @p0 v2;
	v2 =	vor.u32 @p0 $0x620, v1  }
0x76: {  	[tilespmem:$0xA0] =	vst @p0 v2  }
0x77: {  	[tilespmem:$0x2A0] =	vst @p0 v2;
	v2 =	vor.u32 @p0 $0x630, v1  }
0x78: {  	[tilespmem:$0xB0] =	vst @p0 v2  }
0x79: {  	[tilespmem:$0x2B0] =	vst @p0 v2;
	v2 =	vor.u32 @p0 $0x640, v1  }
0x7a: {  	[tilespmem:$0xC0] =	vst @p0 v2  }
0x7b: {  	[tilespmem:$0x2C0] =	vst @p0 v2;
	v2 =	vor.u32 @p0 $0x650, v1  }
0x7c: {  	[tilespmem:$0xD0] =	vst @p0 v2  }
0x7d: {  	[tilespmem:$0x2D0] =	vst @p0 v2;
	v2 =	vor.u32 @p0 $0x660, v1  }
0x7e: {  	[tilespmem:$0xE0] =	vst @p0 v2  }
0x7f: {  	v1 =	vor.u32 @p0 $0x670, v1;
	[tilespmem:$0x2E0] =	vst @p0 v2  }
0x80: {  	[tilespmem:$0xF0] =	vst @p0 v1  }
0x81: {  	s12 =	simm.s32 @!p0 $0x0;
	s13 =	rddreg [dreg:$0xd];
	[tilespmem:$0x2F0] =	vst @p0 v1  }
0x82: {  	[tilespmem:s12], [sflag:$0xC] =	stream.linear.gather @!p0 [hbm4b:s13+s12], $0x80, $0x38;
	[tilespmem:$0x1C7F8] =	vst v63  }
0x83: {  	s13 =	simm.s32 @!p0 $0xC  }
0x84: {  	_ =	swait.ge @!p0 [sflag:s13], $0x80  }
0x85: {  	[sflag:s13] =	ssyncset.done @!p0 $0x0  }
0x86: {  	s14 =	simm.s32 @!p0 $0x200;
	s15 =	rddreg [dreg:$0xe];
	[sflag:s13] =	ssyncadd.s32 @!p0 $0xFFFFFF80  }
0x87: {  	[tilespmem:s14], [sflag:$0xC] =	stream.linear.gather @!p0 [hbm4b:s15+s12], $0x80, $0x38;
	[tilespmem:$0x1C7F8] =	vst v63  }
0x88: {  	_ =	swait.ge @!p0 [sflag:s13], $0x80  }
0x89: {  	[sflag:s13] =	ssyncset.done @!p0 $0x0  }
0x8a: {  	[sflag:s13] =	ssyncadd.s32 @!p0 $0xFFFFFF80;
	s13 =	simm.s32 @!p0 $0x80  }
0x8b: {  	[tilespmem:s13], [sflag:$0x2] =	stream.linear.gather @!p0 [hbm4b:s22+s12], $0x80, $0x38;
	[tilespmem:$0x1C7F8] =	vst v63  }
0x8c: {  	s13 =	simm.s32 @!p0 $0x280  }
0x8d: {  	[tilespmem:s13], [sflag:$0x2] =	stream.linear.gather @!p0 [hbm4b:s23+s12], $0x80, $0x38;
	[tilespmem:$0x1C7F8] =	vst v63  }
0x8e: {  	s18 =	simm.s32 $0x400;
	s13 =	simm.s32 $0x0  }
0x8f: {  	[tilespmem:s18], [sflag:$0x4] =	stream.indirect.gather [hbm4b:s7+s31], $0x1, s13, s31, $0xb8;
	[tilespmem:$0x1C7F8] =	vst v63  }
0x90: {  	s20 =	simm.s32 $0x200;
	s21 =	simm.s32 $0x500  }
0x91: {  	[tilespmem:s21], [sflag:$0x4] =	stream.indirect.gather [hbm4b:s8+s31], $0x1, s20, s31, $0xb8;
	[tilespmem:$0x1C7F8] =	vst v63  }
0x92: {  	p1 =	por $0x0, $0x0  }
0x93: {  	[tilespmem:s28], [sflag:$0x6] =	stream.indirect.gather [hbm4b:s6+s31], $0x80, s13, s31, $0xb8;
	[tilespmem:$0x1C7F8] =	vst v63  }
.LBB2_4:
0x94: {  	s12 =	sand.u32 $0x1, s13  }
0x95: {  	p2 =	seq.s32 s13, $0x0;
	s16 =	sxor.u32 $0x1, s12  }
0x96: {  	p3 =	seq.s32 @!p2 s13, $0x50;
	s14 =	sor.u32 @!p2 $0x8, s16  }
0x97: {  	p3 =	por p2, !p3;
	_ =	swait.ge @!p2 [sflag:s14], $0x4000  }
.Ltmp1:
0x98: {  	[sflag:s14] =	ssyncset.done @!p2 $0x0;
	(pc) =	sbr.rel @!p3 .LBB2_6-.Ltmp1, $4  }
0x99: {  	s17 =	sor.u32 @!p2 $0xA, s16;
	[sflag:s14] =	ssyncadd.s32 @!p2 $0xFFFFC000  }
0x9a: {  	_ =	swait.ge @!p2 [sflag:s17], $0x80  }
0x9b: {  	[sflag:s17] =	ssyncset.done @!p2 $0x0  }
0x9c: {  	s15 =	smul.u32 $0xAB, s13;
	s14 =	sadd.s32 $0x1, s13;
	[sflag:s17] =	ssyncadd.s32 @!p2 $0xFFFFFF80  }
0x9d: {  	_ = 	snop  }
0x9e: {  	s17 =	sadd.s32 $0xAB, s15  }
0x9f: {  	s17 =	sshrl.u32 s17, $0x9  }
0xa0: {  	s17 =	sand.u32 $0x7F, s17  }
0xa1: {  	s17 =	smul.u32 $0x3, s17;
	_ =	sdelay $0x1  }
0xa2: {  	s18 =	sadd.s32 s19, s14;
	s17 =	ssub.s32 s14, s17  }
0xa3: {  	p2 =	sgt.u32 s18, $0x9C3;
	s17 =	sand.u32 $0xFF, s17  }
0xa4: {  	s18 =	sadd.s32 @!p2 $0x1, s17  }
0xa5: {  	_ =	swait.ge @!p2 [sflag:s18], $0x80  }
0xa6: {  	[sflag:s18] =	ssyncset.done @!p2 $0x0  }
0xa7: {  	[sflag:s18] =	ssyncadd.s32 @!p2 $0xFFFFFF80  }
0xa8: {  	_ =	swait.ge @!p2 [sflag:s18], $0x80  }
0xa9: {  	[sflag:s18] =	ssyncset.done @!p2 $0x0  }
0xaa: {  	[sflag:s18] =	ssyncadd.s32 @!p2 $0xFFFFFF80;
	s18 =	sshll.u32 s16, $0x7  }
0xab: {  	s21 =	sor.u32 $0x4, s16;
	s17 =	sshll.u32 s17, $0x7;
	s20 =	sor.u32 $0x400, s18  }
0xac: {  	[tilespmem:s20], [sflag:s21] =	stream.indirect.gather [hbm4b:s7+s31], $0x1, s17, s31, $0xb8;
	[tilespmem:$0x1C7F8] =	vst v63  }
0xad: {  	s18 =	sor.u32 $0x500, s18;
	s20 =	sadd.s32 $0x200, s17  }
0xae: {  	[tilespmem:s18], [sflag:s21] =	stream.indirect.gather [hbm4b:s8+s31], $0x1, s20, s31, $0xb8;
	[tilespmem:$0x1C7F8] =	vst v63  }
0xaf: {  	s20 =	sshll.u32 s16, $0xE  }
0xb0: {  	s21 =	sor.u32 $0x6, s16;
	s18 =	sor.u32 $0x700, s20  }
0xb1: {  	[tilespmem:s18], [sflag:s21] =	stream.indirect.gather [hbm4b:s6+s31], $0x80, s17, s31, $0xb8;
	[tilespmem:$0x1C7F8] =	vst v63  }
.LBB2_6:
0xb2: {  	s16 =	sor.u32 $0x6, s12  }
0xb3: {  	_ =	swait.ge [sflag:s16], $0x4000  }
0xb4: {  	[sflag:s16] =	ssyncset.done $0x0  }
0xb5: {  	s21 =	sor.u32 $0x4, s12;
	[sflag:s16] =	ssyncadd.s32 $0xFFFFC000  }
0xb6: {  	p2 =	sgt.u32 s13, $0x4E;
	_ =	swait.ge [sflag:s21], $0x80  }
.Ltmp2:
0xb7: {  	[sflag:s21] =	ssyncset.done $0x0;
	(pc) =	sbr.rel @p2 .LBB2_8-.Ltmp2, $4  }
0xb8: {  	[sflag:s21] =	ssyncadd.s32 $0xFFFFFF80  }
0xb9: {  	_ =	swait.ge [sflag:s21], $0x80  }
0xba: {  	[sflag:s21] =	ssyncset.done $0x0  }
0xbb: {  	[sflag:s21] =	ssyncadd.s32 $0xFFFFFF80  }
0xbc: {  	s17 =	sadd.s32 $0x2, s13;
	s16 =	sadd.s32 $0x156, s15  }
0xbd: {  	s18 =	sshrl.u32 s16, $0x9;
	s16 =	sadd.s32 s19, s17  }
0xbe: {  	s18 =	sand.u32 $0x7F, s18;
	p2 =	sgt.u32 s16, $0x9C3  }
0xbf: {  	s18 =	smul.u32 $0x3, s18;
	s20 =	sshll.u32 @p2 s16, $0x7  }
0xc0: {  	v1 =	vlaneseq.u32 @p2;
	s21 =	sadd.s32 @p2 $0xFFFB1E00, s20  }
0xc1: {  	v3 =	vor.u32 @p2 $0xFFFFD8F0, v1;
	s17 =	ssub.s32 s17, s18;
	v2 =	vor.u32 @p2 s21, v1  }
0xc2: {  	v4 =	vadd.s32 @p2 s21, v3;
	s18 =	sadd.s32 @p2 $0xFFFB1E10, s20;
	s17 =	sand.u32 $0xFF, s17;
	vm0 =	vlt.s32 @p2 v2, $0x2710  }
0xc3: {  	v2 =	vsel @p2 vm0, v2, v4;
	s21 =	sshll.u32 @p2 s17, $0x7;
	v4 =	vor.u32 @p2 s18, v1  }
0xc4: {  	v5 =	vadd.s32 @p2 s18, v3;
	s18 =	sadd.s32 @p2 $0xFFFB1E20, s20;
	[tilespmem:s21+$0x0] =	vst @p2 v2;
	vm0 =	vlt.s32 @p2 v4, $0x2710  }
0xc5: {  	[tilespmem:s21+$0x200] =	vst @p2 v2;
	v2 =	vsel @p2 vm0, v4, v5;
	v4 =	vor.u32 @p2 s18, v1  }
0xc6: {  	v5 =	vadd.s32 @p2 s18, v3;
	s18 =	sadd.s32 @p2 $0xFFFB1E30, s20;
	[tilespmem:s21+$0x10] =	vst @p2 v2;
	vm0 =	vlt.s32 @p2 v4, $0x2710  }
0xc7: {  	[tilespmem:s21+$0x210] =	vst @p2 v2;
	v2 =	vsel @p2 vm0, v4, v5;
	v4 =	vor.u32 @p2 s18, v1  }
0xc8: {  	v5 =	vadd.s32 @p2 s18, v3;
	s18 =	sadd.s32 @p2 $0xFFFB1E40, s20;
	[tilespmem:s21+$0x20] =	vst @p2 v2;
	vm0 =	vlt.s32 @p2 v4, $0x2710  }
0xc9: {  	[tilespmem:s21+$0x220] =	vst @p2 v2;
	v2 =	vsel @p2 vm0, v4, v5;
	v4 =	vor.u32 @p2 s18, v1  }
0xca: {  	v5 =	vadd.s32 @p2 s18, v3;
	s18 =	sadd.s32 @p2 $0xFFFB1E50, s20;
	[tilespmem:s21+$0x30] =	vst @p2 v2;
	vm0 =	vlt.s32 @p2 v4, $0x2710  }
0xcb: {  	[tilespmem:s21+$0x230] =	vst @p2 v2;
	v2 =	vsel @p2 vm0, v4, v5;
	v4 =	vor.u32 @p2 s18, v1  }
0xcc: {  	v5 =	vadd.s32 @p2 s18, v3;
	s18 =	sadd.s32 @p2 $0xFFFB1E60, s20;
	[tilespmem:s21+$0x40] =	vst @p2 v2;
	vm0 =	vlt.s32 @p2 v4, $0x2710  }
0xcd: {  	[tilespmem:s21+$0x240] =	vst @p2 v2;
	v2 =	vsel @p2 vm0, v4, v5;
	v4 =	vor.u32 @p2 s18, v1  }
0xce: {  	v5 =	vadd.s32 @p2 s18, v3;
	s18 =	sadd.s32 @p2 $0xFFFB1E70, s20;
	[tilespmem:s21+$0x50] =	vst @p2 v2;
	vm0 =	vlt.s32 @p2 v4, $0x2710  }
0xcf: {  	[tilespmem:s21+$0x250] =	vst @p2 v2;
	v1 =	vor.u32 @p2 s18, v1;
	v2 =	vsel @p2 vm0, v4, v5  }
0xd0: {  	v3 =	vadd.s32 @p2 s18, v3;
	vm0 =	vlt.s32 @p2 v1, $0x2710;
	[tilespmem:s21+$0x60] =	vst @p2 v2  }
0xd1: {  	[tilespmem:s21+$0x260] =	vst @p2 v2;
	v1 =	vsel @p2 vm0, v1, v3  }
0xd2: {  	s20 =	sshll.u32 @!p2 s16, $0x7;
	s16 =	sshll.u32 @!p2 s16, $0x4;
	s18 =	sadd.s32 @!p2 $0x1, s17;
	[tilespmem:s21+$0x70] =	vst @p2 v1  }
0xd3: {  	s17 =	sshll.u32 @!p2 s17, $0x7;
	s16 =	sadd.s32 @!p2 s0, s16;
	[tilespmem:s21+$0x270] =	vst @p2 v1;
	s21 =	simm.s32 @!p2 $0x0  }
0xd4: {  	[tilespmem:s17], [sflag:s18] =	stream.linear.gather @!p2 [hbm4b:s16+s21], $0x80, $0x38;
	[tilespmem:$0x1C7F8] =	vst v63  }
0xd5: {  	s16 =	sand.u32 @!p2 $0x7FF80, s20  }
0xd6: {  	s16 =	sadd.s32 @!p2 $0x4E400, s16  }
0xd7: {  	s16 =	sshrl.u32 @!p2 s16, $0x3  }
0xd8: {  	s17 =	sadd.s32 @!p2 $0x200, s17;
	s16 =	sadd.s32 @!p2 s0, s16  }
0xd9: {  	[tilespmem:s17], [sflag:s18] =	stream.linear.gather @!p2 [hbm4b:s16+s21], $0x80, $0x38;
	[tilespmem:$0x1C7F8] =	vst v63  }
.LBB2_8:
0xda: {  	s16 =	sshll.u32 s12, $0x7  }
0xdb: {  	v1 =	vld [tilespmem:s16+$0x400]  }
0xdc: {  	v2 =	vld [tilespmem:s16+$0x500]  }
0xdd: {  	v3 =	vld [tilespmem:s16+$0x410]  }
0xde: {  	v4 =	vld [tilespmem:s16+$0x510]  }
0xdf: {  	v5 =	vld [tilespmem:s16+$0x420]  }
0xe0: {  	v6 =	vld [tilespmem:s16+$0x520]  }
0xe1: {  	v7 =	vld [tilespmem:s16+$0x530];
	v1 =	vadd.f32 v2, v1  }
0xe2: {  	v2 =	vld [tilespmem:s16+$0x430]  }
0xe3: {  	v8 =	vmul.f32 $2.000000030e-01, v1  }
0xe4: {  	v9 =	vld [tilespmem:s16+$0x440];
	vm0 =	vgt.f32 v1, $0.0e+00  }
0xe5: {  	v10 =	vld [tilespmem:s16+$0x540];
	v3 =	vadd.f32 v4, v3;
	v1 =	vsel vm0, v1, v8  }
0xe6: {  	v4 =	vld [tilespmem:s16+$0x450];
	v1 =	vmul.f32 $1.442695020e+00, v1  }
0xe7: {  	v5 =	vadd.f32 v6, v5;
	v6 =	vld [tilespmem:s16+$0x550];
	v8 =	vmul.f32 $2.000000030e-01, v3;
	v2 =	vadd.f32 v7, v2  }
0xe8: {  	v11 =	vld [tilespmem:s16+$0x560];
	vm9 =	vgt.f32 v3, $0.0e+00;
	(erf) = vpow2.f32 v1  }
0xe9: {  	v12 =	vld [tilespmem:s16+$0x470];
	v3 =	vsel vm9, v3, v8;
	v1 =	vmul.f32 $2.000000030e-01, v5;
	v8 =	vmul.f32 $2.000000030e-01, v2  }
0xea: {  	vm10 =	vgt.f32 v5, $0.0e+00;
	v7 =	vld [tilespmem:s16+$0x460];
	v3 =	vmul.f32 $1.442695020e+00, v3;
	vm11 =	vgt.f32 v2, $0.0e+00  }
0xeb: {  	v1 =	vsel vm10, v5, v1;
	v5 =	vld [tilespmem:s16+$0x570];
	v2 =	vsel vm11, v2, v8  }
0xec: {  	(erf) = vpow2.f32 v3;
	v3 =	vadd.f32 v6, v4;
	v1 =	vmul.f32 $1.442695020e+00, v1  }
0xed: {  	v8 =	vadd.f32 v10, v9;
	v2 =	vmul.f32 $1.442695020e+00, v2  }
0xee: {  	v4 =	vmul.f32 $2.000000030e-01, v3;
	(erf) = vpow2.f32 v1  }
0xef: {  	v1 =	vmul.f32 $2.000000030e-01, v8;
	(erf) = vpow2.f32 v2;
	v2 =	vadd.f32 v11, v7  }
0xf0: {  	vm12 =	vgt.f32 v8, $0.0e+00;
	vm13 =	vgt.f32 v3, $0.0e+00;
	v5 =	vadd.f32 v5, v12  }
0xf1: {  	v3 =	vsel vm13, v3, v4;
	v1 =	vsel vm12, v8, v1;
	v6 =	vmul.f32 $2.000000030e-01, v2  }
0xf2: {  	v1 =	vmul.f32 $1.442695020e+00, v1;
	vm14 =	vgt.f32 v2, $0.0e+00;
	v4 =	vmul.f32 $2.000000030e-01, v5  }
0xf3: {  	v3 =	vmul.f32 $1.442695020e+00, v3;
	vm15 =	vgt.f32 v5, $0.0e+00;
	v2 =	vsel vm14, v2, v6  }
0xf4: {  	(erf) = vpow2.f32 v1;
	v1 =	vmul.f32 $1.442695020e+00, v2;
	v2 =	vsel vm15, v5, v4  }
0xf5: {  	(erf) = vpow2.f32 v3;
	v2 =	vmul.f32 $1.442695020e+00, v2  }
0xf6: {  	(erf) = vpow2.f32 v1  }
0xf7: {  	s17 =	sadd.s32 s19, s13;
	(erf) = vpow2.f32 v2  }
0xf8: {  	s17 =	sshll.u32 s17, $0x7  }
0xf9: {  	p2 =	slt.u32 s17, $0x50910;
	s18 =	sor.u32 $0x10, s17;
	v1 =	vpop (erf)  }
0xfa: {  	s21 =	sor.u32 $0x20, s17;
	p4 =	slt.u32 s18, $0x50910;
	v2 =	vpop (erf);
	v1 =	vpsel !p2, $0x0, v1  }
0xfb: {  	s20 =	sor.u32 $0x30, s17;
	p5 =	slt.u32 s21, $0x50910;
	v3 =	vpop (erf);
	[tilespmem:s16+$0x600] =	vst v1;
	v1 =	vpsel !p4, $0x0, v2  }
0xfc: {  	p6 =	slt.u32 s20, $0x50910;
	s21 =	sor.u32 $0x40, s17;
	s20 =	simm.s32 $0x0;
	v2 =	vpop (erf);
	[tilespmem:s16+$0x610] =	vst v1;
	v1 =	vpsel !p5, $0x0, v3  }
0xfd: {  	p3 =	slt.u32 s21, $0x50910;
	s21 =	sor.u32 $0x50, s17;
	v3 =	vpop (erf);
	[tilespmem:s16+$0x620] =	vst v1;
	v1 =	vpsel !p6, $0x0, v2;
	v2 =	vmov s20  }
0xfe: {  	p4 =	slt.u32 s21, $0x50910;
	s21 =	sor.u32 $0x60, s17;
	v4 =	vpop (erf);
	[tilespmem:s16+$0x630] =	vst v1;
	v3 =	vpsel !p3, $0x0, v3;
	v1 =	vmov s16;
	v2 =	vand.u32 $0x7F, v2  }
0xff: {  	s17 =	sor.u32 $0x70, s17;
	p5 =	slt.u32 s21, $0x50910;
	s20 =	simm.s32 $0x1;
	[tilespmem:s16+$0x640] =	vst v3;
	v3 =	vpsel !p4, $0x0, v4;
	v2 =	vadd.s32 v1, v2;
	v5 =	vpop (erf)  }
0x100: {  	p6 =	slt.u32 s17, $0x50910;
	s20 =	simm.s32 @!p1 $0x0;
	[tilespmem:s16+$0x650] =	vst v3;
	v2 =	vbroadcast v2, $0x0;
	v3 =	vpsel !p5, $0x0, v5;
	v4 =	vpop (erf)  }
0x101: {  	s21 =	sshll.u32 s20, $0xE;
	[tilespmem:s16+$0x660] =	vst v3;
	v3 =	vpsel !p6, $0x0, v4  }
0x102: {  	s18 =	sor.u32 $0x740, s21;
	[tilespmem:s16+$0x670] =	vst v3  }
0x103: {  	v6 =	vld [tilespmem:s18+$0x30]  }
0x104: {  	v9 =	vld [tilespmem:s18+$0x10]  }
0x105: {  	v7 =	vld [tilespmem:s18+$0xFFFFFFC0]  }
0x106: {  	v2 =	vld.idx.msk [tilespmem:v2+s30+$0x0], $0xffff  }
0x107: {  	s15 =	sshrl.u32 s15, $0x9;
	v63 =	vld [tilespmem:s18+$0xFFFFFFE0]  }
0x108: {  	s15 =	sand.u32 $0x7F, s15;
	v3 =	vld [tilespmem:s18+$0xFFFFFFF0]  }
0x109: {  	s15 =	smul.u32 $0x3, s15;
	v4 =	vld [tilespmem:s18+$0x20]  }
0x10a: {  	v5 =	vld [tilespmem:s18+$0xFFFFFFD0]  }
0x10b: {  	s17 =	ssub.s32 s13, s15;
	s15 =	sor.u32 $0x600, s16;
	v10 =	vmul.f32 v6, v2;
	v6 =	vld [tilespmem:s18+$0x0]  }
0x10c: {  	s13 =	sand.u32 $0xFF, s17;
	s20 =	sshll.u32 s12, $0xE;
	s21 =	simm.s32 $0x1;
	v8 =	vmul.f32 v7, v2  }
0x10d: {  	s17 =	sor.u32 $0x700, s20;
	s20 =	simm.s32 $0x2;
	v11 =	vmov s21;
	s16 =	smov.u32 s18;
	v7 =	vmul.f32 v63, v2;
	v9 =	vmul.f32 v9, v2  }
.LBB2_9:
0x10e: {  	p2 =	sne.s32 s20, $0x7F  }
0x10f: {  	v11 =	vand.u32 $0x7F, v11;
	v5 =	vmul.f32 v5, v2;
	v4 =	vmul.f32 v4, v2;
	[tilespmem:s18+$0x30] =	vst v10;
	s16 =	sadd.s32 $0x80, s16;
	s21 =	smov.u32 s20;
	s20 =	sadd.s32 $0x1, s20  }
0x110: {  	v10 =	vadd.s32 v1, v11;
	[tilespmem:s18+$0xFFFFFFC0] =	vst v8;
	v8 =	vmul.f32 v3, v2;
	v2 =	vmul.f32 v6, v2  }
0x111: {  	v6 =	vbroadcast v10, $0x0;
	[tilespmem:s18+$0x10] =	vst v9  }
0x112: {  	[tilespmem:s18+$0xFFFFFFE0] =	vst v7  }
0x113: {  	v3 =	vld [tilespmem:s16+$0xFFFFFFF0];
	[tilespmem:s18+$0xFFFFFFF0] =	vst v8  }
0x114: {  	v7 =	vld [tilespmem:s16+$0x30];
	[tilespmem:s18+$0x0] =	vst v2  }
0x115: {  	v9 =	vld [tilespmem:s16+$0x10];
	[tilespmem:s18+$0x20] =	vst v4  }
0x116: {  	v8 =	vld [tilespmem:s16+$0xFFFFFFC0];
	[tilespmem:s18+$0xFFFFFFD0] =	vst v5;
	s18 =	smov.u32 s16  }
0x117: {  	v2 =	vld.idx.msk [tilespmem:v6+s30+$0x0], $0xffff  }
0x118: {  	v12 =	vld [tilespmem:s16+$0xFFFFFFE0]  }
0x119: {  	v4 =	vld [tilespmem:s16+$0x20]  }
.Ltmp3:
0x11a: {  	v5 =	vld [tilespmem:s16+$0xFFFFFFD0];
	(pc) =	sbr.rel @p2 .LBB2_9-.Ltmp3, $3  }
0x11b: {  	v6 =	vld [tilespmem:s16+$0x0];
	_ =	sdelay $0x1  }
0x11c: {  	v8 =	vmul.f32 v8, v2;
	v10 =	vmul.f32 v7, v2  }
0x11d: {  	v11 =	vmov s21;
	v9 =	vmul.f32 v9, v2;
	v7 =	vmul.f32 v12, v2  }
0x11e: {  	[tilespmem:s18+$0x30] =	vst v10;
	v58 =	vand.u32 $0x7F, v11  }
0x11f: {  	[tilespmem:s18+$0xFFFFFFC0] =	vst v8;
	v1 =	vadd.s32 v1, v58  }
0x120: {  	v3 =	vmul.f32 v3, v2;
	[tilespmem:s18+$0x10] =	vst v9;
	v1 =	vbroadcast v1, $0x0  }
0x121: {  	s16 =	sadd.s32 $0x80, s16;
	[tilespmem:s18+$0xFFFFFFE0] =	vst v7;
	v6 =	vmul.f32 v6, v2  }
0x122: {  	v4 =	vmul.f32 v4, v2;
	v2 =	vmul.f32 v5, v2;
	v7 =	vld [tilespmem:s16+$0xFFFFFFF0];
	[tilespmem:s18+$0xFFFFFFF0] =	vst v3  }
0x123: {  	v3 =	vld [tilespmem:s16+$0x30];
	[tilespmem:s18+$0x0] =	vst v6  }
0x124: {  	v60 =	vld [tilespmem:s16+$0xFFFFFFC0];
	[tilespmem:s18+$0xFFFFFFD0] =	vst v2  }
0x125: {  	v59 =	vld [tilespmem:s16+$0x10];
	[tilespmem:s18+$0x20] =	vst v4  }
0x126: {  	v1 =	vld.idx.msk [tilespmem:v1+s30+$0x0], $0xffff;
	_ =	sdelay $0x2  }
0x127: {  	v2 =	vld [tilespmem:s16+$0xFFFFFFE0]  }
0x128: {  	v6 =	vld [tilespmem:s16+$0x0]  }
0x129: {  	v3 =	vmul.f32 v3, v1  }
0x12a: {  	v61 =	vld [tilespmem:s16+$0x20];
	v4 =	vmul.f32 v60, v1  }
0x12b: {  	v62 =	vld [tilespmem:s16+$0xFFFFFFD0];
	v5 =	vmul.f32 v59, v1;
	[tilespmem:s16+$0x30] =	vst v3  }
0x12c: {  	v2 =	vmul.f32 v2, v1;
	[tilespmem:s16+$0xFFFFFFC0] =	vst v4  }
0x12d: {  	v63 =	vmul.f32 v6, v1;
	[tilespmem:s16+$0x10] =	vst v5  }
0x12e: {  	v3 =	vmul.f32 v7, v1;
	[tilespmem:s16+$0xFFFFFFE0] =	vst v2  }
0x12f: {  	v2 =	vmul.f32 v61, v1;
	[tilespmem:s16+$0x0] =	vst v63  }
0x130: {  	v1 =	vmul.f32 v62, v1;
	[tilespmem:s16+$0xFFFFFFF0] =	vst v3  }
0x131: {  	s13 =	sshll.u32 s13, $0x7;
	p2 =	sne.s32 s14, $0x51;
	[tilespmem:s16+$0x20] =	vst v2  }
.Ltmp4:
0x132: {  	s20 =	sor.u32 $0x8, s12;
	s13 =	sadd.s32 $0x200, s13;
	[tilespmem:s16+$0xFFFFFFD0] =	vst v1;
	(pc) =	sbr.rel @p2 .LBB2_4-.Ltmp4, $4  }
0x133: {  	[spmem:s3] =	stream.indirect.scatter.add.f32 [tilespmem:s17], [sflag:s20], $0x80, s13, s31, $0xb8;
	[tilespmem:$0x1C7F8] =	vst v63  }
0x134: {  	s21 =	sor.u32 $0xA, s12  }
0x135: {  	[spmem:s4] =	stream.indirect.scatter.add.f32 [tilespmem:s15], [sflag:s21], $0x1, s13, s31, $0xb8;
	[tilespmem:$0x1C7F8] =	vst v63  }
0x136: {  	p1 =	por !p1, !p1;
	s13 =	smov.u32 s14  }
0x137: {  	_ =	swait.ge [sflag:s5], $0x4000  }
0x138: {  	[sflag:s5] =	ssyncset.done $0x0  }
0x139: {  	[sflag:s5] =	ssyncadd.s32 $0xFFFFC000  }
0x13a: {  	_ =	swait.ge [sflag:s1], $0x80  }
0x13b: {  	s12 =	stileid.u32;
	[sflag:s1] =	ssyncset.done $0x0  }
0x13c: {  	s12 =	sshll.u32 s12, $0x6;
	[sflag:s1] =	ssyncadd.s32 $0xFFFFFF80  }
0x13d: {  	s13 =	sshrl.u32 s9, $0x3;
	s12 =	sor.u32 $0x1C0C, s12;
	[bflag:$0x0] =	sbarrier.arrive $0xFFFF  }
0x13e: {  	[hbm:s24], [sflag:s12] =	dma.local [spmem:s13], $0x2780  }
0x13f: {  	_ =	swait.ge [sflag:s29], $0x2780  }
0x140: {  	[sflag:s29] =	ssyncset.done $0x0  }
0x141: {  	[sflag:s29] =	ssyncadd.s32 $0xFFFFD880  }
0x142: {  	[tilespmem:s2], [sflag:$0xC] =	stream.linear.gather [spmem:s10], $0x278, $0x38;
	[tilespmem:$0x1C7F8] =	vst v63  }
0x143: {  	s11 =	sadd.s32 $0x1, s11;
	_ =	swait.ge [sflag:s29], $0x278  }
0x144: {  	p1 =	sne.s32 s11, s26;
	[sflag:s29] =	ssyncset.done $0x0  }
.Ltmp5:
0x145: {  	s21 =	simm.s32 $0x0;
	[sflag:s29] =	ssyncadd.s32 $0xFFFFFD88;
	(pc) =	sbr.rel @p1 .LBB2_1-.Ltmp5, $4  }
0x146: {  	[hbm4b:s25+s21] =	stream.linear.scatter [tilespmem:s2], [sflag:$0xC], $0x278, $0x38;
	[tilespmem:$0x1C7F8] =	vst v63  }
0x147: {  	_ =	swait.ge [sflag:s29], $0x278  }
0x148: {  	[sflag:s29] =	ssyncset.done $0x0  }
0x149: {  	[sflag:s29] =	ssyncadd.s32 $0xFFFFFD88  }
0x14a: {  	_ =	sfence.sel $0x180000  }
0x14b: {  	[bflag:$0x0] =	sbarrier.arrive $0xFFFF  }
0x14c: {  	_ =	strace $0x90000047  }
0x14d: {  	s0 =	stileid.u32;
	[bflag:$0x2] =	sbarrier.arrive $0xFFFF  }
0x14e: {  	p0 =	sne.s32 s0, $0x0;
	s0 =	rddreg [dreg:$0x4]  }
0x14f: {  	s0 =	sadd.s32 @!p0 $0x100000, s0  }
0x150: {  	[sflag:s0] =	ssyncadd.tile.s32 @!p0 $0x1;
	_ =	shalt  }
.Lfunc_end2:
_tile_overlayer_lowered:
.L_overlay_start_2:
0x151: {  	(tag) =	ssettag $0x2  }
0x152: {  	s0 =	rddreg [dreg:$0x0];
	s2 =	stileid.u32  }
0x153: {  	s1 =	rddreg [dreg:$0x1];
	p0 =	sne.s32 s2, $0x0  }
0x154: {  	s3 =	rddreg [dreg:$0x2];
	[bflag:$0x3] =	sbarrier.arrive $0xFFFF;
	s2 =	simm.s32 @!p0 $0x1C0C  }
0x155: {  	[timem:s3], [sflag:s2] =	dma.local @!p0 [hbm:s0], s1  }
0x156: {  	s0 =	simm.s32 @!p0 $0xC  }
0x157: {  	_ =	swait.ge @!p0 [sflag:s0], s1  }
0x158: {  	s1 =	ssub.s32 @!p0 $0x0, s1;
	[sflag:s0] =	ssyncset.done @!p0 $0x0  }
0x159: {  	[sflag:s0] =	ssyncadd.s32 @!p0 s1  }
0x15a: {  	[bflag:$0x3] =	sbarrier.arrive $0xFFFF  }
0x15b: {  	_ =	shalt  }

</sc_bundles>
